<compile_context>
chip_gen: v7x
topology: tpu7x:2x2x1
jax: 0.10.2.dev20260603
libtpu: 0.0.44.dev20260713+nightly
codegen_flags: <defaults>
</compile_context>

<pallas_src>
import functools

import jax
import jax.numpy as jnp
from jax import lax
from jax.experimental import pallas as pl
from jax.experimental.pallas import tpu as pltpu
from jax.experimental.pallas import tpu_sc as plsc

B = 4096
L = 200
H = L // 2
D = 128
NW = 32
BPW = B // NW

_mesh = plsc.VectorSubcoreMesh(core_axis_name="c", subcore_axis_name="s")


@functools.partial(
    pl.kernel,
    out_type=jax.ShapeDtypeStruct((B, D * L), jnp.float32),
    mesh=_mesh,
    scratch_types=[
        pltpu.VMEM((BPW, 2, H), jnp.int32),
        pltpu.VMEM((H, D), jnp.float32),
        pltpu.VMEM((H, D), jnp.float32),
        pltpu.VMEM((D * L,), jnp.float32),
        pltpu.VMEM((D * L,), jnp.float32),
        pltpu.SemaphoreType.DMA,
        pltpu.SemaphoreType.DMA,
        pltpu.SemaphoreType.DMA,
        pltpu.SemaphoreType.DMA,
    ],
    compiler_params=pltpu.CompilerParams(needs_layout_passes=False),
)
def _emb_t(idx_hbm, tab_hbm, out_hbm, idx_v, rowsA, rowsB, out0, out1,
           sinA, sinB, sout0, sout1):
    wid = lax.axis_index("s") * 2 + lax.axis_index("c")
    base = wid * BPW
    pltpu.sync_copy(idx_hbm.at[pl.ds(base, BPW)], idx_v)

    lane = lax.iota(jnp.int32, 16)
    lane_l = lane * L

    def fire(lb, h, rows_v, sem):
        pltpu.async_copy(tab_hbm.at[idx_v.at[lb, h]], rows_v, sem)

    def wait(lb, h, rows_v, sem):
        pltpu.make_async_copy(tab_hbm.at[idx_v.at[lb, h]], rows_v,
                              sem).wait()

    def wait_out(lb, out_v, sem):
        pltpu.make_async_copy(out_v, out_hbm.at[base + lb], sem).wait()

    def transpose_half(rows_v, out_v, h):
        def l_body(lh, carry):
            off = h * H + lh
            base = pl.multiple_of(off & ~7, 8)
            idx = lane_l + (off - base)
            for dc in range(D // 16):
                x = rows_v[lh, pl.ds(dc * 16, 16)]
                dst = out_v.at[pl.ds(base + dc * 16 * L, 15 * L + 8)]
                plsc.store_scatter(dst, [idx], x)
            return carry
        lax.fori_loop(0, H, l_body, 0, unroll=5)

    def stage(g, lb, out_v, sout, nxt_lb, nxt_cond):
        wait(lb, 0, rowsA, sinA)
        fire(lb, 1, rowsB, sinB)

        @pl.when(g >= 1)
        def _():
            wait_out(lb - 2, out_v, sout)

        transpose_half(rowsA, out_v, 0)
        wait(lb, 1, rowsB, sinB)

        if nxt_cond is None:
            fire(nxt_lb, 0, rowsA, sinA)
        else:
            @pl.when(nxt_cond)
            def _():
                fire(nxt_lb, 0, rowsA, sinA)

        transpose_half(rowsB, out_v, 1)
        pltpu.async_copy(out_v, out_hbm.at[base + lb], sout)

    def pair_body(g, carry):
        lb0 = 2 * g
        lb1 = lb0 + 1
        stage(g, lb0, out0, sout0, lb1, None)
        stage(g, lb1, out1, sout1, lb1 + 1, g < BPW // 2 - 1)
        return carry

    fire(0, 0, rowsA, sinA)
    lax.fori_loop(0, BPW // 2, pair_body, 0)
    wait_out(BPW - 2, out0, sout0)
    wait_out(BPW - 1, out1, sout1)


def kernel(input, emb_weight):
    idx = input.astype(jnp.int32).reshape(B, 2, H)
    out = _emb_t(idx, emb_weight)
    return out.reshape(B, D, L)

# --- scband reference (transcript-rebuilt; emitter-appended) ---
"""Pipeline reference for scband-simple-emb-encoder-28286654611894 (READ-ONLY COPY).

The authoritative reference and input builder live on the scoring server;
editing this copy changes nothing except your own understanding.
"""

import jax, jax.numpy as jnp
import numpy as np


def setup_inputs(seed: int = 0) -> dict:
    key = jax.random.key(seed)
    k_idx, k_emb = jax.random.split(key)
    input_ids = jax.random.randint(k_idx, (4096, 200), 0, 100000, dtype=jnp.int64 if jax.config.read('jax_enable_x64') else jnp.int32)
    # nn.Embedding default init: N(0, 1)
    emb_weight = jax.random.normal(k_emb, (100000, 128), dtype=jnp.float32)
    return {"input": input_ids, "emb_weight": emb_weight}


def reference(input, emb_weight):
    # x = self.emb(input)  -> [B, L, ed]
    x = jnp.take(emb_weight, input, axis=0)
    # x = x.transpose(1, 2) -> [B, ed, L]
    x = jnp.transpose(x, (0, 2, 1))
    return x

if __name__ == "__main__":
    import jax
    _d = setup_inputs()
    print(jax.jit(kernel)(*tuple(_d.values())))

</pallas_src>

<mosaic_0001>
#map = affine_map<(d0, d1) -> (0, 0, 0)>
#map1 = affine_map<(d0, d1) -> (0, 0)>
module attributes {stable_mosaic.version = 14 : i64} {
  func.func @_emb_t(%arg0: i32, %arg1: i32, %arg2: memref<4096x2x100xi32, #tpu.memory_space<hbm>>, %arg3: memref<100000x128xf32, #tpu.memory_space<hbm>>, %arg4: memref<4096x25600xf32, #tpu.memory_space<hbm>>, %arg5: memref<128x2x100xi32, #tpu.memory_space<vmem>>, %arg6: memref<100x128xf32, #tpu.memory_space<vmem>>, %arg7: memref<100x128xf32, #tpu.memory_space<vmem>>, %arg8: memref<25600xf32, #tpu.memory_space<vmem>>, %arg9: memref<25600xf32, #tpu.memory_space<vmem>>, %arg10: memref<!tpu.dma_semaphore, #tpu.memory_space<semaphore_mem>>, %arg11: memref<!tpu.dma_semaphore, #tpu.memory_space<semaphore_mem>>, %arg12: memref<!tpu.dma_semaphore, #tpu.memory_space<semaphore_mem>>, %arg13: memref<!tpu.dma_semaphore, #tpu.memory_space<semaphore_mem>>) attributes {dimension_semantics = [#tpu.dimension_semantics<core_parallel>, #tpu.dimension_semantics<subcore_parallel>], iteration_bounds = array<i64: 2, 16>, scalar_prefetch = 0 : i64, scratch_operands = 9 : i64, tpu.core_type = #tpu.core_type<sc_vector_subcore>, window_params = [{transform_indices = #map}, {transform_indices = #map1}, {transform_indices = #map1}]} {
    %mul3A = arith.constant 2 : i32
    %mul3A_0 = arith.muli %arg1, %mul3A : i32
    %add3A = arith.addi %mul3A_0, %arg0 : i32
    %mul3A_1 = arith.constant 128 : i32
    %mul3A_2 = arith.muli %add3A, %mul3A_1 : i32
    "tpu.region"() ({
      %run_scoped3A = tpu.sem_alloc : memref<!tpu.dma_semaphore, #tpu.memory_space<semaphore_mem>>
      %dma_start3A_33 = arith.constant 0 : i32
      %dma_start3A_34 = arith.constant 0 : i32
      %dma_start3A_35 = tpu.memref_slice %arg2[%mul3A_2, %dma_start3A_33, %dma_start3A_34] : memref<4096x2x100xi32, #tpu.memory_space<hbm>> -> memref<128x2x100xi32, #tpu.memory_space<hbm>>
      %dma_start3A_36 = arith.constant 0 : i32
      %dma_start3A_37 = arith.constant 0 : i32
      %dma_start3A_38 = tpu.memref_slice %arg2[%mul3A_2, %dma_start3A_36, %dma_start3A_37] : memref<4096x2x100xi32, #tpu.memory_space<hbm>> -> memref<128x2x100xi32, #tpu.memory_space<hbm>>
      tpu.enqueue_dma source(%dma_start3A_38 : memref<128x2x100xi32, #tpu.memory_space<hbm>>) target(%arg5 : memref<128x2x100xi32, #tpu.memory_space<vmem>>) target_semaphore(%run_scoped3A : memref<!tpu.dma_semaphore, #tpu.memory_space<semaphore_mem>>)
      %dma_wait3A_39 = arith.constant 0 : i32
      %dma_wait3A_40 = arith.constant 0 : i32
      %dma_wait3A_41 = tpu.memref_slice %arg2[%mul3A_2, %dma_wait3A_39, %dma_wait3A_40] : memref<4096x2x100xi32, #tpu.memory_space<hbm>> -> memref<128x2x100xi32, #tpu.memory_space<hbm>>
      %dma_wait3A_42 = arith.constant 0 : i32
      %dma_wait3A_43 = arith.constant 0 : i32
      %dma_wait3A_44 = tpu.memref_slice %arg2[%mul3A_2, %dma_wait3A_42, %dma_wait3A_43] : memref<4096x2x100xi32, #tpu.memory_space<hbm>> -> memref<128x2x100xi32, #tpu.memory_space<hbm>>
      tpu.wait_dma2 semaphore(%run_scoped3A : memref<!tpu.dma_semaphore, #tpu.memory_space<semaphore_mem>>) src(%dma_wait3A_44 : memref<128x2x100xi32, #tpu.memory_space<hbm>>) dst(%arg5 : memref<128x2x100xi32, #tpu.memory_space<vmem>>)
      tpu.yield
    }) : () -> ()
    %iota3A = tpu.iota {dimensions = array<i32: 0>} : vector<16xi32>
    %mul3A_3 = arith.constant 200 : i32
    %mul3A_4 = vector.broadcast %mul3A_3 : i32 to vector<16xi32>
    %mul3A_5 = arith.muli %iota3A, %mul3A_4 : vector<16xi32>
    %dma_start3A = arith.constant 0 : i32
    %dma_start3A_6 = arith.constant 0 : i32
    %dma_start3A_7 = arith.constant 0 : i32
    %dma_start3A_8 = tpu.memref_slice %arg5[%dma_start3A, %dma_start3A_6, %dma_start3A_7] : memref<128x2x100xi32, #tpu.memory_space<vmem>> -> memref<1x1x100xi32, #tpu.memory_space<vmem>>
    %dma_start3A_9 = tpu.memref_squeeze %dma_start3A_8 : memref<1x1x100xi32, #tpu.memory_space<vmem>> -> memref<100xi32, #tpu.memory_space<vmem>>
    %dma_start3A_10 = arith.constant 0 : i32
    %dma_start3A_11 = arith.constant 0 : i32
    %dma_start3A_12 = tpu.memref_slice %arg3[%dma_start3A_10, %dma_start3A_11] : memref<100000x128xf32, #tpu.memory_space<hbm>> -> memref<100000x128xf32, #tpu.memory_space<hbm>>
    tpu.enqueue_indirect_dma source(%dma_start3A_12 : memref<100000x128xf32, #tpu.memory_space<hbm>>) target(%arg6 : memref<100x128xf32, #tpu.memory_space<vmem>>) offsets(%dma_start3A_9 : memref<100xi32, #tpu.memory_space<vmem>>) semaphore(%arg10 : memref<!tpu.dma_semaphore, #tpu.memory_space<semaphore_mem>>)
    %scan3A = arith.constant 0 : i32
    %scan3A_13 = arith.constant 0 : i32
    %scan3A_14 = arith.constant 64 : i32
    %scan3A_15 = arith.addi %scan3A_13, %scan3A_14 : i32
    %scan3A_16 = arith.constant 1 : i32
    scf.for %scan3A_33 = %scan3A_13 to %scan3A_15 step %scan3A_16  : i32 {
      %mul3A_34 = arith.constant 2 : i32
      %mul3A_35 = arith.muli %mul3A_34, %scan3A_33 : i32
      %add3A_36 = arith.constant 1 : i32
      %add3A_37 = arith.addi %mul3A_35, %add3A_36 : i32
      %dma_wait3A_38 = arith.constant 0 : i32
      %dma_wait3A_39 = arith.constant 0 : i32
      %dma_wait3A_40 = tpu.memref_slice %arg5[%mul3A_35, %dma_wait3A_38, %dma_wait3A_39] : memref<128x2x100xi32, #tpu.memory_space<vmem>> -> memref<1x1x100xi32, #tpu.memory_space<vmem>>
      %dma_wait3A_41 = tpu.memref_squeeze %dma_wait3A_40 : memref<1x1x100xi32, #tpu.memory_space<vmem>> -> memref<100xi32, #tpu.memory_space<vmem>>
      %dma_wait3A_42 = arith.constant 0 : i32
      %dma_wait3A_43 = arith.constant 0 : i32
      %dma_wait3A_44 = tpu.memref_slice %arg3[%dma_wait3A_42, %dma_wait3A_43] : memref<100000x128xf32, #tpu.memory_space<hbm>> -> memref<100000x128xf32, #tpu.memory_space<hbm>>
      tpu.wait_indirect_dma semaphore(%arg10 : memref<!tpu.dma_semaphore, #tpu.memory_space<semaphore_mem>>) src(%dma_wait3A_44 : memref<100000x128xf32, #tpu.memory_space<hbm>>) dst(%arg6 : memref<100x128xf32, #tpu.memory_space<vmem>>)
      %dma_start3A_45 = arith.constant 1 : i32
      %dma_start3A_46 = arith.constant 0 : i32
      %dma_start3A_47 = tpu.memref_slice %arg5[%mul3A_35, %dma_start3A_45, %dma_start3A_46] : memref<128x2x100xi32, #tpu.memory_space<vmem>> -> memref<1x1x100xi32, #tpu.memory_space<vmem>>
      %dma_start3A_48 = tpu.memref_squeeze %dma_start3A_47 : memref<1x1x100xi32, #tpu.memory_space<vmem>> -> memref<100xi32, #tpu.memory_space<vmem>>
      %dma_start3A_49 = arith.constant 0 : i32
      %dma_start3A_50 = arith.constant 0 : i32
      %dma_start3A_51 = tpu.memref_slice %arg3[%dma_start3A_49, %dma_start3A_50] : memref<100000x128xf32, #tpu.memory_space<hbm>> -> memref<100000x128xf32, #tpu.memory_space<hbm>>
      tpu.enqueue_indirect_dma source(%dma_start3A_51 : memref<100000x128xf32, #tpu.memory_space<hbm>>) target(%arg7 : memref<100x128xf32, #tpu.memory_space<vmem>>) offsets(%dma_start3A_48 : memref<100xi32, #tpu.memory_space<vmem>>) semaphore(%arg11 : memref<!tpu.dma_semaphore, #tpu.memory_space<semaphore_mem>>)
      %ge3A = arith.constant 1 : i32
      %ge3A_52 = arith.cmpi sge, %scan3A_33, %ge3A : i32
      %convert_element_type3A = arith.extui %ge3A_52 : i1 to i32
      %cond3A = arith.constant 0 : i32
      %cond3A_53 = arith.cmpi ne, %convert_element_type3A, %cond3A : i32
      scf.if %cond3A_53 {
        %sub3A = arith.constant 2 : i32
        %sub3A_138 = arith.subi %mul3A_35, %sub3A : i32
        %add3A_139 = arith.addi %mul3A_2, %sub3A_138 : i32
        %dma_wait3A_140 = arith.constant 0 : i32
        %dma_wait3A_141 = tpu.memref_slice %arg4[%add3A_139, %dma_wait3A_140] : memref<4096x25600xf32, #tpu.memory_space<hbm>> -> memref<1x25600xf32, #tpu.memory_space<hbm>>
        %dma_wait3A_142 = tpu.memref_squeeze %dma_wait3A_141 : memref<1x25600xf32, #tpu.memory_space<hbm>> -> memref<25600xf32, #tpu.memory_space<hbm>>
        %dma_wait3A_143 = arith.constant 0 : i32
        %dma_wait3A_144 = tpu.memref_slice %arg4[%add3A_139, %dma_wait3A_143] : memref<4096x25600xf32, #tpu.memory_space<hbm>> -> memref<1x25600xf32, #tpu.memory_space<hbm>>
        %dma_wait3A_145 = tpu.memref_squeeze %dma_wait3A_144 : memref<1x25600xf32, #tpu.memory_space<hbm>> -> memref<25600xf32, #tpu.memory_space<hbm>>
        tpu.wait_dma2 semaphore(%arg12 : memref<!tpu.dma_semaphore, #tpu.memory_space<semaphore_mem>>) src(%arg8 : memref<25600xf32, #tpu.memory_space<vmem>>) dst(%dma_wait3A_145 : memref<25600xf32, #tpu.memory_space<hbm>>)
      } else {
      }
      %scan3A_54 = arith.constant 0 : i32
      %scan3A_55 = arith.constant 0 : i32
      %scan3A_56 = arith.constant 100 : i32
      %scan3A_57 = arith.addi %scan3A_55, %scan3A_56 : i32
      %scan3A_58 = arith.constant 5 : i32
      scf.for %scan3A_138 = %scan3A_55 to %scan3A_57 step %scan3A_58  : i32 {
        %add3A_139 = arith.constant 0 : i32
        %add3A_140 = arith.addi %add3A_139, %scan3A_138 : i32
        %and3A = arith.constant -8 : i32
        %and3A_141 = arith.andi %add3A_140, %and3A : i32
        %multiple_of3A = tpu.assume_multiple %and3A_141, 8 : i32
        %sub3A = arith.subi %add3A_140, %multiple_of3A : i32
        %add3A_142 = vector.broadcast %sub3A : i32 to vector<16xi32>
        %add3A_143 = arith.addi %mul3A_5, %add3A_142 : vector<16xi32>
        %get3A = arith.index_cast %scan3A_138 : i32 to index
        %get3A_144 = arith.constant 0 : index
        %get3A_145 = tpu.vector_load %arg6[%get3A, %get3A_144] {strides = array<i32>} : memref<100x128xf32, #tpu.memory_space<vmem>>, vector<16xf32>,
        %add3A_146 = arith.constant 0 : i32
        %add3A_147 = arith.addi %multiple_of3A, %add3A_146 : i32
        %scatter3A = tpu.memref_slice %arg8[%add3A_147] : memref<25600xf32, #tpu.memory_space<vmem>> -> memref<3008xf32, #tpu.memory_space<vmem>>
        tpu.vector_store_idx %scatter3A[%add3A_143], %get3A_145 : memref<3008xf32, #tpu.memory_space<vmem>>[vector<16xi32>], vector<16xf32>,
        %get3A_148 = arith.index_cast %scan3A_138 : i32 to index
        %get3A_149 = arith.constant 16 : index
        %get3A_150 = tpu.vector_load %arg6[%get3A_148, %get3A_149] {strides = array<i32>} : memref<100x128xf32, #tpu.memory_space<vmem>>, vector<16xf32>,
        %add3A_151 = arith.constant 3200 : i32
        %add3A_152 = arith.addi %multiple_of3A, %add3A_151 : i32
        %scatter3A_153 = tpu.memref_slice %arg8[%add3A_152] : memref<25600xf32, #tpu.memory_space<vmem>> -> memref<3008xf32, #tpu.memory_space<vmem>>
        tpu.vector_store_idx %scatter3A_153[%add3A_143], %get3A_150 : memref<3008xf32, #tpu.memory_space<vmem>>[vector<16xi32>], vector<16xf32>,
        %get3A_154 = arith.index_cast %scan3A_138 : i32 to index
        %get3A_155 = arith.constant 32 : index
        %get3A_156 = tpu.vector_load %arg6[%get3A_154, %get3A_155] {strides = array<i32>} : memref<100x128xf32, #tpu.memory_space<vmem>>, vector<16xf32>,
        %add3A_157 = arith.constant 6400 : i32
        %add3A_158 = arith.addi %multiple_of3A, %add3A_157 : i32
        %scatter3A_159 = tpu.memref_slice %arg8[%add3A_158] : memref<25600xf32, #tpu.memory_space<vmem>> -> memref<3008xf32, #tpu.memory_space<vmem>>
        tpu.vector_store_idx %scatter3A_159[%add3A_143], %get3A_156 : memref<3008xf32, #tpu.memory_space<vmem>>[vector<16xi32>], vector<16xf32>,
        %get3A_160 = arith.index_cast %scan3A_138 : i32 to index
        %get3A_161 = arith.constant 48 : index
        %get3A_162 = tpu.vector_load %arg6[%get3A_160, %get3A_161] {strides = array<i32>} : memref<100x128xf32, #tpu.memory_space<vmem>>, vector<16xf32>,
        %add3A_163 = arith.constant 9600 : i32
        %add3A_164 = arith.addi %multiple_of3A, %add3A_163 : i32
        %scatter3A_165 = tpu.memref_slice %arg8[%add3A_164] : memref<25600xf32, #tpu.memory_space<vmem>> -> memref<3008xf32, #tpu.memory_space<vmem>>
        tpu.vector_store_idx %scatter3A_165[%add3A_143], %get3A_162 : memref<3008xf32, #tpu.memory_space<vmem>>[vector<16xi32>], vector<16xf32>,
        %get3A_166 = arith.index_cast %scan3A_138 : i32 to index
        %get3A_167 = arith.constant 64 : index
        %get3A_168 = tpu.vector_load %arg6[%get3A_166, %get3A_167] {strides = array<i32>} : memref<100x128xf32, #tpu.memory_space<vmem>>, vector<16xf32>,
        %add3A_169 = arith.constant 12800 : i32
        %add3A_170 = arith.addi %multiple_of3A, %add3A_169 : i32
        %scatter3A_171 = tpu.memref_slice %arg8[%add3A_170] : memref<25600xf32, #tpu.memory_space<vmem>> -> memref<3008xf32, #tpu.memory_space<vmem>>
        tpu.vector_store_idx %scatter3A_171[%add3A_143], %get3A_168 : memref<3008xf32, #tpu.memory_space<vmem>>[vector<16xi32>], vector<16xf32>,
        %get3A_172 = arith.index_cast %scan3A_138 : i32 to index
        %get3A_173 = arith.constant 80 : index
        %get3A_174 = tpu.vector_load %arg6[%get3A_172, %get3A_173] {strides = array<i32>} : memref<100x128xf32, #tpu.memory_space<vmem>>, vector<16xf32>,
        %add3A_175 = arith.constant 16000 : i32
        %add3A_176 = arith.addi %multiple_of3A, %add3A_175 : i32
        %scatter3A_177 = tpu.memref_slice %arg8[%add3A_176] : memref<25600xf32, #tpu.memory_space<vmem>> -> memref<3008xf32, #tpu.memory_space<vmem>>
        tpu.vector_store_idx %scatter3A_177[%add3A_143], %get3A_174 : memref<3008xf32, #tpu.memory_space<vmem>>[vector<16xi32>], vector<16xf32>,
        %get3A_178 = arith.index_cast %scan3A_138 : i32 to index
        %get3A_179 = arith.constant 96 : index
        %get3A_180 = tpu.vector_load %arg6[%get3A_178, %get3A_179] {strides = array<i32>} : memref<100x128xf32, #tpu.memory_space<vmem>>, vector<16xf32>,
        %add3A_181 = arith.constant 19200 : i32
        %add3A_182 = arith.addi %multiple_of3A, %add3A_181 : i32
        %scatter3A_183 = tpu.memref_slice %arg8[%add3A_182] : memref<25600xf32, #tpu.memory_space<vmem>> -> memref<3008xf32, #tpu.memory_space<vmem>>
        tpu.vector_store_idx %scatter3A_183[%add3A_143], %get3A_180 : memref<3008xf32, #tpu.memory_space<vmem>>[vector<16xi32>], vector<16xf32>,
        %get3A_184 = arith.index_cast %scan3A_138 : i32 to index
        %get3A_185 = arith.constant 112 : index
        %get3A_186 = tpu.vector_load %arg6[%get3A_184, %get3A_185] {strides = array<i32>} : memref<100x128xf32, #tpu.memory_space<vmem>>, vector<16xf32>,
        %add3A_187 = arith.constant 22400 : i32
        %add3A_188 = arith.addi %multiple_of3A, %add3A_187 : i32
        %scatter3A_189 = tpu.memref_slice %arg8[%add3A_188] : memref<25600xf32, #tpu.memory_space<vmem>> -> memref<3008xf32, #tpu.memory_space<vmem>>
        tpu.vector_store_idx %scatter3A_189[%add3A_143], %get3A_186 : memref<3008xf32, #tpu.memory_space<vmem>>[vector<16xi32>], vector<16xf32>,
        %scan3A_190 = arith.constant 1 : i32
        %scan3A_191 = arith.addi %scan3A_138, %scan3A_190 : i32
        %add3A_192 = arith.constant 0 : i32
        %add3A_193 = arith.addi %add3A_192, %scan3A_191 : i32
        %and3A_194 = arith.constant -8 : i32
        %and3A_195 = arith.andi %add3A_193, %and3A_194 : i32
        %multiple_of3A_196 = tpu.assume_multiple %and3A_195, 8 : i32
        %sub3A_197 = arith.subi %add3A_193, %multiple_of3A_196 : i32
        %add3A_198 = vector.broadcast %sub3A_197 : i32 to vector<16xi32>
        %add3A_199 = arith.addi %mul3A_5, %add3A_198 : vector<16xi32>
        %get3A_200 = arith.index_cast %scan3A_191 : i32 to index
        %get3A_201 = arith.constant 0 : index
        %get3A_202 = tpu.vector_load %arg6[%get3A_200, %get3A_201] {strides = array<i32>} : memref<100x128xf32, #tpu.memory_space<vmem>>, vector<16xf32>,
        %add3A_203 = arith.constant 0 : i32
        %add3A_204 = arith.addi %multiple_of3A_196, %add3A_203 : i32
        %scatter3A_205 = tpu.memref_slice %arg8[%add3A_204] : memref<25600xf32, #tpu.memory_space<vmem>> -> memref<3008xf32, #tpu.memory_space<vmem>>
        tpu.vector_store_idx %scatter3A_205[%add3A_199], %get3A_202 : memref<3008xf32, #tpu.memory_space<vmem>>[vector<16xi32>], vector<16xf32>,
        %get3A_206 = arith.index_cast %scan3A_191 : i32 to index
        %get3A_207 = arith.constant 16 : index
        %get3A_208 = tpu.vector_load %arg6[%get3A_206, %get3A_207] {strides = array<i32>} : memref<100x128xf32, #tpu.memory_space<vmem>>, vector<16xf32>,
        %add3A_209 = arith.constant 3200 : i32
        %add3A_210 = arith.addi %multiple_of3A_196, %add3A_209 : i32
        %scatter3A_211 = tpu.memref_slice %arg8[%add3A_210] : memref<25600xf32, #tpu.memory_space<vmem>> -> memref<3008xf32, #tpu.memory_space<vmem>>
        tpu.vector_store_idx %scatter3A_211[%add3A_199], %get3A_208 : memref<3008xf32, #tpu.memory_space<vmem>>[vector<16xi32>], vector<16xf32>,
        %get3A_212 = arith.index_cast %scan3A_191 : i32 to index
        %get3A_213 = arith.constant 32 : index
        %get3A_214 = tpu.vector_load %arg6[%get3A_212, %get3A_213] {strides = array<i32>} : memref<100x128xf32, #tpu.memory_space<vmem>>, vector<16xf32>,
        %add3A_215 = arith.constant 6400 : i32
        %add3A_216 = arith.addi %multiple_of3A_196, %add3A_215 : i32
        %scatter3A_217 = tpu.memref_slice %arg8[%add3A_216] : memref<25600xf32, #tpu.memory_space<vmem>> -> memref<3008xf32, #tpu.memory_space<vmem>>
        tpu.vector_store_idx %scatter3A_217[%add3A_199], %get3A_214 : memref<3008xf32, #tpu.memory_space<vmem>>[vector<16xi32>], vector<16xf32>,
        %get3A_218 = arith.index_cast %scan3A_191 : i32 to index
        %get3A_219 = arith.constant 48 : index
        %get3A_220 = tpu.vector_load %arg6[%get3A_218, %get3A_219] {strides = array<i32>} : memref<100x128xf32, #tpu.memory_space<vmem>>, vector<16xf32>,
        %add3A_221 = arith.constant 9600 : i32
        %add3A_222 = arith.addi %multiple_of3A_196, %add3A_221 : i32
        %scatter3A_223 = tpu.memref_slice %arg8[%add3A_222] : memref<25600xf32, #tpu.memory_space<vmem>> -> memref<3008xf32, #tpu.memory_space<vmem>>
        tpu.vector_store_idx %scatter3A_223[%add3A_199], %get3A_220 : memref<3008xf32, #tpu.memory_space<vmem>>[vector<16xi32>], vector<16xf32>,
        %get3A_224 = arith.index_cast %scan3A_191 : i32 to index
        %get3A_225 = arith.constant 64 : index
        %get3A_226 = tpu.vector_load %arg6[%get3A_224, %get3A_225] {strides = array<i32>} : memref<100x128xf32, #tpu.memory_space<vmem>>, vector<16xf32>,
        %add3A_227 = arith.constant 12800 : i32
        %add3A_228 = arith.addi %multiple_of3A_196, %add3A_227 : i32
        %scatter3A_229 = tpu.memref_slice %arg8[%add3A_228] : memref<25600xf32, #tpu.memory_space<vmem>> -> memref<3008xf32, #tpu.memory_space<vmem>>
        tpu.vector_store_idx %scatter3A_229[%add3A_199], %get3A_226 : memref<3008xf32, #tpu.memory_space<vmem>>[vector<16xi32>], vector<16xf32>,
        %get3A_230 = arith.index_cast %scan3A_191 : i32 to index
        %get3A_231 = arith.constant 80 : index
        %get3A_232 = tpu.vector_load %arg6[%get3A_230, %get3A_231] {strides = array<i32>} : memref<100x128xf32, #tpu.memory_space<vmem>>, vector<16xf32>,
        %add3A_233 = arith.constant 16000 : i32
        %add3A_234 = arith.addi %multiple_of3A_196, %add3A_233 : i32
        %scatter3A_235 = tpu.memref_slice %arg8[%add3A_234] : memref<25600xf32, #tpu.memory_space<vmem>> -> memref<3008xf32, #tpu.memory_space<vmem>>
        tpu.vector_store_idx %scatter3A_235[%add3A_199], %get3A_232 : memref<3008xf32, #tpu.memory_space<vmem>>[vector<16xi32>], vector<16xf32>,
        %get3A_236 = arith.index_cast %scan3A_191 : i32 to index
        %get3A_237 = arith.constant 96 : index
        %get3A_238 = tpu.vector_load %arg6[%get3A_236, %get3A_237] {strides = array<i32>} : memref<100x128xf32, #tpu.memory_space<vmem>>, vector<16xf32>,
        %add3A_239 = arith.constant 19200 : i32
        %add3A_240 = arith.addi %multiple_of3A_196, %add3A_239 : i32
        %scatter3A_241 = tpu.memref_slice %arg8[%add3A_240] : memref<25600xf32, #tpu.memory_space<vmem>> -> memref<3008xf32, #tpu.memory_space<vmem>>
        tpu.vector_store_idx %scatter3A_241[%add3A_199], %get3A_238 : memref<3008xf32, #tpu.memory_space<vmem>>[vector<16xi32>], vector<16xf32>,
        %get3A_242 = arith.index_cast %scan3A_191 : i32 to index
        %get3A_243 = arith.constant 112 : index
        %get3A_244 = tpu.vector_load %arg6[%get3A_242, %get3A_243] {strides = array<i32>} : memref<100x128xf32, #tpu.memory_space<vmem>>, vector<16xf32>,
        %add3A_245 = arith.constant 22400 : i32
        %add3A_246 = arith.addi %multiple_of3A_196, %add3A_245 : i32
        %scatter3A_247 = tpu.memref_slice %arg8[%add3A_246] : memref<25600xf32, #tpu.memory_space<vmem>> -> memref<3008xf32, #tpu.memory_space<vmem>>
        tpu.vector_store_idx %scatter3A_247[%add3A_199], %get3A_244 : memref<3008xf32, #tpu.memory_space<vmem>>[vector<16xi32>], vector<16xf32>,
        %scan3A_248 = arith.constant 2 : i32
        %scan3A_249 = arith.addi %scan3A_138, %scan3A_248 : i32
        %add3A_250 = arith.constant 0 : i32
        %add3A_251 = arith.addi %add3A_250, %scan3A_249 : i32
        %and3A_252 = arith.constant -8 : i32
        %and3A_253 = arith.andi %add3A_251, %and3A_252 : i32
        %multiple_of3A_254 = tpu.assume_multiple %and3A_253, 8 : i32
        %sub3A_255 = arith.subi %add3A_251, %multiple_of3A_254 : i32
        %add3A_256 = vector.broadcast %sub3A_255 : i32 to vector<16xi32>
        %add3A_257 = arith.addi %mul3A_5, %add3A_256 : vector<16xi32>
        %get3A_258 = arith.index_cast %scan3A_249 : i32 to index
        %get3A_259 = arith.constant 0 : index
        %get3A_260 = tpu.vector_load %arg6[%get3A_258, %get3A_259] {strides = array<i32>} : memref<100x128xf32, #tpu.memory_space<vmem>>, vector<16xf32>,
        %add3A_261 = arith.constant 0 : i32
        %add3A_262 = arith.addi %multiple_of3A_254, %add3A_261 : i32
        %scatter3A_263 = tpu.memref_slice %arg8[%add3A_262] : memref<25600xf32, #tpu.memory_space<vmem>> -> memref<3008xf32, #tpu.memory_space<vmem>>
        tpu.vector_store_idx %scatter3A_263[%add3A_257], %get3A_260 : memref<3008xf32, #tpu.memory_space<vmem>>[vector<16xi32>], vector<16xf32>,
        %get3A_264 = arith.index_cast %scan3A_249 : i32 to index
        %get3A_265 = arith.constant 16 : index
        %get3A_266 = tpu.vector_load %arg6[%get3A_264, %get3A_265] {strides = array<i32>} : memref<100x128xf32, #tpu.memory_space<vmem>>, vector<16xf32>,
        %add3A_267 = arith.constant 3200 : i32
        %add3A_268 = arith.addi %multiple_of3A_254, %add3A_267 : i32
        %scatter3A_269 = tpu.memref_slice %arg8[%add3A_268] : memref<25600xf32, #tpu.memory_space<vmem>> -> memref<3008xf32, #tpu.memory_space<vmem>>
        tpu.vector_store_idx %scatter3A_269[%add3A_257], %get3A_266 : memref<3008xf32, #tpu.memory_space<vmem>>[vector<16xi32>], vector<16xf32>,
        %get3A_270 = arith.index_cast %scan3A_249 : i32 to index
        %get3A_271 = arith.constant 32 : index
        %get3A_272 = tpu.vector_load %arg6[%get3A_270, %get3A_271] {strides = array<i32>} : memref<100x128xf32, #tpu.memory_space<vmem>>, vector<16xf32>,
        %add3A_273 = arith.constant 6400 : i32
        %add3A_274 = arith.addi %multiple_of3A_254, %add3A_273 : i32
        %scatter3A_275 = tpu.memref_slice %arg8[%add3A_274] : memref<25600xf32, #tpu.memory_space<vmem>> -> memref<3008xf32, #tpu.memory_space<vmem>>
        tpu.vector_store_idx %scatter3A_275[%add3A_257], %get3A_272 : memref<3008xf32, #tpu.memory_space<vmem>>[vector<16xi32>], vector<16xf32>,
        %get3A_276 = arith.index_cast %scan3A_249 : i32 to index
        %get3A_277 = arith.constant 48 : index
        %get3A_278 = tpu.vector_load %arg6[%get3A_276, %get3A_277] {strides = array<i32>} : memref<100x128xf32, #tpu.memory_space<vmem>>, vector<16xf32>,
        %add3A_279 = arith.constant 9600 : i32
        %add3A_280 = arith.addi %multiple_of3A_254, %add3A_279 : i32
        %scatter3A_281 = tpu.memref_slice %arg8[%add3A_280] : memref<25600xf32, #tpu.memory_space<vmem>> -> memref<3008xf32, #tpu.memory_space<vmem>>
        tpu.vector_store_idx %scatter3A_281[%add3A_257], %get3A_278 : memref<3008xf32, #tpu.memory_space<vmem>>[vector<16xi32>], vector<16xf32>,
        %get3A_282 = arith.index_cast %scan3A_249 : i32 to index
        %get3A_283 = arith.constant 64 : index
        %get3A_284 = tpu.vector_load %arg6[%get3A_282, %get3A_283] {strides = array<i32>} : memref<100x128xf32, #tpu.memory_space<vmem>>, vector<16xf32>,
        %add3A_285 = arith.constant 12800 : i32
        %add3A_286 = arith.addi %multiple_of3A_254, %add3A_285 : i32
        %scatter3A_287 = tpu.memref_slice %arg8[%add3A_286] : memref<25600xf32, #tpu.memory_space<vmem>> -> memref<3008xf32, #tpu.memory_space<vmem>>
        tpu.vector_store_idx %scatter3A_287[%add3A_257], %get3A_284 : memref<3008xf32, #tpu.memory_space<vmem>>[vector<16xi32>], vector<16xf32>,
        %get3A_288 = arith.index_cast %scan3A_249 : i32 to index
        %get3A_289 = arith.constant 80 : index
        %get3A_290 = tpu.vector_load %arg6[%get3A_288, %get3A_289] {strides = array<i32>} : memref<100x128xf32, #tpu.memory_space<vmem>>, vector<16xf32>,
        %add3A_291 = arith.constant 16000 : i32
        %add3A_292 = arith.addi %multiple_of3A_254, %add3A_291 : i32
        %scatter3A_293 = tpu.memref_slice %arg8[%add3A_292] : memref<25600xf32, #tpu.memory_space<vmem>> -> memref<3008xf32, #tpu.memory_space<vmem>>
        tpu.vector_store_idx %scatter3A_293[%add3A_257], %get3A_290 : memref<3008xf32, #tpu.memory_space<vmem>>[vector<16xi32>], vector<16xf32>,
        %get3A_294 = arith.index_cast %scan3A_249 : i32 to index
        %get3A_295 = arith.constant 96 : index
        %get3A_296 = tpu.vector_load %arg6[%get3A_294, %get3A_295] {strides = array<i32>} : memref<100x128xf32, #tpu.memory_space<vmem>>, vector<16xf32>,
        %add3A_297 = arith.constant 19200 : i32
        %add3A_298 = arith.addi %multiple_of3A_254, %add3A_297 : i32
        %scatter3A_299 = tpu.memref_slice %arg8[%add3A_298] : memref<25600xf32, #tpu.memory_space<vmem>> -> memref<3008xf32, #tpu.memory_space<vmem>>
        tpu.vector_store_idx %scatter3A_299[%add3A_257], %get3A_296 : memref<3008xf32, #tpu.memory_space<vmem>>[vector<16xi32>], vector<16xf32>,
        %get3A_300 = arith.index_cast %scan3A_249 : i32 to index
        %get3A_301 = arith.constant 112 : index
        %get3A_302 = tpu.vector_load %arg6[%get3A_300, %get3A_301] {strides = array<i32>} : memref<100x128xf32, #tpu.memory_space<vmem>>, vector<16xf32>,
        %add3A_303 = arith.constant 22400 : i32
        %add3A_304 = arith.addi %multiple_of3A_254, %add3A_303 : i32
        %scatter3A_305 = tpu.memref_slice %arg8[%add3A_304] : memref<25600xf32, #tpu.memory_space<vmem>> -> memref<3008xf32, #tpu.memory_space<vmem>>
        tpu.vector_store_idx %scatter3A_305[%add3A_257], %get3A_302 : memref<3008xf32, #tpu.memory_space<vmem>>[vector<16xi32>], vector<16xf32>,
        %scan3A_306 = arith.constant 3 : i32
        %scan3A_307 = arith.addi %scan3A_138, %scan3A_306 : i32
        %add3A_308 = arith.constant 0 : i32
        %add3A_309 = arith.addi %add3A_308, %scan3A_307 : i32
        %and3A_310 = arith.constant -8 : i32
        %and3A_311 = arith.andi %add3A_309, %and3A_310 : i32
        %multiple_of3A_312 = tpu.assume_multiple %and3A_311, 8 : i32
        %sub3A_313 = arith.subi %add3A_309, %multiple_of3A_312 : i32
        %add3A_314 = vector.broadcast %sub3A_313 : i32 to vector<16xi32>
        %add3A_315 = arith.addi %mul3A_5, %add3A_314 : vector<16xi32>
        %get3A_316 = arith.index_cast %scan3A_307 : i32 to index
        %get3A_317 = arith.constant 0 : index
        %get3A_318 = tpu.vector_load %arg6[%get3A_316, %get3A_317] {strides = array<i32>} : memref<100x128xf32, #tpu.memory_space<vmem>>, vector<16xf32>,
        %add3A_319 = arith.constant 0 : i32
        %add3A_320 = arith.addi %multiple_of3A_312, %add3A_319 : i32
        %scatter3A_321 = tpu.memref_slice %arg8[%add3A_320] : memref<25600xf32, #tpu.memory_space<vmem>> -> memref<3008xf32, #tpu.memory_space<vmem>>
        tpu.vector_store_idx %scatter3A_321[%add3A_315], %get3A_318 : memref<3008xf32, #tpu.memory_space<vmem>>[vector<16xi32>], vector<16xf32>,
        %get3A_322 = arith.index_cast %scan3A_307 : i32 to index
        %get3A_323 = arith.constant 16 : index
        %get3A_324 = tpu.vector_load %arg6[%get3A_322, %get3A_323] {strides = array<i32>} : memref<100x128xf32, #tpu.memory_space<vmem>>, vector<16xf32>,
        %add3A_325 = arith.constant 3200 : i32
        %add3A_326 = arith.addi %multiple_of3A_312, %add3A_325 : i32
        %scatter3A_327 = tpu.memref_slice %arg8[%add3A_326] : memref<25600xf32, #tpu.memory_space<vmem>> -> memref<3008xf32, #tpu.memory_space<vmem>>
        tpu.vector_store_idx %scatter3A_327[%add3A_315], %get3A_324 : memref<3008xf32, #tpu.memory_space<vmem>>[vector<16xi32>], vector<16xf32>,
        %get3A_328 = arith.index_cast %scan3A_307 : i32 to index
        %get3A_329 = arith.constant 32 : index
        %get3A_330 = tpu.vector_load %arg6[%get3A_328, %get3A_329] {strides = array<i32>} : memref<100x128xf32, #tpu.memory_space<vmem>>, vector<16xf32>,
        %add3A_331 = arith.constant 6400 : i32
        %add3A_332 = arith.addi %multiple_of3A_312, %add3A_331 : i32
        %scatter3A_333 = tpu.memref_slice %arg8[%add3A_332] : memref<25600xf32, #tpu.memory_space<vmem>> -> memref<3008xf32, #tpu.memory_space<vmem>>
        tpu.vector_store_idx %scatter3A_333[%add3A_315], %get3A_330 : memref<3008xf32, #tpu.memory_space<vmem>>[vector<16xi32>], vector<16xf32>,
        %get3A_334 = arith.index_cast %scan3A_307 : i32 to index
        %get3A_335 = arith.constant 48 : index
        %get3A_336 = tpu.vector_load %arg6[%get3A_334, %get3A_335] {strides = array<i32>} : memref<100x128xf32, #tpu.memory_space<vmem>>, vector<16xf32>,
        %add3A_337 = arith.constant 9600 : i32
        %add3A_338 = arith.addi %multiple_of3A_312, %add3A_337 : i32
        %scatter3A_339 = tpu.memref_slice %arg8[%add3A_338] : memref<25600xf32, #tpu.memory_space<vmem>> -> memref<3008xf32, #tpu.memory_space<vmem>>
        tpu.vector_store_idx %scatter3A_339[%add3A_315], %get3A_336 : memref<3008xf32, #tpu.memory_space<vmem>>[vector<16xi32>], vector<16xf32>,
        %get3A_340 = arith.index_cast %scan3A_307 : i32 to index
        %get3A_341 = arith.constant 64 : index
        %get3A_342 = tpu.vector_load %arg6[%get3A_340, %get3A_341] {strides = array<i32>} : memref<100x128xf32, #tpu.memory_space<vmem>>, vector<16xf32>,
        %add3A_343 = arith.constant 12800 : i32
        %add3A_344 = arith.addi %multiple_of3A_312, %add3A_343 : i32
        %scatter3A_345 = tpu.memref_slice %arg8[%add3A_344] : memref<25600xf32, #tpu.memory_space<vmem>> -> memref<3008xf32, #tpu.memory_space<vmem>>
        tpu.vector_store_idx %scatter3A_345[%add3A_315], %get3A_342 : memref<3008xf32, #tpu.memory_space<vmem>>[vector<16xi32>], vector<16xf32>,
        %get3A_346 = arith.index_cast %scan3A_307 : i32 to index
        %get3A_347 = arith.constant 80 : index
        %get3A_348 = tpu.vector_load %arg6[%get3A_346, %get3A_347] {strides = array<i32>} : memref<100x128xf32, #tpu.memory_space<vmem>>, vector<16xf32>,
        %add3A_349 = arith.constant 16000 : i32
        %add3A_350 = arith.addi %multiple_of3A_312, %add3A_349 : i32
        %scatter3A_351 = tpu.memref_slice %arg8[%add3A_350] : memref<25600xf32, #tpu.memory_space<vmem>> -> memref<3008xf32, #tpu.memory_space<vmem>>
        tpu.vector_store_idx %scatter3A_351[%add3A_315], %get3A_348 : memref<3008xf32, #tpu.memory_space<vmem>>[vector<16xi32>], vector<16xf32>,
        %get3A_352 = arith.index_cast %scan3A_307 : i32 to index
        %get3A_353 = arith.constant 96 : index
        %get3A_354 = tpu.vector_load %arg6[%get3A_352, %get3A_353] {strides = array<i32>} : memref<100x128xf32, #tpu.memory_space<vmem>>, vector<16xf32>,
        %add3A_355 = arith.constant 19200 : i32
        %add3A_356 = arith.addi %multiple_of3A_312, %add3A_355 : i32
        %scatter3A_357 = tpu.memref_slice %arg8[%add3A_356] : memref<25600xf32, #tpu.memory_space<vmem>> -> memref<3008xf32, #tpu.memory_space<vmem>>
        tpu.vector_store_idx %scatter3A_357[%add3A_315], %get3A_354 : memref<3008xf32, #tpu.memory_space<vmem>>[vector<16xi32>], vector<16xf32>,
        %get3A_358 = arith.index_cast %scan3A_307 : i32 to index
        %get3A_359 = arith.constant 112 : index
        %get3A_360 = tpu.vector_load %arg6[%get3A_358, %get3A_359] {strides = array<i32>} : memref<100x128xf32, #tpu.memory_space<vmem>>, vector<16xf32>,
        %add3A_361 = arith.constant 22400 : i32
        %add3A_362 = arith.addi %multiple_of3A_312, %add3A_361 : i32
        %scatter3A_363 = tpu.memref_slice %arg8[%add3A_362] : memref<25600xf32, #tpu.memory_space<vmem>> -> memref<3008xf32, #tpu.memory_space<vmem>>
        tpu.vector_store_idx %scatter3A_363[%add3A_315], %get3A_360 : memref<3008xf32, #tpu.memory_space<vmem>>[vector<16xi32>], vector<16xf32>,
        %scan3A_364 = arith.constant 4 : i32
        %scan3A_365 = arith.addi %scan3A_138, %scan3A_364 : i32
        %add3A_366 = arith.constant 0 : i32
        %add3A_367 = arith.addi %add3A_366, %scan3A_365 : i32
        %and3A_368 = arith.constant -8 : i32
        %and3A_369 = arith.andi %add3A_367, %and3A_368 : i32
        %multiple_of3A_370 = tpu.assume_multiple %and3A_369, 8 : i32
        %sub3A_371 = arith.subi %add3A_367, %multiple_of3A_370 : i32
        %add3A_372 = vector.broadcast %sub3A_371 : i32 to vector<16xi32>
        %add3A_373 = arith.addi %mul3A_5, %add3A_372 : vector<16xi32>
        %get3A_374 = arith.index_cast %scan3A_365 : i32 to index
        %get3A_375 = arith.constant 0 : index
        %get3A_376 = tpu.vector_load %arg6[%get3A_374, %get3A_375] {strides = array<i32>} : memref<100x128xf32, #tpu.memory_space<vmem>>, vector<16xf32>,
        %add3A_377 = arith.constant 0 : i32
        %add3A_378 = arith.addi %multiple_of3A_370, %add3A_377 : i32
        %scatter3A_379 = tpu.memref_slice %arg8[%add3A_378] : memref<25600xf32, #tpu.memory_space<vmem>> -> memref<3008xf32, #tpu.memory_space<vmem>>
        tpu.vector_store_idx %scatter3A_379[%add3A_373], %get3A_376 : memref<3008xf32, #tpu.memory_space<vmem>>[vector<16xi32>], vector<16xf32>,
        %get3A_380 = arith.index_cast %scan3A_365 : i32 to index
        %get3A_381 = arith.constant 16 : index
        %get3A_382 = tpu.vector_load %arg6[%get3A_380, %get3A_381] {strides = array<i32>} : memref<100x128xf32, #tpu.memory_space<vmem>>, vector<16xf32>,
        %add3A_383 = arith.constant 3200 : i32
        %add3A_384 = arith.addi %multiple_of3A_370, %add3A_383 : i32
        %scatter3A_385 = tpu.memref_slice %arg8[%add3A_384] : memref<25600xf32, #tpu.memory_space<vmem>> -> memref<3008xf32, #tpu.memory_space<vmem>>
        tpu.vector_store_idx %scatter3A_385[%add3A_373], %get3A_382 : memref<3008xf32, #tpu.memory_space<vmem>>[vector<16xi32>], vector<16xf32>,
        %get3A_386 = arith.index_cast %scan3A_365 : i32 to index
        %get3A_387 = arith.constant 32 : index
        %get3A_388 = tpu.vector_load %arg6[%get3A_386, %get3A_387] {strides = array<i32>} : memref<100x128xf32, #tpu.memory_space<vmem>>, vector<16xf32>,
        %add3A_389 = arith.constant 6400 : i32
        %add3A_390 = arith.addi %multiple_of3A_370, %add3A_389 : i32
        %scatter3A_391 = tpu.memref_slice %arg8[%add3A_390] : memref<25600xf32, #tpu.memory_space<vmem>> -> memref<3008xf32, #tpu.memory_space<vmem>>
        tpu.vector_store_idx %scatter3A_391[%add3A_373], %get3A_388 : memref<3008xf32, #tpu.memory_space<vmem>>[vector<16xi32>], vector<16xf32>,
        %get3A_392 = arith.index_cast %scan3A_365 : i32 to index
        %get3A_393 = arith.constant 48 : index
        %get3A_394 = tpu.vector_load %arg6[%get3A_392, %get3A_393] {strides = array<i32>} : memref<100x128xf32, #tpu.memory_space<vmem>>, vector<16xf32>,
        %add3A_395 = arith.constant 9600 : i32
        %add3A_396 = arith.addi %multiple_of3A_370, %add3A_395 : i32
        %scatter3A_397 = tpu.memref_slice %arg8[%add3A_396] : memref<25600xf32, #tpu.memory_space<vmem>> -> memref<3008xf32, #tpu.memory_space<vmem>>
        tpu.vector_store_idx %scatter3A_397[%add3A_373], %get3A_394 : memref<3008xf32, #tpu.memory_space<vmem>>[vector<16xi32>], vector<16xf32>,
        %get3A_398 = arith.index_cast %scan3A_365 : i32 to index
        %get3A_399 = arith.constant 64 : index
        %get3A_400 = tpu.vector_load %arg6[%get3A_398, %get3A_399] {strides = array<i32>} : memref<100x128xf32, #tpu.memory_space<vmem>>, vector<16xf32>,
        %add3A_401 = arith.constant 12800 : i32
        %add3A_402 = arith.addi %multiple_of3A_370, %add3A_401 : i32
        %scatter3A_403 = tpu.memref_slice %arg8[%add3A_402] : memref<25600xf32, #tpu.memory_space<vmem>> -> memref<3008xf32, #tpu.memory_space<vmem>>
        tpu.vector_store_idx %scatter3A_403[%add3A_373], %get3A_400 : memref<3008xf32, #tpu.memory_space<vmem>>[vector<16xi32>], vector<16xf32>,
        %get3A_404 = arith.index_cast %scan3A_365 : i32 to index
        %get3A_405 = arith.constant 80 : index
        %get3A_406 = tpu.vector_load %arg6[%get3A_404, %get3A_405] {strides = array<i32>} : memref<100x128xf32, #tpu.memory_space<vmem>>, vector<16xf32>,
        %add3A_407 = arith.constant 16000 : i32
        %add3A_408 = arith.addi %multiple_of3A_370, %add3A_407 : i32
        %scatter3A_409 = tpu.memref_slice %arg8[%add3A_408] : memref<25600xf32, #tpu.memory_space<vmem>> -> memref<3008xf32, #tpu.memory_space<vmem>>
        tpu.vector_store_idx %scatter3A_409[%add3A_373], %get3A_406 : memref<3008xf32, #tpu.memory_space<vmem>>[vector<16xi32>], vector<16xf32>,
        %get3A_410 = arith.index_cast %scan3A_365 : i32 to index
        %get3A_411 = arith.constant 96 : index
        %get3A_412 = tpu.vector_load %arg6[%get3A_410, %get3A_411] {strides = array<i32>} : memref<100x128xf32, #tpu.memory_space<vmem>>, vector<16xf32>,
        %add3A_413 = arith.constant 19200 : i32
        %add3A_414 = arith.addi %multiple_of3A_370, %add3A_413 : i32
        %scatter3A_415 = tpu.memref_slice %arg8[%add3A_414] : memref<25600xf32, #tpu.memory_space<vmem>> -> memref<3008xf32, #tpu.memory_space<vmem>>
        tpu.vector_store_idx %scatter3A_415[%add3A_373], %get3A_412 : memref<3008xf32, #tpu.memory_space<vmem>>[vector<16xi32>], vector<16xf32>,
        %get3A_416 = arith.index_cast %scan3A_365 : i32 to index
        %get3A_417 = arith.constant 112 : index
        %get3A_418 = tpu.vector_load %arg6[%get3A_416, %get3A_417] {strides = array<i32>} : memref<100x128xf32, #tpu.memory_space<vmem>>, vector<16xf32>,
        %add3A_419 = arith.constant 22400 : i32
        %add3A_420 = arith.addi %multiple_of3A_370, %add3A_419 : i32
        %scatter3A_421 = tpu.memref_slice %arg8[%add3A_420] : memref<25600xf32, #tpu.memory_space<vmem>> -> memref<3008xf32, #tpu.memory_space<vmem>>
        tpu.vector_store_idx %scatter3A_421[%add3A_373], %get3A_418 : memref<3008xf32, #tpu.memory_space<vmem>>[vector<16xi32>], vector<16xf32>,
      }
      %scan3A_59 = arith.constant 100 : i32
      %dma_wait3A_60 = arith.constant 1 : i32
      %dma_wait3A_61 = arith.constant 0 : i32
      %dma_wait3A_62 = tpu.memref_slice %arg5[%mul3A_35, %dma_wait3A_60, %dma_wait3A_61] : memref<128x2x100xi32, #tpu.memory_space<vmem>> -> memref<1x1x100xi32, #tpu.memory_space<vmem>>
      %dma_wait3A_63 = tpu.memref_squeeze %dma_wait3A_62 : memref<1x1x100xi32, #tpu.memory_space<vmem>> -> memref<100xi32, #tpu.memory_space<vmem>>
      %dma_wait3A_64 = arith.constant 0 : i32
      %dma_wait3A_65 = arith.constant 0 : i32
      %dma_wait3A_66 = tpu.memref_slice %arg3[%dma_wait3A_64, %dma_wait3A_65] : memref<100000x128xf32, #tpu.memory_space<hbm>> -> memref<100000x128xf32, #tpu.memory_space<hbm>>
      tpu.wait_indirect_dma semaphore(%arg11 : memref<!tpu.dma_semaphore, #tpu.memory_space<semaphore_mem>>) src(%dma_wait3A_66 : memref<100000x128xf32, #tpu.memory_space<hbm>>) dst(%arg7 : memref<100x128xf32, #tpu.memory_space<vmem>>)
      %dma_start3A_67 = arith.constant 0 : i32
      %dma_start3A_68 = arith.constant 0 : i32
      %dma_start3A_69 = tpu.memref_slice %arg5[%add3A_37, %dma_start3A_67, %dma_start3A_68] : memref<128x2x100xi32, #tpu.memory_space<vmem>> -> memref<1x1x100xi32, #tpu.memory_space<vmem>>
      %dma_start3A_70 = tpu.memref_squeeze %dma_start3A_69 : memref<1x1x100xi32, #tpu.memory_space<vmem>> -> memref<100xi32, #tpu.memory_space<vmem>>
      %dma_start3A_71 = arith.constant 0 : i32
      %dma_start3A_72 = arith.constant 0 : i32
      %dma_start3A_73 = tpu.memref_slice %arg3[%dma_start3A_71, %dma_start3A_72] : memref<100000x128xf32, #tpu.memory_space<hbm>> -> memref<100000x128xf32, #tpu.memory_space<hbm>>
      tpu.enqueue_indirect_dma source(%dma_start3A_73 : memref<100000x128xf32, #tpu.memory_space<hbm>>) target(%arg6 : memref<100x128xf32, #tpu.memory_space<vmem>>) offsets(%dma_start3A_70 : memref<100xi32, #tpu.memory_space<vmem>>) semaphore(%arg10 : memref<!tpu.dma_semaphore, #tpu.memory_space<semaphore_mem>>)
      %scan3A_74 = arith.constant 0 : i32
      %scan3A_75 = arith.constant 0 : i32
      %scan3A_76 = arith.constant 100 : i32
      %scan3A_77 = arith.addi %scan3A_75, %scan3A_76 : i32
      %scan3A_78 = arith.constant 5 : i32
      scf.for %scan3A_138 = %scan3A_75 to %scan3A_77 step %scan3A_78  : i32 {
        %add3A_139 = arith.constant 100 : i32
        %add3A_140 = arith.addi %add3A_139, %scan3A_138 : i32
        %and3A = arith.constant -8 : i32
        %and3A_141 = arith.andi %add3A_140, %and3A : i32
        %multiple_of3A = tpu.assume_multiple %and3A_141, 8 : i32
        %sub3A = arith.subi %add3A_140, %multiple_of3A : i32
        %add3A_142 = vector.broadcast %sub3A : i32 to vector<16xi32>
        %add3A_143 = arith.addi %mul3A_5, %add3A_142 : vector<16xi32>
        %get3A = arith.index_cast %scan3A_138 : i32 to index
        %get3A_144 = arith.constant 0 : index
        %get3A_145 = tpu.vector_load %arg7[%get3A, %get3A_144] {strides = array<i32>} : memref<100x128xf32, #tpu.memory_space<vmem>>, vector<16xf32>,
        %add3A_146 = arith.constant 0 : i32
        %add3A_147 = arith.addi %multiple_of3A, %add3A_146 : i32
        %scatter3A = tpu.memref_slice %arg8[%add3A_147] : memref<25600xf32, #tpu.memory_space<vmem>> -> memref<3008xf32, #tpu.memory_space<vmem>>
        tpu.vector_store_idx %scatter3A[%add3A_143], %get3A_145 : memref<3008xf32, #tpu.memory_space<vmem>>[vector<16xi32>], vector<16xf32>,
        %get3A_148 = arith.index_cast %scan3A_138 : i32 to index
        %get3A_149 = arith.constant 16 : index
        %get3A_150 = tpu.vector_load %arg7[%get3A_148, %get3A_149] {strides = array<i32>} : memref<100x128xf32, #tpu.memory_space<vmem>>, vector<16xf32>,
        %add3A_151 = arith.constant 3200 : i32
        %add3A_152 = arith.addi %multiple_of3A, %add3A_151 : i32
        %scatter3A_153 = tpu.memref_slice %arg8[%add3A_152] : memref<25600xf32, #tpu.memory_space<vmem>> -> memref<3008xf32, #tpu.memory_space<vmem>>
        tpu.vector_store_idx %scatter3A_153[%add3A_143], %get3A_150 : memref<3008xf32, #tpu.memory_space<vmem>>[vector<16xi32>], vector<16xf32>,
        %get3A_154 = arith.index_cast %scan3A_138 : i32 to index
        %get3A_155 = arith.constant 32 : index
        %get3A_156 = tpu.vector_load %arg7[%get3A_154, %get3A_155] {strides = array<i32>} : memref<100x128xf32, #tpu.memory_space<vmem>>, vector<16xf32>,
        %add3A_157 = arith.constant 6400 : i32
        %add3A_158 = arith.addi %multiple_of3A, %add3A_157 : i32
        %scatter3A_159 = tpu.memref_slice %arg8[%add3A_158] : memref<25600xf32, #tpu.memory_space<vmem>> -> memref<3008xf32, #tpu.memory_space<vmem>>
        tpu.vector_store_idx %scatter3A_159[%add3A_143], %get3A_156 : memref<3008xf32, #tpu.memory_space<vmem>>[vector<16xi32>], vector<16xf32>,
        %get3A_160 = arith.index_cast %scan3A_138 : i32 to index
        %get3A_161 = arith.constant 48 : index
        %get3A_162 = tpu.vector_load %arg7[%get3A_160, %get3A_161] {strides = array<i32>} : memref<100x128xf32, #tpu.memory_space<vmem>>, vector<16xf32>,
        %add3A_163 = arith.constant 9600 : i32
        %add3A_164 = arith.addi %multiple_of3A, %add3A_163 : i32
        %scatter3A_165 = tpu.memref_slice %arg8[%add3A_164] : memref<25600xf32, #tpu.memory_space<vmem>> -> memref<3008xf32, #tpu.memory_space<vmem>>
        tpu.vector_store_idx %scatter3A_165[%add3A_143], %get3A_162 : memref<3008xf32, #tpu.memory_space<vmem>>[vector<16xi32>], vector<16xf32>,
        %get3A_166 = arith.index_cast %scan3A_138 : i32 to index
        %get3A_167 = arith.constant 64 : index
        %get3A_168 = tpu.vector_load %arg7[%get3A_166, %get3A_167] {strides = array<i32>} : memref<100x128xf32, #tpu.memory_space<vmem>>, vector<16xf32>,
        %add3A_169 = arith.constant 12800 : i32
        %add3A_170 = arith.addi %multiple_of3A, %add3A_169 : i32
        %scatter3A_171 = tpu.memref_slice %arg8[%add3A_170] : memref<25600xf32, #tpu.memory_space<vmem>> -> memref<3008xf32, #tpu.memory_space<vmem>>
        tpu.vector_store_idx %scatter3A_171[%add3A_143], %get3A_168 : memref<3008xf32, #tpu.memory_space<vmem>>[vector<16xi32>], vector<16xf32>,
        %get3A_172 = arith.index_cast %scan3A_138 : i32 to index
        %get3A_173 = arith.constant 80 : index
        %get3A_174 = tpu.vector_load %arg7[%get3A_172, %get3A_173] {strides = array<i32>} : memref<100x128xf32, #tpu.memory_space<vmem>>, vector<16xf32>,
        %add3A_175 = arith.constant 16000 : i32
        %add3A_176 = arith.addi %multiple_of3A, %add3A_175 : i32
        %scatter3A_177 = tpu.memref_slice %arg8[%add3A_176] : memref<25600xf32, #tpu.memory_space<vmem>> -> memref<3008xf32, #tpu.memory_space<vmem>>
        tpu.vector_store_idx %scatter3A_177[%add3A_143], %get3A_174 : memref<3008xf32, #tpu.memory_space<vmem>>[vector<16xi32>], vector<16xf32>,
        %get3A_178 = arith.index_cast %scan3A_138 : i32 to index
        %get3A_179 = arith.constant 96 : index
        %get3A_180 = tpu.vector_load %arg7[%get3A_178, %get3A_179] {strides = array<i32>} : memref<100x128xf32, #tpu.memory_space<vmem>>, vector<16xf32>,
        %add3A_181 = arith.constant 19200 : i32
        %add3A_182 = arith.addi %multiple_of3A, %add3A_181 : i32
        %scatter3A_183 = tpu.memref_slice %arg8[%add3A_182] : memref<25600xf32, #tpu.memory_space<vmem>> -> memref<3008xf32, #tpu.memory_space<vmem>>
        tpu.vector_store_idx %scatter3A_183[%add3A_143], %get3A_180 : memref<3008xf32, #tpu.memory_space<vmem>>[vector<16xi32>], vector<16xf32>,
        %get3A_184 = arith.index_cast %scan3A_138 : i32 to index
        %get3A_185 = arith.constant 112 : index
        %get3A_186 = tpu.vector_load %arg7[%get3A_184, %get3A_185] {strides = array<i32>} : memref<100x128xf32, #tpu.memory_space<vmem>>, vector<16xf32>,
        %add3A_187 = arith.constant 22400 : i32
        %add3A_188 = arith.addi %multiple_of3A, %add3A_187 : i32
        %scatter3A_189 = tpu.memref_slice %arg8[%add3A_188] : memref<25600xf32, #tpu.memory_space<vmem>> -> memref<3008xf32, #tpu.memory_space<vmem>>
        tpu.vector_store_idx %scatter3A_189[%add3A_143], %get3A_186 : memref<3008xf32, #tpu.memory_space<vmem>>[vector<16xi32>], vector<16xf32>,
        %scan3A_190 = arith.constant 1 : i32
        %scan3A_191 = arith.addi %scan3A_138, %scan3A_190 : i32
        %add3A_192 = arith.constant 100 : i32
        %add3A_193 = arith.addi %add3A_192, %scan3A_191 : i32
        %and3A_194 = arith.constant -8 : i32
        %and3A_195 = arith.andi %add3A_193, %and3A_194 : i32
        %multiple_of3A_196 = tpu.assume_multiple %and3A_195, 8 : i32
        %sub3A_197 = arith.subi %add3A_193, %multiple_of3A_196 : i32
        %add3A_198 = vector.broadcast %sub3A_197 : i32 to vector<16xi32>
        %add3A_199 = arith.addi %mul3A_5, %add3A_198 : vector<16xi32>
        %get3A_200 = arith.index_cast %scan3A_191 : i32 to index
        %get3A_201 = arith.constant 0 : index
        %get3A_202 = tpu.vector_load %arg7[%get3A_200, %get3A_201] {strides = array<i32>} : memref<100x128xf32, #tpu.memory_space<vmem>>, vector<16xf32>,
        %add3A_203 = arith.constant 0 : i32
        %add3A_204 = arith.addi %multiple_of3A_196, %add3A_203 : i32
        %scatter3A_205 = tpu.memref_slice %arg8[%add3A_204] : memref<25600xf32, #tpu.memory_space<vmem>> -> memref<3008xf32, #tpu.memory_space<vmem>>
        tpu.vector_store_idx %scatter3A_205[%add3A_199], %get3A_202 : memref<3008xf32, #tpu.memory_space<vmem>>[vector<16xi32>], vector<16xf32>,
        %get3A_206 = arith.index_cast %scan3A_191 : i32 to index
        %get3A_207 = arith.constant 16 : index
        %get3A_208 = tpu.vector_load %arg7[%get3A_206, %get3A_207] {strides = array<i32>} : memref<100x128xf32, #tpu.memory_space<vmem>>, vector<16xf32>,
        %add3A_209 = arith.constant 3200 : i32
        %add3A_210 = arith.addi %multiple_of3A_196, %add3A_209 : i32
        %scatter3A_211 = tpu.memref_slice %arg8[%add3A_210] : memref<25600xf32, #tpu.memory_space<vmem>> -> memref<3008xf32, #tpu.memory_space<vmem>>
        tpu.vector_store_idx %scatter3A_211[%add3A_199], %get3A_208 : memref<3008xf32, #tpu.memory_space<vmem>>[vector<16xi32>], vector<16xf32>,
        %get3A_212 = arith.index_cast %scan3A_191 : i32 to index
        %get3A_213 = arith.constant 32 : index
        %get3A_214 = tpu.vector_load %arg7[%get3A_212, %get3A_213] {strides = array<i32>} : memref<100x128xf32, #tpu.memory_space<vmem>>, vector<16xf32>,
        %add3A_215 = arith.constant 6400 : i32
        %add3A_216 = arith.addi %multiple_of3A_196, %add3A_215 : i32
        %scatter3A_217 = tpu.memref_slice %arg8[%add3A_216] : memref<25600xf32, #tpu.memory_space<vmem>> -> memref<3008xf32, #tpu.memory_space<vmem>>
        tpu.vector_store_idx %scatter3A_217[%add3A_199], %get3A_214 : memref<3008xf32, #tpu.memory_space<vmem>>[vector<16xi32>], vector<16xf32>,
        %get3A_218 = arith.index_cast %scan3A_191 : i32 to index
        %get3A_219 = arith.constant 48 : index
        %get3A_220 = tpu.vector_load %arg7[%get3A_218, %get3A_219] {strides = array<i32>} : memref<100x128xf32, #tpu.memory_space<vmem>>, vector<16xf32>,
        %add3A_221 = arith.constant 9600 : i32
        %add3A_222 = arith.addi %multiple_of3A_196, %add3A_221 : i32
        %scatter3A_223 = tpu.memref_slice %arg8[%add3A_222] : memref<25600xf32, #tpu.memory_space<vmem>> -> memref<3008xf32, #tpu.memory_space<vmem>>
        tpu.vector_store_idx %scatter3A_223[%add3A_199], %get3A_220 : memref<3008xf32, #tpu.memory_space<vmem>>[vector<16xi32>], vector<16xf32>,
        %get3A_224 = arith.index_cast %scan3A_191 : i32 to index
        %get3A_225 = arith.constant 64 : index
        %get3A_226 = tpu.vector_load %arg7[%get3A_224, %get3A_225] {strides = array<i32>} : memref<100x128xf32, #tpu.memory_space<vmem>>, vector<16xf32>,
        %add3A_227 = arith.constant 12800 : i32
        %add3A_228 = arith.addi %multiple_of3A_196, %add3A_227 : i32
        %scatter3A_229 = tpu.memref_slice %arg8[%add3A_228] : memref<25600xf32, #tpu.memory_space<vmem>> -> memref<3008xf32, #tpu.memory_space<vmem>>
        tpu.vector_store_idx %scatter3A_229[%add3A_199], %get3A_226 : memref<3008xf32, #tpu.memory_space<vmem>>[vector<16xi32>], vector<16xf32>,
        %get3A_230 = arith.index_cast %scan3A_191 : i32 to index
        %get3A_231 = arith.constant 80 : index
        %get3A_232 = tpu.vector_load %arg7[%get3A_230, %get3A_231] {strides = array<i32>} : memref<100x128xf32, #tpu.memory_space<vmem>>, vector<16xf32>,
        %add3A_233 = arith.constant 16000 : i32
        %add3A_234 = arith.addi %multiple_of3A_196, %add3A_233 : i32
        %scatter3A_235 = tpu.memref_slice %arg8[%add3A_234] : memref<25600xf32, #tpu.memory_space<vmem>> -> memref<3008xf32, #tpu.memory_space<vmem>>
        tpu.vector_store_idx %scatter3A_235[%add3A_199], %get3A_232 : memref<3008xf32, #tpu.memory_space<vmem>>[vector<16xi32>], vector<16xf32>,
        %get3A_236 = arith.index_cast %scan3A_191 : i32 to index
        %get3A_237 = arith.constant 96 : index
        %get3A_238 = tpu.vector_load %arg7[%get3A_236, %get3A_237] {strides = array<i32>} : memref<100x128xf32, #tpu.memory_space<vmem>>, vector<16xf32>,
        %add3A_239 = arith.constant 19200 : i32
        %add3A_240 = arith.addi %multiple_of3A_196, %add3A_239 : i32
        %scatter3A_241 = tpu.memref_slice %arg8[%add3A_240] : memref<25600xf32, #tpu.memory_space<vmem>> -> memref<3008xf32, #tpu.memory_space<vmem>>
        tpu.vector_store_idx %scatter3A_241[%add3A_199], %get3A_238 : memref<3008xf32, #tpu.memory_space<vmem>>[vector<16xi32>], vector<16xf32>,
        %get3A_242 = arith.index_cast %scan3A_191 : i32 to index
        %get3A_243 = arith.constant 112 : index
        %get3A_244 = tpu.vector_load %arg7[%get3A_242, %get3A_243] {strides = array<i32>} : memref<100x128xf32, #tpu.memory_space<vmem>>, vector<16xf32>,
        %add3A_245 = arith.constant 22400 : i32
        %add3A_246 = arith.addi %multiple_of3A_196, %add3A_245 : i32
        %scatter3A_247 = tpu.memref_slice %arg8[%add3A_246] : memref<25600xf32, #tpu.memory_space<vmem>> -> memref<3008xf32, #tpu.memory_space<vmem>>
        tpu.vector_store_idx %scatter3A_247[%add3A_199], %get3A_244 : memref<3008xf32, #tpu.memory_space<vmem>>[vector<16xi32>], vector<16xf32>,
        %scan3A_248 = arith.constant 2 : i32
        %scan3A_249 = arith.addi %scan3A_138, %scan3A_248 : i32
        %add3A_250 = arith.constant 100 : i32
        %add3A_251 = arith.addi %add3A_250, %scan3A_249 : i32
        %and3A_252 = arith.constant -8 : i32
        %and3A_253 = arith.andi %add3A_251, %and3A_252 : i32
        %multiple_of3A_254 = tpu.assume_multiple %and3A_253, 8 : i32
        %sub3A_255 = arith.subi %add3A_251, %multiple_of3A_254 : i32
        %add3A_256 = vector.broadcast %sub3A_255 : i32 to vector<16xi32>
        %add3A_257 = arith.addi %mul3A_5, %add3A_256 : vector<16xi32>
        %get3A_258 = arith.index_cast %scan3A_249 : i32 to index
        %get3A_259 = arith.constant 0 : index
        %get3A_260 = tpu.vector_load %arg7[%get3A_258, %get3A_259] {strides = array<i32>} : memref<100x128xf32, #tpu.memory_space<vmem>>, vector<16xf32>,
        %add3A_261 = arith.constant 0 : i32
        %add3A_262 = arith.addi %multiple_of3A_254, %add3A_261 : i32
        %scatter3A_263 = tpu.memref_slice %arg8[%add3A_262] : memref<25600xf32, #tpu.memory_space<vmem>> -> memref<3008xf32, #tpu.memory_space<vmem>>
        tpu.vector_store_idx %scatter3A_263[%add3A_257], %get3A_260 : memref<3008xf32, #tpu.memory_space<vmem>>[vector<16xi32>], vector<16xf32>,
        %get3A_264 = arith.index_cast %scan3A_249 : i32 to index
        %get3A_265 = arith.constant 16 : index
        %get3A_266 = tpu.vector_load %arg7[%get3A_264, %get3A_265] {strides = array<i32>} : memref<100x128xf32, #tpu.memory_space<vmem>>, vector<16xf32>,
        %add3A_267 = arith.constant 3200 : i32
        %add3A_268 = arith.addi %multiple_of3A_254, %add3A_267 : i32
        %scatter3A_269 = tpu.memref_slice %arg8[%add3A_268] : memref<25600xf32, #tpu.memory_space<vmem>> -> memref<3008xf32, #tpu.memory_space<vmem>>
        tpu.vector_store_idx %scatter3A_269[%add3A_257], %get3A_266 : memref<3008xf32, #tpu.memory_space<vmem>>[vector<16xi32>], vector<16xf32>,
        %get3A_270 = arith.index_cast %scan3A_249 : i32 to index
        %get3A_271 = arith.constant 32 : index
        %get3A_272 = tpu.vector_load %arg7[%get3A_270, %get3A_271] {strides = array<i32>} : memref<100x128xf32, #tpu.memory_space<vmem>>, vector<16xf32>,
        %add3A_273 = arith.constant 6400 : i32
        %add3A_274 = arith.addi %multiple_of3A_254, %add3A_273 : i32
        %scatter3A_275 = tpu.memref_slice %arg8[%add3A_274] : memref<25600xf32, #tpu.memory_space<vmem>> -> memref<3008xf32, #tpu.memory_space<vmem>>
        tpu.vector_store_idx %scatter3A_275[%add3A_257], %get3A_272 : memref<3008xf32, #tpu.memory_space<vmem>>[vector<16xi32>], vector<16xf32>,
        %get3A_276 = arith.index_cast %scan3A_249 : i32 to index
        %get3A_277 = arith.constant 48 : index
        %get3A_278 = tpu.vector_load %arg7[%get3A_276, %get3A_277] {strides = array<i32>} : memref<100x128xf32, #tpu.memory_space<vmem>>, vector<16xf32>,
        %add3A_279 = arith.constant 9600 : i32
        %add3A_280 = arith.addi %multiple_of3A_254, %add3A_279 : i32
        %scatter3A_281 = tpu.memref_slice %arg8[%add3A_280] : memref<25600xf32, #tpu.memory_space<vmem>> -> memref<3008xf32, #tpu.memory_space<vmem>>
        tpu.vector_store_idx %scatter3A_281[%add3A_257], %get3A_278 : memref<3008xf32, #tpu.memory_space<vmem>>[vector<16xi32>], vector<16xf32>,
        %get3A_282 = arith.index_cast %scan3A_249 : i32 to index
        %get3A_283 = arith.constant 64 : index
        %get3A_284 = tpu.vector_load %arg7[%get3A_282, %get3A_283] {strides = array<i32>} : memref<100x128xf32, #tpu.memory_space<vmem>>, vector<16xf32>,
        %add3A_285 = arith.constant 12800 : i32
        %add3A_286 = arith.addi %multiple_of3A_254, %add3A_285 : i32
        %scatter3A_287 = tpu.memref_slice %arg8[%add3A_286] : memref<25600xf32, #tpu.memory_space<vmem>> -> memref<3008xf32, #tpu.memory_space<vmem>>
        tpu.vector_store_idx %scatter3A_287[%add3A_257], %get3A_284 : memref<3008xf32, #tpu.memory_space<vmem>>[vector<16xi32>], vector<16xf32>,
        %get3A_288 = arith.index_cast %scan3A_249 : i32 to index
        %get3A_289 = arith.constant 80 : index
        %get3A_290 = tpu.vector_load %arg7[%get3A_288, %get3A_289] {strides = array<i32>} : memref<100x128xf32, #tpu.memory_space<vmem>>, vector<16xf32>,
        %add3A_291 = arith.constant 16000 : i32
        %add3A_292 = arith.addi %multiple_of3A_254, %add3A_291 : i32
        %scatter3A_293 = tpu.memref_slice %arg8[%add3A_292] : memref<25600xf32, #tpu.memory_space<vmem>> -> memref<3008xf32, #tpu.memory_space<vmem>>
        tpu.vector_store_idx %scatter3A_293[%add3A_257], %get3A_290 : memref<3008xf32, #tpu.memory_space<vmem>>[vector<16xi32>], vector<16xf32>,
        %get3A_294 = arith.index_cast %scan3A_249 : i32 to index
        %get3A_295 = arith.constant 96 : index
        %get3A_296 = tpu.vector_load %arg7[%get3A_294, %get3A_295] {strides = array<i32>} : memref<100x128xf32, #tpu.memory_space<vmem>>, vector<16xf32>,
        %add3A_297 = arith.constant 19200 : i32
        %add3A_298 = arith.addi %multiple_of3A_254, %add3A_297 : i32
        %scatter3A_299 = tpu.memref_slice %arg8[%add3A_298] : memref<25600xf32, #tpu.memory_space<vmem>> -> memref<3008xf32, #tpu.memory_space<vmem>>
        tpu.vector_store_idx %scatter3A_299[%add3A_257], %get3A_296 : memref<3008xf32, #tpu.memory_space<vmem>>[vector<16xi32>], vector<16xf32>,
        %get3A_300 = arith.index_cast %scan3A_249 : i32 to index
        %get3A_301 = arith.constant 112 : index
        %get3A_302 = tpu.vector_load %arg7[%get3A_300, %get3A_301] {strides = array<i32>} : memref<100x128xf32, #tpu.memory_space<vmem>>, vector<16xf32>,
        %add3A_303 = arith.constant 22400 : i32
        %add3A_304 = arith.addi %multiple_of3A_254, %add3A_303 : i32
        %scatter3A_305 = tpu.memref_slice %arg8[%add3A_304] : memref<25600xf32, #tpu.memory_space<vmem>> -> memref<3008xf32, #tpu.memory_space<vmem>>
        tpu.vector_store_idx %scatter3A_305[%add3A_257], %get3A_302 : memref<3008xf32, #tpu.memory_space<vmem>>[vector<16xi32>], vector<16xf32>,
        %scan3A_306 = arith.constant 3 : i32
        %scan3A_307 = arith.addi %scan3A_138, %scan3A_306 : i32
        %add3A_308 = arith.constant 100 : i32
        %add3A_309 = arith.addi %add3A_308, %scan3A_307 : i32
        %and3A_310 = arith.constant -8 : i32
        %and3A_311 = arith.andi %add3A_309, %and3A_310 : i32
        %multiple_of3A_312 = tpu.assume_multiple %and3A_311, 8 : i32
        %sub3A_313 = arith.subi %add3A_309, %multiple_of3A_312 : i32
        %add3A_314 = vector.broadcast %sub3A_313 : i32 to vector<16xi32>
        %add3A_315 = arith.addi %mul3A_5, %add3A_314 : vector<16xi32>
        %get3A_316 = arith.index_cast %scan3A_307 : i32 to index
        %get3A_317 = arith.constant 0 : index
        %get3A_318 = tpu.vector_load %arg7[%get3A_316, %get3A_317] {strides = array<i32>} : memref<100x128xf32, #tpu.memory_space<vmem>>, vector<16xf32>,
        %add3A_319 = arith.constant 0 : i32
        %add3A_320 = arith.addi %multiple_of3A_312, %add3A_319 : i32
        %scatter3A_321 = tpu.memref_slice %arg8[%add3A_320] : memref<25600xf32, #tpu.memory_space<vmem>> -> memref<3008xf32, #tpu.memory_space<vmem>>
        tpu.vector_store_idx %scatter3A_321[%add3A_315], %get3A_318 : memref<3008xf32, #tpu.memory_space<vmem>>[vector<16xi32>], vector<16xf32>,
        %get3A_322 = arith.index_cast %scan3A_307 : i32 to index
        %get3A_323 = arith.constant 16 : index
        %get3A_324 = tpu.vector_load %arg7[%get3A_322, %get3A_323] {strides = array<i32>} : memref<100x128xf32, #tpu.memory_space<vmem>>, vector<16xf32>,
        %add3A_325 = arith.constant 3200 : i32
        %add3A_326 = arith.addi %multiple_of3A_312, %add3A_325 : i32
        %scatter3A_327 = tpu.memref_slice %arg8[%add3A_326] : memref<25600xf32, #tpu.memory_space<vmem>> -> memref<3008xf32, #tpu.memory_space<vmem>>
        tpu.vector_store_idx %scatter3A_327[%add3A_315], %get3A_324 : memref<3008xf32, #tpu.memory_space<vmem>>[vector<16xi32>], vector<16xf32>,
        %get3A_328 = arith.index_cast %scan3A_307 : i32 to index
        %get3A_329 = arith.constant 32 : index
        %get3A_330 = tpu.vector_load %arg7[%get3A_328, %get3A_329] {strides = array<i32>} : memref<100x128xf32, #tpu.memory_space<vmem>>, vector<16xf32>,
        %add3A_331 = arith.constant 6400 : i32
        %add3A_332 = arith.addi %multiple_of3A_312, %add3A_331 : i32
        %scatter3A_333 = tpu.memref_slice %arg8[%add3A_332] : memref<25600xf32, #tpu.memory_space<vmem>> -> memref<3008xf32, #tpu.memory_space<vmem>>
        tpu.vector_store_idx %scatter3A_333[%add3A_315], %get3A_330 : memref<3008xf32, #tpu.memory_space<vmem>>[vector<16xi32>], vector<16xf32>,
        %get3A_334 = arith.index_cast %scan3A_307 : i32 to index
        %get3A_335 = arith.constant 48 : index
        %get3A_336 = tpu.vector_load %arg7[%get3A_334, %get3A_335] {strides = array<i32>} : memref<100x128xf32, #tpu.memory_space<vmem>>, vector<16xf32>,
        %add3A_337 = arith.constant 9600 : i32
        %add3A_338 = arith.addi %multiple_of3A_312, %add3A_337 : i32
        %scatter3A_339 = tpu.memref_slice %arg8[%add3A_338] : memref<25600xf32, #tpu.memory_space<vmem>> -> memref<3008xf32, #tpu.memory_space<vmem>>
        tpu.vector_store_idx %scatter3A_339[%add3A_315], %get3A_336 : memref<3008xf32, #tpu.memory_space<vmem>>[vector<16xi32>], vector<16xf32>,
        %get3A_340 = arith.index_cast %scan3A_307 : i32 to index
        %get3A_341 = arith.constant 64 : index
        %get3A_342 = tpu.vector_load %arg7[%get3A_340, %get3A_341] {strides = array<i32>} : memref<100x128xf32, #tpu.memory_space<vmem>>, vector<16xf32>,
        %add3A_343 = arith.constant 12800 : i32
        %add3A_344 = arith.addi %multiple_of3A_312, %add3A_343 : i32
        %scatter3A_345 = tpu.memref_slice %arg8[%add3A_344] : memref<25600xf32, #tpu.memory_space<vmem>> -> memref<3008xf32, #tpu.memory_space<vmem>>
        tpu.vector_store_idx %scatter3A_345[%add3A_315], %get3A_342 : memref<3008xf32, #tpu.memory_space<vmem>>[vector<16xi32>], vector<16xf32>,
        %get3A_346 = arith.index_cast %scan3A_307 : i32 to index
        %get3A_347 = arith.constant 80 : index
        %get3A_348 = tpu.vector_load %arg7[%get3A_346, %get3A_347] {strides = array<i32>} : memref<100x128xf32, #tpu.memory_space<vmem>>, vector<16xf32>,
        %add3A_349 = arith.constant 16000 : i32
        %add3A_350 = arith.addi %multiple_of3A_312, %add3A_349 : i32
        %scatter3A_351 = tpu.memref_slice %arg8[%add3A_350] : memref<25600xf32, #tpu.memory_space<vmem>> -> memref<3008xf32, #tpu.memory_space<vmem>>
        tpu.vector_store_idx %scatter3A_351[%add3A_315], %get3A_348 : memref<3008xf32, #tpu.memory_space<vmem>>[vector<16xi32>], vector<16xf32>,
        %get3A_352 = arith.index_cast %scan3A_307 : i32 to index
        %get3A_353 = arith.constant 96 : index
        %get3A_354 = tpu.vector_load %arg7[%get3A_352, %get3A_353] {strides = array<i32>} : memref<100x128xf32, #tpu.memory_space<vmem>>, vector<16xf32>,
        %add3A_355 = arith.constant 19200 : i32
        %add3A_356 = arith.addi %multiple_of3A_312, %add3A_355 : i32
        %scatter3A_357 = tpu.memref_slice %arg8[%add3A_356] : memref<25600xf32, #tpu.memory_space<vmem>> -> memref<3008xf32, #tpu.memory_space<vmem>>
        tpu.vector_store_idx %scatter3A_357[%add3A_315], %get3A_354 : memref<3008xf32, #tpu.memory_space<vmem>>[vector<16xi32>], vector<16xf32>,
        %get3A_358 = arith.index_cast %scan3A_307 : i32 to index
        %get3A_359 = arith.constant 112 : index
        %get3A_360 = tpu.vector_load %arg7[%get3A_358, %get3A_359] {strides = array<i32>} : memref<100x128xf32, #tpu.memory_space<vmem>>, vector<16xf32>,
        %add3A_361 = arith.constant 22400 : i32
        %add3A_362 = arith.addi %multiple_of3A_312, %add3A_361 : i32
        %scatter3A_363 = tpu.memref_slice %arg8[%add3A_362] : memref<25600xf32, #tpu.memory_space<vmem>> -> memref<3008xf32, #tpu.memory_space<vmem>>
        tpu.vector_store_idx %scatter3A_363[%add3A_315], %get3A_360 : memref<3008xf32, #tpu.memory_space<vmem>>[vector<16xi32>], vector<16xf32>,
        %scan3A_364 = arith.constant 4 : i32
        %scan3A_365 = arith.addi %scan3A_138, %scan3A_364 : i32
        %add3A_366 = arith.constant 100 : i32
        %add3A_367 = arith.addi %add3A_366, %scan3A_365 : i32
        %and3A_368 = arith.constant -8 : i32
        %and3A_369 = arith.andi %add3A_367, %and3A_368 : i32
        %multiple_of3A_370 = tpu.assume_multiple %and3A_369, 8 : i32
        %sub3A_371 = arith.subi %add3A_367, %multiple_of3A_370 : i32
        %add3A_372 = vector.broadcast %sub3A_371 : i32 to vector<16xi32>
        %add3A_373 = arith.addi %mul3A_5, %add3A_372 : vector<16xi32>
        %get3A_374 = arith.index_cast %scan3A_365 : i32 to index
        %get3A_375 = arith.constant 0 : index
        %get3A_376 = tpu.vector_load %arg7[%get3A_374, %get3A_375] {strides = array<i32>} : memref<100x128xf32, #tpu.memory_space<vmem>>, vector<16xf32>,
        %add3A_377 = arith.constant 0 : i32
        %add3A_378 = arith.addi %multiple_of3A_370, %add3A_377 : i32
        %scatter3A_379 = tpu.memref_slice %arg8[%add3A_378] : memref<25600xf32, #tpu.memory_space<vmem>> -> memref<3008xf32, #tpu.memory_space<vmem>>
        tpu.vector_store_idx %scatter3A_379[%add3A_373], %get3A_376 : memref<3008xf32, #tpu.memory_space<vmem>>[vector<16xi32>], vector<16xf32>,
        %get3A_380 = arith.index_cast %scan3A_365 : i32 to index
        %get3A_381 = arith.constant 16 : index
        %get3A_382 = tpu.vector_load %arg7[%get3A_380, %get3A_381] {strides = array<i32>} : memref<100x128xf32, #tpu.memory_space<vmem>>, vector<16xf32>,
        %add3A_383 = arith.constant 3200 : i32
        %add3A_384 = arith.addi %multiple_of3A_370, %add3A_383 : i32
        %scatter3A_385 = tpu.memref_slice %arg8[%add3A_384] : memref<25600xf32, #tpu.memory_space<vmem>> -> memref<3008xf32, #tpu.memory_space<vmem>>
        tpu.vector_store_idx %scatter3A_385[%add3A_373], %get3A_382 : memref<3008xf32, #tpu.memory_space<vmem>>[vector<16xi32>], vector<16xf32>,
        %get3A_386 = arith.index_cast %scan3A_365 : i32 to index
        %get3A_387 = arith.constant 32 : index
        %get3A_388 = tpu.vector_load %arg7[%get3A_386, %get3A_387] {strides = array<i32>} : memref<100x128xf32, #tpu.memory_space<vmem>>, vector<16xf32>,
        %add3A_389 = arith.constant 6400 : i32
        %add3A_390 = arith.addi %multiple_of3A_370, %add3A_389 : i32
        %scatter3A_391 = tpu.memref_slice %arg8[%add3A_390] : memref<25600xf32, #tpu.memory_space<vmem>> -> memref<3008xf32, #tpu.memory_space<vmem>>
        tpu.vector_store_idx %scatter3A_391[%add3A_373], %get3A_388 : memref<3008xf32, #tpu.memory_space<vmem>>[vector<16xi32>], vector<16xf32>,
        %get3A_392 = arith.index_cast %scan3A_365 : i32 to index
        %get3A_393 = arith.constant 48 : index
        %get3A_394 = tpu.vector_load %arg7[%get3A_392, %get3A_393] {strides = array<i32>} : memref<100x128xf32, #tpu.memory_space<vmem>>, vector<16xf32>,
        %add3A_395 = arith.constant 9600 : i32
        %add3A_396 = arith.addi %multiple_of3A_370, %add3A_395 : i32
        %scatter3A_397 = tpu.memref_slice %arg8[%add3A_396] : memref<25600xf32, #tpu.memory_space<vmem>> -> memref<3008xf32, #tpu.memory_space<vmem>>
        tpu.vector_store_idx %scatter3A_397[%add3A_373], %get3A_394 : memref<3008xf32, #tpu.memory_space<vmem>>[vector<16xi32>], vector<16xf32>,
        %get3A_398 = arith.index_cast %scan3A_365 : i32 to index
        %get3A_399 = arith.constant 64 : index
        %get3A_400 = tpu.vector_load %arg7[%get3A_398, %get3A_399] {strides = array<i32>} : memref<100x128xf32, #tpu.memory_space<vmem>>, vector<16xf32>,
        %add3A_401 = arith.constant 12800 : i32
        %add3A_402 = arith.addi %multiple_of3A_370, %add3A_401 : i32
        %scatter3A_403 = tpu.memref_slice %arg8[%add3A_402] : memref<25600xf32, #tpu.memory_space<vmem>> -> memref<3008xf32, #tpu.memory_space<vmem>>
        tpu.vector_store_idx %scatter3A_403[%add3A_373], %get3A_400 : memref<3008xf32, #tpu.memory_space<vmem>>[vector<16xi32>], vector<16xf32>,
        %get3A_404 = arith.index_cast %scan3A_365 : i32 to index
        %get3A_405 = arith.constant 80 : index
        %get3A_406 = tpu.vector_load %arg7[%get3A_404, %get3A_405] {strides = array<i32>} : memref<100x128xf32, #tpu.memory_space<vmem>>, vector<16xf32>,
        %add3A_407 = arith.constant 16000 : i32
        %add3A_408 = arith.addi %multiple_of3A_370, %add3A_407 : i32
        %scatter3A_409 = tpu.memref_slice %arg8[%add3A_408] : memref<25600xf32, #tpu.memory_space<vmem>> -> memref<3008xf32, #tpu.memory_space<vmem>>
        tpu.vector_store_idx %scatter3A_409[%add3A_373], %get3A_406 : memref<3008xf32, #tpu.memory_space<vmem>>[vector<16xi32>], vector<16xf32>,
        %get3A_410 = arith.index_cast %scan3A_365 : i32 to index
        %get3A_411 = arith.constant 96 : index
        %get3A_412 = tpu.vector_load %arg7[%get3A_410, %get3A_411] {strides = array<i32>} : memref<100x128xf32, #tpu.memory_space<vmem>>, vector<16xf32>,
        %add3A_413 = arith.constant 19200 : i32
        %add3A_414 = arith.addi %multiple_of3A_370, %add3A_413 : i32
        %scatter3A_415 = tpu.memref_slice %arg8[%add3A_414] : memref<25600xf32, #tpu.memory_space<vmem>> -> memref<3008xf32, #tpu.memory_space<vmem>>
        tpu.vector_store_idx %scatter3A_415[%add3A_373], %get3A_412 : memref<3008xf32, #tpu.memory_space<vmem>>[vector<16xi32>], vector<16xf32>,
        %get3A_416 = arith.index_cast %scan3A_365 : i32 to index
        %get3A_417 = arith.constant 112 : index
        %get3A_418 = tpu.vector_load %arg7[%get3A_416, %get3A_417] {strides = array<i32>} : memref<100x128xf32, #tpu.memory_space<vmem>>, vector<16xf32>,
        %add3A_419 = arith.constant 22400 : i32
        %add3A_420 = arith.addi %multiple_of3A_370, %add3A_419 : i32
        %scatter3A_421 = tpu.memref_slice %arg8[%add3A_420] : memref<25600xf32, #tpu.memory_space<vmem>> -> memref<3008xf32, #tpu.memory_space<vmem>>
        tpu.vector_store_idx %scatter3A_421[%add3A_373], %get3A_418 : memref<3008xf32, #tpu.memory_space<vmem>>[vector<16xi32>], vector<16xf32>,
      }
      %scan3A_79 = arith.constant 100 : i32
      %add3A_80 = arith.addi %mul3A_2, %mul3A_35 : i32
      %dma_start3A_81 = arith.constant 0 : i32
      %dma_start3A_82 = tpu.memref_slice %arg4[%add3A_80, %dma_start3A_81] : memref<4096x25600xf32, #tpu.memory_space<hbm>> -> memref<1x25600xf32, #tpu.memory_space<hbm>>
      %dma_start3A_83 = tpu.memref_squeeze %dma_start3A_82 : memref<1x25600xf32, #tpu.memory_space<hbm>> -> memref<25600xf32, #tpu.memory_space<hbm>>
      %dma_start3A_84 = arith.constant 0 : i32
      %dma_start3A_85 = tpu.memref_slice %arg4[%add3A_80, %dma_start3A_84] : memref<4096x25600xf32, #tpu.memory_space<hbm>> -> memref<1x25600xf32, #tpu.memory_space<hbm>>
      %dma_start3A_86 = tpu.memref_squeeze %dma_start3A_85 : memref<1x25600xf32, #tpu.memory_space<hbm>> -> memref<25600xf32, #tpu.memory_space<hbm>>
      tpu.enqueue_dma source(%arg8 : memref<25600xf32, #tpu.memory_space<vmem>>) target(%dma_start3A_86 : memref<25600xf32, #tpu.memory_space<hbm>>) target_semaphore(%arg12 : memref<!tpu.dma_semaphore, #tpu.memory_space<semaphore_mem>>)
      %add3A_87 = arith.constant 1 : i32
      %add3A_88 = arith.addi %add3A_37, %add3A_87 : i32
      %lt3A = arith.constant 63 : i32
      %lt3A_89 = arith.cmpi slt, %scan3A_33, %lt3A : i32
      %dma_wait3A_90 = arith.constant 0 : i32
      %dma_wait3A_91 = arith.constant 0 : i32
      %dma_wait3A_92 = tpu.memref_slice %arg5[%add3A_37, %dma_wait3A_90, %dma_wait3A_91] : memref<128x2x100xi32, #tpu.memory_space<vmem>> -> memref<1x1x100xi32, #tpu.memory_space<vmem>>
      %dma_wait3A_93 = tpu.memref_squeeze %dma_wait3A_92 : memref<1x1x100xi32, #tpu.memory_space<vmem>> -> memref<100xi32, #tpu.memory_space<vmem>>
      %dma_wait3A_94 = arith.constant 0 : i32
      %dma_wait3A_95 = arith.constant 0 : i32
      %dma_wait3A_96 = tpu.memref_slice %arg3[%dma_wait3A_94, %dma_wait3A_95] : memref<100000x128xf32, #tpu.memory_space<hbm>> -> memref<100000x128xf32, #tpu.memory_space<hbm>>
      tpu.wait_indirect_dma semaphore(%arg10 : memref<!tpu.dma_semaphore, #tpu.memory_space<semaphore_mem>>) src(%dma_wait3A_96 : memref<100000x128xf32, #tpu.memory_space<hbm>>) dst(%arg6 : memref<100x128xf32, #tpu.memory_space<vmem>>)
      %dma_start3A_97 = arith.constant 1 : i32
      %dma_start3A_98 = arith.constant 0 : i32
      %dma_start3A_99 = tpu.memref_slice %arg5[%add3A_37, %dma_start3A_97, %dma_start3A_98] : memref<128x2x100xi32, #tpu.memory_space<vmem>> -> memref<1x1x100xi32, #tpu.memory_space<vmem>>
      %dma_start3A_100 = tpu.memref_squeeze %dma_start3A_99 : memref<1x1x100xi32, #tpu.memory_space<vmem>> -> memref<100xi32, #tpu.memory_space<vmem>>
      %dma_start3A_101 = arith.constant 0 : i32
      %dma_start3A_102 = arith.constant 0 : i32
      %dma_start3A_103 = tpu.memref_slice %arg3[%dma_start3A_101, %dma_start3A_102] : memref<100000x128xf32, #tpu.memory_space<hbm>> -> memref<100000x128xf32, #tpu.memory_space<hbm>>
      tpu.enqueue_indirect_dma source(%dma_start3A_103 : memref<100000x128xf32, #tpu.memory_space<hbm>>) target(%arg7 : memref<100x128xf32, #tpu.memory_space<vmem>>) offsets(%dma_start3A_100 : memref<100xi32, #tpu.memory_space<vmem>>) semaphore(%arg11 : memref<!tpu.dma_semaphore, #tpu.memory_space<semaphore_mem>>)
      %ge3A_104 = arith.constant 1 : i32
      %ge3A_105 = arith.cmpi sge, %scan3A_33, %ge3A_104 : i32
      %convert_element_type3A_106 = arith.extui %ge3A_105 : i1 to i32
      %cond3A_107 = arith.constant 0 : i32
      %cond3A_108 = arith.cmpi ne, %convert_element_type3A_106, %cond3A_107 : i32
      scf.if %cond3A_108 {
        %sub3A = arith.constant 2 : i32
        %sub3A_138 = arith.subi %add3A_37, %sub3A : i32
        %add3A_139 = arith.addi %mul3A_2, %sub3A_138 : i32
        %dma_wait3A_140 = arith.constant 0 : i32
        %dma_wait3A_141 = tpu.memref_slice %arg4[%add3A_139, %dma_wait3A_140] : memref<4096x25600xf32, #tpu.memory_space<hbm>> -> memref<1x25600xf32, #tpu.memory_space<hbm>>
        %dma_wait3A_142 = tpu.memref_squeeze %dma_wait3A_141 : memref<1x25600xf32, #tpu.memory_space<hbm>> -> memref<25600xf32, #tpu.memory_space<hbm>>
        %dma_wait3A_143 = arith.constant 0 : i32
        %dma_wait3A_144 = tpu.memref_slice %arg4[%add3A_139, %dma_wait3A_143] : memref<4096x25600xf32, #tpu.memory_space<hbm>> -> memref<1x25600xf32, #tpu.memory_space<hbm>>
        %dma_wait3A_145 = tpu.memref_squeeze %dma_wait3A_144 : memref<1x25600xf32, #tpu.memory_space<hbm>> -> memref<25600xf32, #tpu.memory_space<hbm>>
        tpu.wait_dma2 semaphore(%arg13 : memref<!tpu.dma_semaphore, #tpu.memory_space<semaphore_mem>>) src(%arg9 : memref<25600xf32, #tpu.memory_space<vmem>>) dst(%dma_wait3A_145 : memref<25600xf32, #tpu.memory_space<hbm>>)
      } else {
      }
      %scan3A_109 = arith.constant 0 : i32
      %scan3A_110 = arith.constant 0 : i32
      %scan3A_111 = arith.constant 100 : i32
      %scan3A_112 = arith.addi %scan3A_110, %scan3A_111 : i32
      %scan3A_113 = arith.constant 5 : i32
      scf.for %scan3A_138 = %scan3A_110 to %scan3A_112 step %scan3A_113  : i32 {
        %add3A_139 = arith.constant 0 : i32
        %add3A_140 = arith.addi %add3A_139, %scan3A_138 : i32
        %and3A = arith.constant -8 : i32
        %and3A_141 = arith.andi %add3A_140, %and3A : i32
        %multiple_of3A = tpu.assume_multiple %and3A_141, 8 : i32
        %sub3A = arith.subi %add3A_140, %multiple_of3A : i32
        %add3A_142 = vector.broadcast %sub3A : i32 to vector<16xi32>
        %add3A_143 = arith.addi %mul3A_5, %add3A_142 : vector<16xi32>
        %get3A = arith.index_cast %scan3A_138 : i32 to index
        %get3A_144 = arith.constant 0 : index
        %get3A_145 = tpu.vector_load %arg6[%get3A, %get3A_144] {strides = array<i32>} : memref<100x128xf32, #tpu.memory_space<vmem>>, vector<16xf32>,
        %add3A_146 = arith.constant 0 : i32
        %add3A_147 = arith.addi %multiple_of3A, %add3A_146 : i32
        %scatter3A = tpu.memref_slice %arg9[%add3A_147] : memref<25600xf32, #tpu.memory_space<vmem>> -> memref<3008xf32, #tpu.memory_space<vmem>>
        tpu.vector_store_idx %scatter3A[%add3A_143], %get3A_145 : memref<3008xf32, #tpu.memory_space<vmem>>[vector<16xi32>], vector<16xf32>,
        %get3A_148 = arith.index_cast %scan3A_138 : i32 to index
        %get3A_149 = arith.constant 16 : index
        %get3A_150 = tpu.vector_load %arg6[%get3A_148, %get3A_149] {strides = array<i32>} : memref<100x128xf32, #tpu.memory_space<vmem>>, vector<16xf32>,
        %add3A_151 = arith.constant 3200 : i32
        %add3A_152 = arith.addi %multiple_of3A, %add3A_151 : i32
        %scatter3A_153 = tpu.memref_slice %arg9[%add3A_152] : memref<25600xf32, #tpu.memory_space<vmem>> -> memref<3008xf32, #tpu.memory_space<vmem>>
        tpu.vector_store_idx %scatter3A_153[%add3A_143], %get3A_150 : memref<3008xf32, #tpu.memory_space<vmem>>[vector<16xi32>], vector<16xf32>,
        %get3A_154 = arith.index_cast %scan3A_138 : i32 to index
        %get3A_155 = arith.constant 32 : index
        %get3A_156 = tpu.vector_load %arg6[%get3A_154, %get3A_155] {strides = array<i32>} : memref<100x128xf32, #tpu.memory_space<vmem>>, vector<16xf32>,
        %add3A_157 = arith.constant 6400 : i32
        %add3A_158 = arith.addi %multiple_of3A, %add3A_157 : i32
        %scatter3A_159 = tpu.memref_slice %arg9[%add3A_158] : memref<25600xf32, #tpu.memory_space<vmem>> -> memref<3008xf32, #tpu.memory_space<vmem>>
        tpu.vector_store_idx %scatter3A_159[%add3A_143], %get3A_156 : memref<3008xf32, #tpu.memory_space<vmem>>[vector<16xi32>], vector<16xf32>,
        %get3A_160 = arith.index_cast %scan3A_138 : i32 to index
        %get3A_161 = arith.constant 48 : index
        %get3A_162 = tpu.vector_load %arg6[%get3A_160, %get3A_161] {strides = array<i32>} : memref<100x128xf32, #tpu.memory_space<vmem>>, vector<16xf32>,
        %add3A_163 = arith.constant 9600 : i32
        %add3A_164 = arith.addi %multiple_of3A, %add3A_163 : i32
        %scatter3A_165 = tpu.memref_slice %arg9[%add3A_164] : memref<25600xf32, #tpu.memory_space<vmem>> -> memref<3008xf32, #tpu.memory_space<vmem>>
        tpu.vector_store_idx %scatter3A_165[%add3A_143], %get3A_162 : memref<3008xf32, #tpu.memory_space<vmem>>[vector<16xi32>], vector<16xf32>,
        %get3A_166 = arith.index_cast %scan3A_138 : i32 to index
        %get3A_167 = arith.constant 64 : index
        %get3A_168 = tpu.vector_load %arg6[%get3A_166, %get3A_167] {strides = array<i32>} : memref<100x128xf32, #tpu.memory_space<vmem>>, vector<16xf32>,
        %add3A_169 = arith.constant 12800 : i32
        %add3A_170 = arith.addi %multiple_of3A, %add3A_169 : i32
        %scatter3A_171 = tpu.memref_slice %arg9[%add3A_170] : memref<25600xf32, #tpu.memory_space<vmem>> -> memref<3008xf32, #tpu.memory_space<vmem>>
        tpu.vector_store_idx %scatter3A_171[%add3A_143], %get3A_168 : memref<3008xf32, #tpu.memory_space<vmem>>[vector<16xi32>], vector<16xf32>,
        %get3A_172 = arith.index_cast %scan3A_138 : i32 to index
        %get3A_173 = arith.constant 80 : index
        %get3A_174 = tpu.vector_load %arg6[%get3A_172, %get3A_173] {strides = array<i32>} : memref<100x128xf32, #tpu.memory_space<vmem>>, vector<16xf32>,
        %add3A_175 = arith.constant 16000 : i32
        %add3A_176 = arith.addi %multiple_of3A, %add3A_175 : i32
        %scatter3A_177 = tpu.memref_slice %arg9[%add3A_176] : memref<25600xf32, #tpu.memory_space<vmem>> -> memref<3008xf32, #tpu.memory_space<vmem>>
        tpu.vector_store_idx %scatter3A_177[%add3A_143], %get3A_174 : memref<3008xf32, #tpu.memory_space<vmem>>[vector<16xi32>], vector<16xf32>,
        %get3A_178 = arith.index_cast %scan3A_138 : i32 to index
        %get3A_179 = arith.constant 96 : index
        %get3A_180 = tpu.vector_load %arg6[%get3A_178, %get3A_179] {strides = array<i32>} : memref<100x128xf32, #tpu.memory_space<vmem>>, vector<16xf32>,
        %add3A_181 = arith.constant 19200 : i32
        %add3A_182 = arith.addi %multiple_of3A, %add3A_181 : i32
        %scatter3A_183 = tpu.memref_slice %arg9[%add3A_182] : memref<25600xf32, #tpu.memory_space<vmem>> -> memref<3008xf32, #tpu.memory_space<vmem>>
        tpu.vector_store_idx %scatter3A_183[%add3A_143], %get3A_180 : memref<3008xf32, #tpu.memory_space<vmem>>[vector<16xi32>], vector<16xf32>,
        %get3A_184 = arith.index_cast %scan3A_138 : i32 to index
        %get3A_185 = arith.constant 112 : index
        %get3A_186 = tpu.vector_load %arg6[%get3A_184, %get3A_185] {strides = array<i32>} : memref<100x128xf32, #tpu.memory_space<vmem>>, vector<16xf32>,
        %add3A_187 = arith.constant 22400 : i32
        %add3A_188 = arith.addi %multiple_of3A, %add3A_187 : i32
        %scatter3A_189 = tpu.memref_slice %arg9[%add3A_188] : memref<25600xf32, #tpu.memory_space<vmem>> -> memref<3008xf32, #tpu.memory_space<vmem>>
        tpu.vector_store_idx %scatter3A_189[%add3A_143], %get3A_186 : memref<3008xf32, #tpu.memory_space<vmem>>[vector<16xi32>], vector<16xf32>,
        %scan3A_190 = arith.constant 1 : i32
        %scan3A_191 = arith.addi %scan3A_138, %scan3A_190 : i32
        %add3A_192 = arith.constant 0 : i32
        %add3A_193 = arith.addi %add3A_192, %scan3A_191 : i32
        %and3A_194 = arith.constant -8 : i32
        %and3A_195 = arith.andi %add3A_193, %and3A_194 : i32
        %multiple_of3A_196 = tpu.assume_multiple %and3A_195, 8 : i32
        %sub3A_197 = arith.subi %add3A_193, %multiple_of3A_196 : i32
        %add3A_198 = vector.broadcast %sub3A_197 : i32 to vector<16xi32>
        %add3A_199 = arith.addi %mul3A_5, %add3A_198 : vector<16xi32>
        %get3A_200 = arith.index_cast %scan3A_191 : i32 to index
        %get3A_201 = arith.constant 0 : index
        %get3A_202 = tpu.vector_load %arg6[%get3A_200, %get3A_201] {strides = array<i32>} : memref<100x128xf32, #tpu.memory_space<vmem>>, vector<16xf32>,
        %add3A_203 = arith.constant 0 : i32
        %add3A_204 = arith.addi %multiple_of3A_196, %add3A_203 : i32
        %scatter3A_205 = tpu.memref_slice %arg9[%add3A_204] : memref<25600xf32, #tpu.memory_space<vmem>> -> memref<3008xf32, #tpu.memory_space<vmem>>
        tpu.vector_store_idx %scatter3A_205[%add3A_199], %get3A_202 : memref<3008xf32, #tpu.memory_space<vmem>>[vector<16xi32>], vector<16xf32>,
        %get3A_206 = arith.index_cast %scan3A_191 : i32 to index
        %get3A_207 = arith.constant 16 : index
        %get3A_208 = tpu.vector_load %arg6[%get3A_206, %get3A_207] {strides = array<i32>} : memref<100x128xf32, #tpu.memory_space<vmem>>, vector<16xf32>,
        %add3A_209 = arith.constant 3200 : i32
        %add3A_210 = arith.addi %multiple_of3A_196, %add3A_209 : i32
        %scatter3A_211 = tpu.memref_slice %arg9[%add3A_210] : memref<25600xf32, #tpu.memory_space<vmem>> -> memref<3008xf32, #tpu.memory_space<vmem>>
        tpu.vector_store_idx %scatter3A_211[%add3A_199], %get3A_208 : memref<3008xf32, #tpu.memory_space<vmem>>[vector<16xi32>], vector<16xf32>,
        %get3A_212 = arith.index_cast %scan3A_191 : i32 to index
        %get3A_213 = arith.constant 32 : index
        %get3A_214 = tpu.vector_load %arg6[%get3A_212, %get3A_213] {strides = array<i32>} : memref<100x128xf32, #tpu.memory_space<vmem>>, vector<16xf32>,
        %add3A_215 = arith.constant 6400 : i32
        %add3A_216 = arith.addi %multiple_of3A_196, %add3A_215 : i32
        %scatter3A_217 = tpu.memref_slice %arg9[%add3A_216] : memref<25600xf32, #tpu.memory_space<vmem>> -> memref<3008xf32, #tpu.memory_space<vmem>>
        tpu.vector_store_idx %scatter3A_217[%add3A_199], %get3A_214 : memref<3008xf32, #tpu.memory_space<vmem>>[vector<16xi32>], vector<16xf32>,
        %get3A_218 = arith.index_cast %scan3A_191 : i32 to index
        %get3A_219 = arith.constant 48 : index
        %get3A_220 = tpu.vector_load %arg6[%get3A_218, %get3A_219] {strides = array<i32>} : memref<100x128xf32, #tpu.memory_space<vmem>>, vector<16xf32>,
        %add3A_221 = arith.constant 9600 : i32
        %add3A_222 = arith.addi %multiple_of3A_196, %add3A_221 : i32
        %scatter3A_223 = tpu.memref_slice %arg9[%add3A_222] : memref<25600xf32, #tpu.memory_space<vmem>> -> memref<3008xf32, #tpu.memory_space<vmem>>
        tpu.vector_store_idx %scatter3A_223[%add3A_199], %get3A_220 : memref<3008xf32, #tpu.memory_space<vmem>>[vector<16xi32>], vector<16xf32>,
        %get3A_224 = arith.index_cast %scan3A_191 : i32 to index
        %get3A_225 = arith.constant 64 : index
        %get3A_226 = tpu.vector_load %arg6[%get3A_224, %get3A_225] {strides = array<i32>} : memref<100x128xf32, #tpu.memory_space<vmem>>, vector<16xf32>,
        %add3A_227 = arith.constant 12800 : i32
        %add3A_228 = arith.addi %multiple_of3A_196, %add3A_227 : i32
        %scatter3A_229 = tpu.memref_slice %arg9[%add3A_228] : memref<25600xf32, #tpu.memory_space<vmem>> -> memref<3008xf32, #tpu.memory_space<vmem>>
        tpu.vector_store_idx %scatter3A_229[%add3A_199], %get3A_226 : memref<3008xf32, #tpu.memory_space<vmem>>[vector<16xi32>], vector<16xf32>,
        %get3A_230 = arith.index_cast %scan3A_191 : i32 to index
        %get3A_231 = arith.constant 80 : index
        %get3A_232 = tpu.vector_load %arg6[%get3A_230, %get3A_231] {strides = array<i32>} : memref<100x128xf32, #tpu.memory_space<vmem>>, vector<16xf32>,
        %add3A_233 = arith.constant 16000 : i32
        %add3A_234 = arith.addi %multiple_of3A_196, %add3A_233 : i32
        %scatter3A_235 = tpu.memref_slice %arg9[%add3A_234] : memref<25600xf32, #tpu.memory_space<vmem>> -> memref<3008xf32, #tpu.memory_space<vmem>>
        tpu.vector_store_idx %scatter3A_235[%add3A_199], %get3A_232 : memref<3008xf32, #tpu.memory_space<vmem>>[vector<16xi32>], vector<16xf32>,
        %get3A_236 = arith.index_cast %scan3A_191 : i32 to index
        %get3A_237 = arith.constant 96 : index
        %get3A_238 = tpu.vector_load %arg6[%get3A_236, %get3A_237] {strides = array<i32>} : memref<100x128xf32, #tpu.memory_space<vmem>>, vector<16xf32>,
        %add3A_239 = arith.constant 19200 : i32
        %add3A_240 = arith.addi %multiple_of3A_196, %add3A_239 : i32
        %scatter3A_241 = tpu.memref_slice %arg9[%add3A_240] : memref<25600xf32, #tpu.memory_space<vmem>> -> memref<3008xf32, #tpu.memory_space<vmem>>
        tpu.vector_store_idx %scatter3A_241[%add3A_199], %get3A_238 : memref<3008xf32, #tpu.memory_space<vmem>>[vector<16xi32>], vector<16xf32>,
        %get3A_242 = arith.index_cast %scan3A_191 : i32 to index
        %get3A_243 = arith.constant 112 : index
        %get3A_244 = tpu.vector_load %arg6[%get3A_242, %get3A_243] {strides = array<i32>} : memref<100x128xf32, #tpu.memory_space<vmem>>, vector<16xf32>,
        %add3A_245 = arith.constant 22400 : i32
        %add3A_246 = arith.addi %multiple_of3A_196, %add3A_245 : i32
        %scatter3A_247 = tpu.memref_slice %arg9[%add3A_246] : memref<25600xf32, #tpu.memory_space<vmem>> -> memref<3008xf32, #tpu.memory_space<vmem>>
        tpu.vector_store_idx %scatter3A_247[%add3A_199], %get3A_244 : memref<3008xf32, #tpu.memory_space<vmem>>[vector<16xi32>], vector<16xf32>,
        %scan3A_248 = arith.constant 2 : i32
        %scan3A_249 = arith.addi %scan3A_138, %scan3A_248 : i32
        %add3A_250 = arith.constant 0 : i32
        %add3A_251 = arith.addi %add3A_250, %scan3A_249 : i32
        %and3A_252 = arith.constant -8 : i32
        %and3A_253 = arith.andi %add3A_251, %and3A_252 : i32
        %multiple_of3A_254 = tpu.assume_multiple %and3A_253, 8 : i32
        %sub3A_255 = arith.subi %add3A_251, %multiple_of3A_254 : i32
        %add3A_256 = vector.broadcast %sub3A_255 : i32 to vector<16xi32>
        %add3A_257 = arith.addi %mul3A_5, %add3A_256 : vector<16xi32>
        %get3A_258 = arith.index_cast %scan3A_249 : i32 to index
        %get3A_259 = arith.constant 0 : index
        %get3A_260 = tpu.vector_load %arg6[%get3A_258, %get3A_259] {strides = array<i32>} : memref<100x128xf32, #tpu.memory_space<vmem>>, vector<16xf32>,
        %add3A_261 = arith.constant 0 : i32
        %add3A_262 = arith.addi %multiple_of3A_254, %add3A_261 : i32
        %scatter3A_263 = tpu.memref_slice %arg9[%add3A_262] : memref<25600xf32, #tpu.memory_space<vmem>> -> memref<3008xf32, #tpu.memory_space<vmem>>
        tpu.vector_store_idx %scatter3A_263[%add3A_257], %get3A_260 : memref<3008xf32, #tpu.memory_space<vmem>>[vector<16xi32>], vector<16xf32>,
        %get3A_264 = arith.index_cast %scan3A_249 : i32 to index
        %get3A_265 = arith.constant 16 : index
        %get3A_266 = tpu.vector_load %arg6[%get3A_264, %get3A_265] {strides = array<i32>} : memref<100x128xf32, #tpu.memory_space<vmem>>, vector<16xf32>,
        %add3A_267 = arith.constant 3200 : i32
        %add3A_268 = arith.addi %multiple_of3A_254, %add3A_267 : i32
        %scatter3A_269 = tpu.memref_slice %arg9[%add3A_268] : memref<25600xf32, #tpu.memory_space<vmem>> -> memref<3008xf32, #tpu.memory_space<vmem>>
        tpu.vector_store_idx %scatter3A_269[%add3A_257], %get3A_266 : memref<3008xf32, #tpu.memory_space<vmem>>[vector<16xi32>], vector<16xf32>,
        %get3A_270 = arith.index_cast %scan3A_249 : i32 to index
        %get3A_271 = arith.constant 32 : index
        %get3A_272 = tpu.vector_load %arg6[%get3A_270, %get3A_271] {strides = array<i32>} : memref<100x128xf32, #tpu.memory_space<vmem>>, vector<16xf32>,
        %add3A_273 = arith.constant 6400 : i32
        %add3A_274 = arith.addi %multiple_of3A_254, %add3A_273 : i32
        %scatter3A_275 = tpu.memref_slice %arg9[%add3A_274] : memref<25600xf32, #tpu.memory_space<vmem>> -> memref<3008xf32, #tpu.memory_space<vmem>>
        tpu.vector_store_idx %scatter3A_275[%add3A_257], %get3A_272 : memref<3008xf32, #tpu.memory_space<vmem>>[vector<16xi32>], vector<16xf32>,
        %get3A_276 = arith.index_cast %scan3A_249 : i32 to index
        %get3A_277 = arith.constant 48 : index
        %get3A_278 = tpu.vector_load %arg6[%get3A_276, %get3A_277] {strides = array<i32>} : memref<100x128xf32, #tpu.memory_space<vmem>>, vector<16xf32>,
        %add3A_279 = arith.constant 9600 : i32
        %add3A_280 = arith.addi %multiple_of3A_254, %add3A_279 : i32
        %scatter3A_281 = tpu.memref_slice %arg9[%add3A_280] : memref<25600xf32, #tpu.memory_space<vmem>> -> memref<3008xf32, #tpu.memory_space<vmem>>
        tpu.vector_store_idx %scatter3A_281[%add3A_257], %get3A_278 : memref<3008xf32, #tpu.memory_space<vmem>>[vector<16xi32>], vector<16xf32>,
        %get3A_282 = arith.index_cast %scan3A_249 : i32 to index
        %get3A_283 = arith.constant 64 : index
        %get3A_284 = tpu.vector_load %arg6[%get3A_282, %get3A_283] {strides = array<i32>} : memref<100x128xf32, #tpu.memory_space<vmem>>, vector<16xf32>,
        %add3A_285 = arith.constant 12800 : i32
        %add3A_286 = arith.addi %multiple_of3A_254, %add3A_285 : i32
        %scatter3A_287 = tpu.memref_slice %arg9[%add3A_286] : memref<25600xf32, #tpu.memory_space<vmem>> -> memref<3008xf32, #tpu.memory_space<vmem>>
        tpu.vector_store_idx %scatter3A_287[%add3A_257], %get3A_284 : memref<3008xf32, #tpu.memory_space<vmem>>[vector<16xi32>], vector<16xf32>,
        %get3A_288 = arith.index_cast %scan3A_249 : i32 to index
        %get3A_289 = arith.constant 80 : index
        %get3A_290 = tpu.vector_load %arg6[%get3A_288, %get3A_289] {strides = array<i32>} : memref<100x128xf32, #tpu.memory_space<vmem>>, vector<16xf32>,
        %add3A_291 = arith.constant 16000 : i32
        %add3A_292 = arith.addi %multiple_of3A_254, %add3A_291 : i32
        %scatter3A_293 = tpu.memref_slice %arg9[%add3A_292] : memref<25600xf32, #tpu.memory_space<vmem>> -> memref<3008xf32, #tpu.memory_space<vmem>>
        tpu.vector_store_idx %scatter3A_293[%add3A_257], %get3A_290 : memref<3008xf32, #tpu.memory_space<vmem>>[vector<16xi32>], vector<16xf32>,
        %get3A_294 = arith.index_cast %scan3A_249 : i32 to index
        %get3A_295 = arith.constant 96 : index
        %get3A_296 = tpu.vector_load %arg6[%get3A_294, %get3A_295] {strides = array<i32>} : memref<100x128xf32, #tpu.memory_space<vmem>>, vector<16xf32>,
        %add3A_297 = arith.constant 19200 : i32
        %add3A_298 = arith.addi %multiple_of3A_254, %add3A_297 : i32
        %scatter3A_299 = tpu.memref_slice %arg9[%add3A_298] : memref<25600xf32, #tpu.memory_space<vmem>> -> memref<3008xf32, #tpu.memory_space<vmem>>
        tpu.vector_store_idx %scatter3A_299[%add3A_257], %get3A_296 : memref<3008xf32, #tpu.memory_space<vmem>>[vector<16xi32>], vector<16xf32>,
        %get3A_300 = arith.index_cast %scan3A_249 : i32 to index
        %get3A_301 = arith.constant 112 : index
        %get3A_302 = tpu.vector_load %arg6[%get3A_300, %get3A_301] {strides = array<i32>} : memref<100x128xf32, #tpu.memory_space<vmem>>, vector<16xf32>,
        %add3A_303 = arith.constant 22400 : i32
        %add3A_304 = arith.addi %multiple_of3A_254, %add3A_303 : i32
        %scatter3A_305 = tpu.memref_slice %arg9[%add3A_304] : memref<25600xf32, #tpu.memory_space<vmem>> -> memref<3008xf32, #tpu.memory_space<vmem>>
        tpu.vector_store_idx %scatter3A_305[%add3A_257], %get3A_302 : memref<3008xf32, #tpu.memory_space<vmem>>[vector<16xi32>], vector<16xf32>,
        %scan3A_306 = arith.constant 3 : i32
        %scan3A_307 = arith.addi %scan3A_138, %scan3A_306 : i32
        %add3A_308 = arith.constant 0 : i32
        %add3A_309 = arith.addi %add3A_308, %scan3A_307 : i32
        %and3A_310 = arith.constant -8 : i32
        %and3A_311 = arith.andi %add3A_309, %and3A_310 : i32
        %multiple_of3A_312 = tpu.assume_multiple %and3A_311, 8 : i32
        %sub3A_313 = arith.subi %add3A_309, %multiple_of3A_312 : i32
        %add3A_314 = vector.broadcast %sub3A_313 : i32 to vector<16xi32>
        %add3A_315 = arith.addi %mul3A_5, %add3A_314 : vector<16xi32>
        %get3A_316 = arith.index_cast %scan3A_307 : i32 to index
        %get3A_317 = arith.constant 0 : index
        %get3A_318 = tpu.vector_load %arg6[%get3A_316, %get3A_317] {strides = array<i32>} : memref<100x128xf32, #tpu.memory_space<vmem>>, vector<16xf32>,
        %add3A_319 = arith.constant 0 : i32
        %add3A_320 = arith.addi %multiple_of3A_312, %add3A_319 : i32
        %scatter3A_321 = tpu.memref_slice %arg9[%add3A_320] : memref<25600xf32, #tpu.memory_space<vmem>> -> memref<3008xf32, #tpu.memory_space<vmem>>
        tpu.vector_store_idx %scatter3A_321[%add3A_315], %get3A_318 : memref<3008xf32, #tpu.memory_space<vmem>>[vector<16xi32>], vector<16xf32>,
        %get3A_322 = arith.index_cast %scan3A_307 : i32 to index
        %get3A_323 = arith.constant 16 : index
        %get3A_324 = tpu.vector_load %arg6[%get3A_322, %get3A_323] {strides = array<i32>} : memref<100x128xf32, #tpu.memory_space<vmem>>, vector<16xf32>,
        %add3A_325 = arith.constant 3200 : i32
        %add3A_326 = arith.addi %multiple_of3A_312, %add3A_325 : i32
        %scatter3A_327 = tpu.memref_slice %arg9[%add3A_326] : memref<25600xf32, #tpu.memory_space<vmem>> -> memref<3008xf32, #tpu.memory_space<vmem>>
        tpu.vector_store_idx %scatter3A_327[%add3A_315], %get3A_324 : memref<3008xf32, #tpu.memory_space<vmem>>[vector<16xi32>], vector<16xf32>,
        %get3A_328 = arith.index_cast %scan3A_307 : i32 to index
        %get3A_329 = arith.constant 32 : index
        %get3A_330 = tpu.vector_load %arg6[%get3A_328, %get3A_329] {strides = array<i32>} : memref<100x128xf32, #tpu.memory_space<vmem>>, vector<16xf32>,
        %add3A_331 = arith.constant 6400 : i32
        %add3A_332 = arith.addi %multiple_of3A_312, %add3A_331 : i32
        %scatter3A_333 = tpu.memref_slice %arg9[%add3A_332] : memref<25600xf32, #tpu.memory_space<vmem>> -> memref<3008xf32, #tpu.memory_space<vmem>>
        tpu.vector_store_idx %scatter3A_333[%add3A_315], %get3A_330 : memref<3008xf32, #tpu.memory_space<vmem>>[vector<16xi32>], vector<16xf32>,
        %get3A_334 = arith.index_cast %scan3A_307 : i32 to index
        %get3A_335 = arith.constant 48 : index
        %get3A_336 = tpu.vector_load %arg6[%get3A_334, %get3A_335] {strides = array<i32>} : memref<100x128xf32, #tpu.memory_space<vmem>>, vector<16xf32>,
        %add3A_337 = arith.constant 9600 : i32
        %add3A_338 = arith.addi %multiple_of3A_312, %add3A_337 : i32
        %scatter3A_339 = tpu.memref_slice %arg9[%add3A_338] : memref<25600xf32, #tpu.memory_space<vmem>> -> memref<3008xf32, #tpu.memory_space<vmem>>
        tpu.vector_store_idx %scatter3A_339[%add3A_315], %get3A_336 : memref<3008xf32, #tpu.memory_space<vmem>>[vector<16xi32>], vector<16xf32>,
        %get3A_340 = arith.index_cast %scan3A_307 : i32 to index
        %get3A_341 = arith.constant 64 : index
        %get3A_342 = tpu.vector_load %arg6[%get3A_340, %get3A_341] {strides = array<i32>} : memref<100x128xf32, #tpu.memory_space<vmem>>, vector<16xf32>,
        %add3A_343 = arith.constant 12800 : i32
        %add3A_344 = arith.addi %multiple_of3A_312, %add3A_343 : i32
        %scatter3A_345 = tpu.memref_slice %arg9[%add3A_344] : memref<25600xf32, #tpu.memory_space<vmem>> -> memref<3008xf32, #tpu.memory_space<vmem>>
        tpu.vector_store_idx %scatter3A_345[%add3A_315], %get3A_342 : memref<3008xf32, #tpu.memory_space<vmem>>[vector<16xi32>], vector<16xf32>,
        %get3A_346 = arith.index_cast %scan3A_307 : i32 to index
        %get3A_347 = arith.constant 80 : index
        %get3A_348 = tpu.vector_load %arg6[%get3A_346, %get3A_347] {strides = array<i32>} : memref<100x128xf32, #tpu.memory_space<vmem>>, vector<16xf32>,
        %add3A_349 = arith.constant 16000 : i32
        %add3A_350 = arith.addi %multiple_of3A_312, %add3A_349 : i32
        %scatter3A_351 = tpu.memref_slice %arg9[%add3A_350] : memref<25600xf32, #tpu.memory_space<vmem>> -> memref<3008xf32, #tpu.memory_space<vmem>>
        tpu.vector_store_idx %scatter3A_351[%add3A_315], %get3A_348 : memref<3008xf32, #tpu.memory_space<vmem>>[vector<16xi32>], vector<16xf32>,
        %get3A_352 = arith.index_cast %scan3A_307 : i32 to index
        %get3A_353 = arith.constant 96 : index
        %get3A_354 = tpu.vector_load %arg6[%get3A_352, %get3A_353] {strides = array<i32>} : memref<100x128xf32, #tpu.memory_space<vmem>>, vector<16xf32>,
        %add3A_355 = arith.constant 19200 : i32
        %add3A_356 = arith.addi %multiple_of3A_312, %add3A_355 : i32
        %scatter3A_357 = tpu.memref_slice %arg9[%add3A_356] : memref<25600xf32, #tpu.memory_space<vmem>> -> memref<3008xf32, #tpu.memory_space<vmem>>
        tpu.vector_store_idx %scatter3A_357[%add3A_315], %get3A_354 : memref<3008xf32, #tpu.memory_space<vmem>>[vector<16xi32>], vector<16xf32>,
        %get3A_358 = arith.index_cast %scan3A_307 : i32 to index
        %get3A_359 = arith.constant 112 : index
        %get3A_360 = tpu.vector_load %arg6[%get3A_358, %get3A_359] {strides = array<i32>} : memref<100x128xf32, #tpu.memory_space<vmem>>, vector<16xf32>,
        %add3A_361 = arith.constant 22400 : i32
        %add3A_362 = arith.addi %multiple_of3A_312, %add3A_361 : i32
        %scatter3A_363 = tpu.memref_slice %arg9[%add3A_362] : memref<25600xf32, #tpu.memory_space<vmem>> -> memref<3008xf32, #tpu.memory_space<vmem>>
        tpu.vector_store_idx %scatter3A_363[%add3A_315], %get3A_360 : memref<3008xf32, #tpu.memory_space<vmem>>[vector<16xi32>], vector<16xf32>,
        %scan3A_364 = arith.constant 4 : i32
        %scan3A_365 = arith.addi %scan3A_138, %scan3A_364 : i32
        %add3A_366 = arith.constant 0 : i32
        %add3A_367 = arith.addi %add3A_366, %scan3A_365 : i32
        %and3A_368 = arith.constant -8 : i32
        %and3A_369 = arith.andi %add3A_367, %and3A_368 : i32
        %multiple_of3A_370 = tpu.assume_multiple %and3A_369, 8 : i32
        %sub3A_371 = arith.subi %add3A_367, %multiple_of3A_370 : i32
        %add3A_372 = vector.broadcast %sub3A_371 : i32 to vector<16xi32>
        %add3A_373 = arith.addi %mul3A_5, %add3A_372 : vector<16xi32>
        %get3A_374 = arith.index_cast %scan3A_365 : i32 to index
        %get3A_375 = arith.constant 0 : index
        %get3A_376 = tpu.vector_load %arg6[%get3A_374, %get3A_375] {strides = array<i32>} : memref<100x128xf32, #tpu.memory_space<vmem>>, vector<16xf32>,
        %add3A_377 = arith.constant 0 : i32
        %add3A_378 = arith.addi %multiple_of3A_370, %add3A_377 : i32
        %scatter3A_379 = tpu.memref_slice %arg9[%add3A_378] : memref<25600xf32, #tpu.memory_space<vmem>> -> memref<3008xf32, #tpu.memory_space<vmem>>
        tpu.vector_store_idx %scatter3A_379[%add3A_373], %get3A_376 : memref<3008xf32, #tpu.memory_space<vmem>>[vector<16xi32>], vector<16xf32>,
        %get3A_380 = arith.index_cast %scan3A_365 : i32 to index
        %get3A_381 = arith.constant 16 : index
        %get3A_382 = tpu.vector_load %arg6[%get3A_380, %get3A_381] {strides = array<i32>} : memref<100x128xf32, #tpu.memory_space<vmem>>, vector<16xf32>,
        %add3A_383 = arith.constant 3200 : i32
        %add3A_384 = arith.addi %multiple_of3A_370, %add3A_383 : i32
        %scatter3A_385 = tpu.memref_slice %arg9[%add3A_384] : memref<25600xf32, #tpu.memory_space<vmem>> -> memref<3008xf32, #tpu.memory_space<vmem>>
        tpu.vector_store_idx %scatter3A_385[%add3A_373], %get3A_382 : memref<3008xf32, #tpu.memory_space<vmem>>[vector<16xi32>], vector<16xf32>,
        %get3A_386 = arith.index_cast %scan3A_365 : i32 to index
        %get3A_387 = arith.constant 32 : index
        %get3A_388 = tpu.vector_load %arg6[%get3A_386, %get3A_387] {strides = array<i32>} : memref<100x128xf32, #tpu.memory_space<vmem>>, vector<16xf32>,
        %add3A_389 = arith.constant 6400 : i32
        %add3A_390 = arith.addi %multiple_of3A_370, %add3A_389 : i32
        %scatter3A_391 = tpu.memref_slice %arg9[%add3A_390] : memref<25600xf32, #tpu.memory_space<vmem>> -> memref<3008xf32, #tpu.memory_space<vmem>>
        tpu.vector_store_idx %scatter3A_391[%add3A_373], %get3A_388 : memref<3008xf32, #tpu.memory_space<vmem>>[vector<16xi32>], vector<16xf32>,
        %get3A_392 = arith.index_cast %scan3A_365 : i32 to index
        %get3A_393 = arith.constant 48 : index
        %get3A_394 = tpu.vector_load %arg6[%get3A_392, %get3A_393] {strides = array<i32>} : memref<100x128xf32, #tpu.memory_space<vmem>>, vector<16xf32>,
        %add3A_395 = arith.constant 9600 : i32
        %add3A_396 = arith.addi %multiple_of3A_370, %add3A_395 : i32
        %scatter3A_397 = tpu.memref_slice %arg9[%add3A_396] : memref<25600xf32, #tpu.memory_space<vmem>> -> memref<3008xf32, #tpu.memory_space<vmem>>
        tpu.vector_store_idx %scatter3A_397[%add3A_373], %get3A_394 : memref<3008xf32, #tpu.memory_space<vmem>>[vector<16xi32>], vector<16xf32>,
        %get3A_398 = arith.index_cast %scan3A_365 : i32 to index
        %get3A_399 = arith.constant 64 : index
        %get3A_400 = tpu.vector_load %arg6[%get3A_398, %get3A_399] {strides = array<i32>} : memref<100x128xf32, #tpu.memory_space<vmem>>, vector<16xf32>,
        %add3A_401 = arith.constant 12800 : i32
        %add3A_402 = arith.addi %multiple_of3A_370, %add3A_401 : i32
        %scatter3A_403 = tpu.memref_slice %arg9[%add3A_402] : memref<25600xf32, #tpu.memory_space<vmem>> -> memref<3008xf32, #tpu.memory_space<vmem>>
        tpu.vector_store_idx %scatter3A_403[%add3A_373], %get3A_400 : memref<3008xf32, #tpu.memory_space<vmem>>[vector<16xi32>], vector<16xf32>,
        %get3A_404 = arith.index_cast %scan3A_365 : i32 to index
        %get3A_405 = arith.constant 80 : index
        %get3A_406 = tpu.vector_load %arg6[%get3A_404, %get3A_405] {strides = array<i32>} : memref<100x128xf32, #tpu.memory_space<vmem>>, vector<16xf32>,
        %add3A_407 = arith.constant 16000 : i32
        %add3A_408 = arith.addi %multiple_of3A_370, %add3A_407 : i32
        %scatter3A_409 = tpu.memref_slice %arg9[%add3A_408] : memref<25600xf32, #tpu.memory_space<vmem>> -> memref<3008xf32, #tpu.memory_space<vmem>>
        tpu.vector_store_idx %scatter3A_409[%add3A_373], %get3A_406 : memref<3008xf32, #tpu.memory_space<vmem>>[vector<16xi32>], vector<16xf32>,
        %get3A_410 = arith.index_cast %scan3A_365 : i32 to index
        %get3A_411 = arith.constant 96 : index
        %get3A_412 = tpu.vector_load %arg6[%get3A_410, %get3A_411] {strides = array<i32>} : memref<100x128xf32, #tpu.memory_space<vmem>>, vector<16xf32>,
        %add3A_413 = arith.constant 19200 : i32
        %add3A_414 = arith.addi %multiple_of3A_370, %add3A_413 : i32
        %scatter3A_415 = tpu.memref_slice %arg9[%add3A_414] : memref<25600xf32, #tpu.memory_space<vmem>> -> memref<3008xf32, #tpu.memory_space<vmem>>
        tpu.vector_store_idx %scatter3A_415[%add3A_373], %get3A_412 : memref<3008xf32, #tpu.memory_space<vmem>>[vector<16xi32>], vector<16xf32>,
        %get3A_416 = arith.index_cast %scan3A_365 : i32 to index
        %get3A_417 = arith.constant 112 : index
        %get3A_418 = tpu.vector_load %arg6[%get3A_416, %get3A_417] {strides = array<i32>} : memref<100x128xf32, #tpu.memory_space<vmem>>, vector<16xf32>,
        %add3A_419 = arith.constant 22400 : i32
        %add3A_420 = arith.addi %multiple_of3A_370, %add3A_419 : i32
        %scatter3A_421 = tpu.memref_slice %arg9[%add3A_420] : memref<25600xf32, #tpu.memory_space<vmem>> -> memref<3008xf32, #tpu.memory_space<vmem>>
        tpu.vector_store_idx %scatter3A_421[%add3A_373], %get3A_418 : memref<3008xf32, #tpu.memory_space<vmem>>[vector<16xi32>], vector<16xf32>,
      }
      %scan3A_114 = arith.constant 100 : i32
      %dma_wait3A_115 = arith.constant 1 : i32
      %dma_wait3A_116 = arith.constant 0 : i32
      %dma_wait3A_117 = tpu.memref_slice %arg5[%add3A_37, %dma_wait3A_115, %dma_wait3A_116] : memref<128x2x100xi32, #tpu.memory_space<vmem>> -> memref<1x1x100xi32, #tpu.memory_space<vmem>>
      %dma_wait3A_118 = tpu.memref_squeeze %dma_wait3A_117 : memref<1x1x100xi32, #tpu.memory_space<vmem>> -> memref<100xi32, #tpu.memory_space<vmem>>
      %dma_wait3A_119 = arith.constant 0 : i32
      %dma_wait3A_120 = arith.constant 0 : i32
      %dma_wait3A_121 = tpu.memref_slice %arg3[%dma_wait3A_119, %dma_wait3A_120] : memref<100000x128xf32, #tpu.memory_space<hbm>> -> memref<100000x128xf32, #tpu.memory_space<hbm>>
      tpu.wait_indirect_dma semaphore(%arg11 : memref<!tpu.dma_semaphore, #tpu.memory_space<semaphore_mem>>) src(%dma_wait3A_121 : memref<100000x128xf32, #tpu.memory_space<hbm>>) dst(%arg7 : memref<100x128xf32, #tpu.memory_space<vmem>>)
      %convert_element_type3A_122 = arith.extui %lt3A_89 : i1 to i32
      %cond3A_123 = arith.constant 0 : i32
      %cond3A_124 = arith.cmpi ne, %convert_element_type3A_122, %cond3A_123 : i32
      scf.if %cond3A_124 {
        %dma_start3A_138 = arith.constant 0 : i32
        %dma_start3A_139 = arith.constant 0 : i32
        %dma_start3A_140 = tpu.memref_slice %arg5[%add3A_88, %dma_start3A_138, %dma_start3A_139] : memref<128x2x100xi32, #tpu.memory_space<vmem>> -> memref<1x1x100xi32, #tpu.memory_space<vmem>>
        %dma_start3A_141 = tpu.memref_squeeze %dma_start3A_140 : memref<1x1x100xi32, #tpu.memory_space<vmem>> -> memref<100xi32, #tpu.memory_space<vmem>>
        %dma_start3A_142 = arith.constant 0 : i32
        %dma_start3A_143 = arith.constant 0 : i32
        %dma_start3A_144 = tpu.memref_slice %arg3[%dma_start3A_142, %dma_start3A_143] : memref<100000x128xf32, #tpu.memory_space<hbm>> -> memref<100000x128xf32, #tpu.memory_space<hbm>>
        tpu.enqueue_indirect_dma source(%dma_start3A_144 : memref<100000x128xf32, #tpu.memory_space<hbm>>) target(%arg6 : memref<100x128xf32, #tpu.memory_space<vmem>>) offsets(%dma_start3A_141 : memref<100xi32, #tpu.memory_space<vmem>>) semaphore(%arg10 : memref<!tpu.dma_semaphore, #tpu.memory_space<semaphore_mem>>)
      } else {
      }
      %scan3A_125 = arith.constant 0 : i32
      %scan3A_126 = arith.constant 0 : i32
      %scan3A_127 = arith.constant 100 : i32
      %scan3A_128 = arith.addi %scan3A_126, %scan3A_127 : i32
      %scan3A_129 = arith.constant 5 : i32
      scf.for %scan3A_138 = %scan3A_126 to %scan3A_128 step %scan3A_129  : i32 {
        %add3A_139 = arith.constant 100 : i32
        %add3A_140 = arith.addi %add3A_139, %scan3A_138 : i32
        %and3A = arith.constant -8 : i32
        %and3A_141 = arith.andi %add3A_140, %and3A : i32
        %multiple_of3A = tpu.assume_multiple %and3A_141, 8 : i32
        %sub3A = arith.subi %add3A_140, %multiple_of3A : i32
        %add3A_142 = vector.broadcast %sub3A : i32 to vector<16xi32>
        %add3A_143 = arith.addi %mul3A_5, %add3A_142 : vector<16xi32>
        %get3A = arith.index_cast %scan3A_138 : i32 to index
        %get3A_144 = arith.constant 0 : index
        %get3A_145 = tpu.vector_load %arg7[%get3A, %get3A_144] {strides = array<i32>} : memref<100x128xf32, #tpu.memory_space<vmem>>, vector<16xf32>,
        %add3A_146 = arith.constant 0 : i32
        %add3A_147 = arith.addi %multiple_of3A, %add3A_146 : i32
        %scatter3A = tpu.memref_slice %arg9[%add3A_147] : memref<25600xf32, #tpu.memory_space<vmem>> -> memref<3008xf32, #tpu.memory_space<vmem>>
        tpu.vector_store_idx %scatter3A[%add3A_143], %get3A_145 : memref<3008xf32, #tpu.memory_space<vmem>>[vector<16xi32>], vector<16xf32>,
        %get3A_148 = arith.index_cast %scan3A_138 : i32 to index
        %get3A_149 = arith.constant 16 : index
        %get3A_150 = tpu.vector_load %arg7[%get3A_148, %get3A_149] {strides = array<i32>} : memref<100x128xf32, #tpu.memory_space<vmem>>, vector<16xf32>,
        %add3A_151 = arith.constant 3200 : i32
        %add3A_152 = arith.addi %multiple_of3A, %add3A_151 : i32
        %scatter3A_153 = tpu.memref_slice %arg9[%add3A_152] : memref<25600xf32, #tpu.memory_space<vmem>> -> memref<3008xf32, #tpu.memory_space<vmem>>
        tpu.vector_store_idx %scatter3A_153[%add3A_143], %get3A_150 : memref<3008xf32, #tpu.memory_space<vmem>>[vector<16xi32>], vector<16xf32>,
        %get3A_154 = arith.index_cast %scan3A_138 : i32 to index
        %get3A_155 = arith.constant 32 : index
        %get3A_156 = tpu.vector_load %arg7[%get3A_154, %get3A_155] {strides = array<i32>} : memref<100x128xf32, #tpu.memory_space<vmem>>, vector<16xf32>,
        %add3A_157 = arith.constant 6400 : i32
        %add3A_158 = arith.addi %multiple_of3A, %add3A_157 : i32
        %scatter3A_159 = tpu.memref_slice %arg9[%add3A_158] : memref<25600xf32, #tpu.memory_space<vmem>> -> memref<3008xf32, #tpu.memory_space<vmem>>
        tpu.vector_store_idx %scatter3A_159[%add3A_143], %get3A_156 : memref<3008xf32, #tpu.memory_space<vmem>>[vector<16xi32>], vector<16xf32>,
        %get3A_160 = arith.index_cast %scan3A_138 : i32 to index
        %get3A_161 = arith.constant 48 : index
        %get3A_162 = tpu.vector_load %arg7[%get3A_160, %get3A_161] {strides = array<i32>} : memref<100x128xf32, #tpu.memory_space<vmem>>, vector<16xf32>,
        %add3A_163 = arith.constant 9600 : i32
        %add3A_164 = arith.addi %multiple_of3A, %add3A_163 : i32
        %scatter3A_165 = tpu.memref_slice %arg9[%add3A_164] : memref<25600xf32, #tpu.memory_space<vmem>> -> memref<3008xf32, #tpu.memory_space<vmem>>
        tpu.vector_store_idx %scatter3A_165[%add3A_143], %get3A_162 : memref<3008xf32, #tpu.memory_space<vmem>>[vector<16xi32>], vector<16xf32>,
        %get3A_166 = arith.index_cast %scan3A_138 : i32 to index
        %get3A_167 = arith.constant 64 : index
        %get3A_168 = tpu.vector_load %arg7[%get3A_166, %get3A_167] {strides = array<i32>} : memref<100x128xf32, #tpu.memory_space<vmem>>, vector<16xf32>,
        %add3A_169 = arith.constant 12800 : i32
        %add3A_170 = arith.addi %multiple_of3A, %add3A_169 : i32
        %scatter3A_171 = tpu.memref_slice %arg9[%add3A_170] : memref<25600xf32, #tpu.memory_space<vmem>> -> memref<3008xf32, #tpu.memory_space<vmem>>
        tpu.vector_store_idx %scatter3A_171[%add3A_143], %get3A_168 : memref<3008xf32, #tpu.memory_space<vmem>>[vector<16xi32>], vector<16xf32>,
        %get3A_172 = arith.index_cast %scan3A_138 : i32 to index
        %get3A_173 = arith.constant 80 : index
        %get3A_174 = tpu.vector_load %arg7[%get3A_172, %get3A_173] {strides = array<i32>} : memref<100x128xf32, #tpu.memory_space<vmem>>, vector<16xf32>,
        %add3A_175 = arith.constant 16000 : i32
        %add3A_176 = arith.addi %multiple_of3A, %add3A_175 : i32
        %scatter3A_177 = tpu.memref_slice %arg9[%add3A_176] : memref<25600xf32, #tpu.memory_space<vmem>> -> memref<3008xf32, #tpu.memory_space<vmem>>
        tpu.vector_store_idx %scatter3A_177[%add3A_143], %get3A_174 : memref<3008xf32, #tpu.memory_space<vmem>>[vector<16xi32>], vector<16xf32>,
        %get3A_178 = arith.index_cast %scan3A_138 : i32 to index
        %get3A_179 = arith.constant 96 : index
        %get3A_180 = tpu.vector_load %arg7[%get3A_178, %get3A_179] {strides = array<i32>} : memref<100x128xf32, #tpu.memory_space<vmem>>, vector<16xf32>,
        %add3A_181 = arith.constant 19200 : i32
        %add3A_182 = arith.addi %multiple_of3A, %add3A_181 : i32
        %scatter3A_183 = tpu.memref_slice %arg9[%add3A_182] : memref<25600xf32, #tpu.memory_space<vmem>> -> memref<3008xf32, #tpu.memory_space<vmem>>
        tpu.vector_store_idx %scatter3A_183[%add3A_143], %get3A_180 : memref<3008xf32, #tpu.memory_space<vmem>>[vector<16xi32>], vector<16xf32>,
        %get3A_184 = arith.index_cast %scan3A_138 : i32 to index
        %get3A_185 = arith.constant 112 : index
        %get3A_186 = tpu.vector_load %arg7[%get3A_184, %get3A_185] {strides = array<i32>} : memref<100x128xf32, #tpu.memory_space<vmem>>, vector<16xf32>,
        %add3A_187 = arith.constant 22400 : i32
        %add3A_188 = arith.addi %multiple_of3A, %add3A_187 : i32
        %scatter3A_189 = tpu.memref_slice %arg9[%add3A_188] : memref<25600xf32, #tpu.memory_space<vmem>> -> memref<3008xf32, #tpu.memory_space<vmem>>
        tpu.vector_store_idx %scatter3A_189[%add3A_143], %get3A_186 : memref<3008xf32, #tpu.memory_space<vmem>>[vector<16xi32>], vector<16xf32>,
        %scan3A_190 = arith.constant 1 : i32
        %scan3A_191 = arith.addi %scan3A_138, %scan3A_190 : i32
        %add3A_192 = arith.constant 100 : i32
        %add3A_193 = arith.addi %add3A_192, %scan3A_191 : i32
        %and3A_194 = arith.constant -8 : i32
        %and3A_195 = arith.andi %add3A_193, %and3A_194 : i32
        %multiple_of3A_196 = tpu.assume_multiple %and3A_195, 8 : i32
        %sub3A_197 = arith.subi %add3A_193, %multiple_of3A_196 : i32
        %add3A_198 = vector.broadcast %sub3A_197 : i32 to vector<16xi32>
        %add3A_199 = arith.addi %mul3A_5, %add3A_198 : vector<16xi32>
        %get3A_200 = arith.index_cast %scan3A_191 : i32 to index
        %get3A_201 = arith.constant 0 : index
        %get3A_202 = tpu.vector_load %arg7[%get3A_200, %get3A_201] {strides = array<i32>} : memref<100x128xf32, #tpu.memory_space<vmem>>, vector<16xf32>,
        %add3A_203 = arith.constant 0 : i32
        %add3A_204 = arith.addi %multiple_of3A_196, %add3A_203 : i32
        %scatter3A_205 = tpu.memref_slice %arg9[%add3A_204] : memref<25600xf32, #tpu.memory_space<vmem>> -> memref<3008xf32, #tpu.memory_space<vmem>>
        tpu.vector_store_idx %scatter3A_205[%add3A_199], %get3A_202 : memref<3008xf32, #tpu.memory_space<vmem>>[vector<16xi32>], vector<16xf32>,
        %get3A_206 = arith.index_cast %scan3A_191 : i32 to index
        %get3A_207 = arith.constant 16 : index
        %get3A_208 = tpu.vector_load %arg7[%get3A_206, %get3A_207] {strides = array<i32>} : memref<100x128xf32, #tpu.memory_space<vmem>>, vector<16xf32>,
        %add3A_209 = arith.constant 3200 : i32
        %add3A_210 = arith.addi %multiple_of3A_196, %add3A_209 : i32
        %scatter3A_211 = tpu.memref_slice %arg9[%add3A_210] : memref<25600xf32, #tpu.memory_space<vmem>> -> memref<3008xf32, #tpu.memory_space<vmem>>
        tpu.vector_store_idx %scatter3A_211[%add3A_199], %get3A_208 : memref<3008xf32, #tpu.memory_space<vmem>>[vector<16xi32>], vector<16xf32>,
        %get3A_212 = arith.index_cast %scan3A_191 : i32 to index
        %get3A_213 = arith.constant 32 : index
        %get3A_214 = tpu.vector_load %arg7[%get3A_212, %get3A_213] {strides = array<i32>} : memref<100x128xf32, #tpu.memory_space<vmem>>, vector<16xf32>,
        %add3A_215 = arith.constant 6400 : i32
        %add3A_216 = arith.addi %multiple_of3A_196, %add3A_215 : i32
        %scatter3A_217 = tpu.memref_slice %arg9[%add3A_216] : memref<25600xf32, #tpu.memory_space<vmem>> -> memref<3008xf32, #tpu.memory_space<vmem>>
        tpu.vector_store_idx %scatter3A_217[%add3A_199], %get3A_214 : memref<3008xf32, #tpu.memory_space<vmem>>[vector<16xi32>], vector<16xf32>,
        %get3A_218 = arith.index_cast %scan3A_191 : i32 to index
        %get3A_219 = arith.constant 48 : index
        %get3A_220 = tpu.vector_load %arg7[%get3A_218, %get3A_219] {strides = array<i32>} : memref<100x128xf32, #tpu.memory_space<vmem>>, vector<16xf32>,
        %add3A_221 = arith.constant 9600 : i32
        %add3A_222 = arith.addi %multiple_of3A_196, %add3A_221 : i32
        %scatter3A_223 = tpu.memref_slice %arg9[%add3A_222] : memref<25600xf32, #tpu.memory_space<vmem>> -> memref<3008xf32, #tpu.memory_space<vmem>>
        tpu.vector_store_idx %scatter3A_223[%add3A_199], %get3A_220 : memref<3008xf32, #tpu.memory_space<vmem>>[vector<16xi32>], vector<16xf32>,
        %get3A_224 = arith.index_cast %scan3A_191 : i32 to index
        %get3A_225 = arith.constant 64 : index
        %get3A_226 = tpu.vector_load %arg7[%get3A_224, %get3A_225] {strides = array<i32>} : memref<100x128xf32, #tpu.memory_space<vmem>>, vector<16xf32>,
        %add3A_227 = arith.constant 12800 : i32
        %add3A_228 = arith.addi %multiple_of3A_196, %add3A_227 : i32
        %scatter3A_229 = tpu.memref_slice %arg9[%add3A_228] : memref<25600xf32, #tpu.memory_space<vmem>> -> memref<3008xf32, #tpu.memory_space<vmem>>
        tpu.vector_store_idx %scatter3A_229[%add3A_199], %get3A_226 : memref<3008xf32, #tpu.memory_space<vmem>>[vector<16xi32>], vector<16xf32>,
        %get3A_230 = arith.index_cast %scan3A_191 : i32 to index
        %get3A_231 = arith.constant 80 : index
        %get3A_232 = tpu.vector_load %arg7[%get3A_230, %get3A_231] {strides = array<i32>} : memref<100x128xf32, #tpu.memory_space<vmem>>, vector<16xf32>,
        %add3A_233 = arith.constant 16000 : i32
        %add3A_234 = arith.addi %multiple_of3A_196, %add3A_233 : i32
        %scatter3A_235 = tpu.memref_slice %arg9[%add3A_234] : memref<25600xf32, #tpu.memory_space<vmem>> -> memref<3008xf32, #tpu.memory_space<vmem>>
        tpu.vector_store_idx %scatter3A_235[%add3A_199], %get3A_232 : memref<3008xf32, #tpu.memory_space<vmem>>[vector<16xi32>], vector<16xf32>,
        %get3A_236 = arith.index_cast %scan3A_191 : i32 to index
        %get3A_237 = arith.constant 96 : index
        %get3A_238 = tpu.vector_load %arg7[%get3A_236, %get3A_237] {strides = array<i32>} : memref<100x128xf32, #tpu.memory_space<vmem>>, vector<16xf32>,
        %add3A_239 = arith.constant 19200 : i32
        %add3A_240 = arith.addi %multiple_of3A_196, %add3A_239 : i32
        %scatter3A_241 = tpu.memref_slice %arg9[%add3A_240] : memref<25600xf32, #tpu.memory_space<vmem>> -> memref<3008xf32, #tpu.memory_space<vmem>>
        tpu.vector_store_idx %scatter3A_241[%add3A_199], %get3A_238 : memref<3008xf32, #tpu.memory_space<vmem>>[vector<16xi32>], vector<16xf32>,
        %get3A_242 = arith.index_cast %scan3A_191 : i32 to index
        %get3A_243 = arith.constant 112 : index
        %get3A_244 = tpu.vector_load %arg7[%get3A_242, %get3A_243] {strides = array<i32>} : memref<100x128xf32, #tpu.memory_space<vmem>>, vector<16xf32>,
        %add3A_245 = arith.constant 22400 : i32
        %add3A_246 = arith.addi %multiple_of3A_196, %add3A_245 : i32
        %scatter3A_247 = tpu.memref_slice %arg9[%add3A_246] : memref<25600xf32, #tpu.memory_space<vmem>> -> memref<3008xf32, #tpu.memory_space<vmem>>
        tpu.vector_store_idx %scatter3A_247[%add3A_199], %get3A_244 : memref<3008xf32, #tpu.memory_space<vmem>>[vector<16xi32>], vector<16xf32>,
        %scan3A_248 = arith.constant 2 : i32
        %scan3A_249 = arith.addi %scan3A_138, %scan3A_248 : i32
        %add3A_250 = arith.constant 100 : i32
        %add3A_251 = arith.addi %add3A_250, %scan3A_249 : i32
        %and3A_252 = arith.constant -8 : i32
        %and3A_253 = arith.andi %add3A_251, %and3A_252 : i32
        %multiple_of3A_254 = tpu.assume_multiple %and3A_253, 8 : i32
        %sub3A_255 = arith.subi %add3A_251, %multiple_of3A_254 : i32
        %add3A_256 = vector.broadcast %sub3A_255 : i32 to vector<16xi32>
        %add3A_257 = arith.addi %mul3A_5, %add3A_256 : vector<16xi32>
        %get3A_258 = arith.index_cast %scan3A_249 : i32 to index
        %get3A_259 = arith.constant 0 : index
        %get3A_260 = tpu.vector_load %arg7[%get3A_258, %get3A_259] {strides = array<i32>} : memref<100x128xf32, #tpu.memory_space<vmem>>, vector<16xf32>,
        %add3A_261 = arith.constant 0 : i32
        %add3A_262 = arith.addi %multiple_of3A_254, %add3A_261 : i32
        %scatter3A_263 = tpu.memref_slice %arg9[%add3A_262] : memref<25600xf32, #tpu.memory_space<vmem>> -> memref<3008xf32, #tpu.memory_space<vmem>>
        tpu.vector_store_idx %scatter3A_263[%add3A_257], %get3A_260 : memref<3008xf32, #tpu.memory_space<vmem>>[vector<16xi32>], vector<16xf32>,
        %get3A_264 = arith.index_cast %scan3A_249 : i32 to index
        %get3A_265 = arith.constant 16 : index
        %get3A_266 = tpu.vector_load %arg7[%get3A_264, %get3A_265] {strides = array<i32>} : memref<100x128xf32, #tpu.memory_space<vmem>>, vector<16xf32>,
        %add3A_267 = arith.constant 3200 : i32
        %add3A_268 = arith.addi %multiple_of3A_254, %add3A_267 : i32
        %scatter3A_269 = tpu.memref_slice %arg9[%add3A_268] : memref<25600xf32, #tpu.memory_space<vmem>> -> memref<3008xf32, #tpu.memory_space<vmem>>
        tpu.vector_store_idx %scatter3A_269[%add3A_257], %get3A_266 : memref<3008xf32, #tpu.memory_space<vmem>>[vector<16xi32>], vector<16xf32>,
        %get3A_270 = arith.index_cast %scan3A_249 : i32 to index
        %get3A_271 = arith.constant 32 : index
        %get3A_272 = tpu.vector_load %arg7[%get3A_270, %get3A_271] {strides = array<i32>} : memref<100x128xf32, #tpu.memory_space<vmem>>, vector<16xf32>,
        %add3A_273 = arith.constant 6400 : i32
        %add3A_274 = arith.addi %multiple_of3A_254, %add3A_273 : i32
        %scatter3A_275 = tpu.memref_slice %arg9[%add3A_274] : memref<25600xf32, #tpu.memory_space<vmem>> -> memref<3008xf32, #tpu.memory_space<vmem>>
        tpu.vector_store_idx %scatter3A_275[%add3A_257], %get3A_272 : memref<3008xf32, #tpu.memory_space<vmem>>[vector<16xi32>], vector<16xf32>,
        %get3A_276 = arith.index_cast %scan3A_249 : i32 to index
        %get3A_277 = arith.constant 48 : index
        %get3A_278 = tpu.vector_load %arg7[%get3A_276, %get3A_277] {strides = array<i32>} : memref<100x128xf32, #tpu.memory_space<vmem>>, vector<16xf32>,
        %add3A_279 = arith.constant 9600 : i32
        %add3A_280 = arith.addi %multiple_of3A_254, %add3A_279 : i32
        %scatter3A_281 = tpu.memref_slice %arg9[%add3A_280] : memref<25600xf32, #tpu.memory_space<vmem>> -> memref<3008xf32, #tpu.memory_space<vmem>>
        tpu.vector_store_idx %scatter3A_281[%add3A_257], %get3A_278 : memref<3008xf32, #tpu.memory_space<vmem>>[vector<16xi32>], vector<16xf32>,
        %get3A_282 = arith.index_cast %scan3A_249 : i32 to index
        %get3A_283 = arith.constant 64 : index
        %get3A_284 = tpu.vector_load %arg7[%get3A_282, %get3A_283] {strides = array<i32>} : memref<100x128xf32, #tpu.memory_space<vmem>>, vector<16xf32>,
        %add3A_285 = arith.constant 12800 : i32
        %add3A_286 = arith.addi %multiple_of3A_254, %add3A_285 : i32
        %scatter3A_287 = tpu.memref_slice %arg9[%add3A_286] : memref<25600xf32, #tpu.memory_space<vmem>> -> memref<3008xf32, #tpu.memory_space<vmem>>
        tpu.vector_store_idx %scatter3A_287[%add3A_257], %get3A_284 : memref<3008xf32, #tpu.memory_space<vmem>>[vector<16xi32>], vector<16xf32>,
        %get3A_288 = arith.index_cast %scan3A_249 : i32 to index
        %get3A_289 = arith.constant 80 : index
        %get3A_290 = tpu.vector_load %arg7[%get3A_288, %get3A_289] {strides = array<i32>} : memref<100x128xf32, #tpu.memory_space<vmem>>, vector<16xf32>,
        %add3A_291 = arith.constant 16000 : i32
        %add3A_292 = arith.addi %multiple_of3A_254, %add3A_291 : i32
        %scatter3A_293 = tpu.memref_slice %arg9[%add3A_292] : memref<25600xf32, #tpu.memory_space<vmem>> -> memref<3008xf32, #tpu.memory_space<vmem>>
        tpu.vector_store_idx %scatter3A_293[%add3A_257], %get3A_290 : memref<3008xf32, #tpu.memory_space<vmem>>[vector<16xi32>], vector<16xf32>,
        %get3A_294 = arith.index_cast %scan3A_249 : i32 to index
        %get3A_295 = arith.constant 96 : index
        %get3A_296 = tpu.vector_load %arg7[%get3A_294, %get3A_295] {strides = array<i32>} : memref<100x128xf32, #tpu.memory_space<vmem>>, vector<16xf32>,
        %add3A_297 = arith.constant 19200 : i32
        %add3A_298 = arith.addi %multiple_of3A_254, %add3A_297 : i32
        %scatter3A_299 = tpu.memref_slice %arg9[%add3A_298] : memref<25600xf32, #tpu.memory_space<vmem>> -> memref<3008xf32, #tpu.memory_space<vmem>>
        tpu.vector_store_idx %scatter3A_299[%add3A_257], %get3A_296 : memref<3008xf32, #tpu.memory_space<vmem>>[vector<16xi32>], vector<16xf32>,
        %get3A_300 = arith.index_cast %scan3A_249 : i32 to index
        %get3A_301 = arith.constant 112 : index
        %get3A_302 = tpu.vector_load %arg7[%get3A_300, %get3A_301] {strides = array<i32>} : memref<100x128xf32, #tpu.memory_space<vmem>>, vector<16xf32>,
        %add3A_303 = arith.constant 22400 : i32
        %add3A_304 = arith.addi %multiple_of3A_254, %add3A_303 : i32
        %scatter3A_305 = tpu.memref_slice %arg9[%add3A_304] : memref<25600xf32, #tpu.memory_space<vmem>> -> memref<3008xf32, #tpu.memory_space<vmem>>
        tpu.vector_store_idx %scatter3A_305[%add3A_257], %get3A_302 : memref<3008xf32, #tpu.memory_space<vmem>>[vector<16xi32>], vector<16xf32>,
        %scan3A_306 = arith.constant 3 : i32
        %scan3A_307 = arith.addi %scan3A_138, %scan3A_306 : i32
        %add3A_308 = arith.constant 100 : i32
        %add3A_309 = arith.addi %add3A_308, %scan3A_307 : i32
        %and3A_310 = arith.constant -8 : i32
        %and3A_311 = arith.andi %add3A_309, %and3A_310 : i32
        %multiple_of3A_312 = tpu.assume_multiple %and3A_311, 8 : i32
        %sub3A_313 = arith.subi %add3A_309, %multiple_of3A_312 : i32
        %add3A_314 = vector.broadcast %sub3A_313 : i32 to vector<16xi32>
        %add3A_315 = arith.addi %mul3A_5, %add3A_314 : vector<16xi32>
        %get3A_316 = arith.index_cast %scan3A_307 : i32 to index
        %get3A_317 = arith.constant 0 : index
        %get3A_318 = tpu.vector_load %arg7[%get3A_316, %get3A_317] {strides = array<i32>} : memref<100x128xf32, #tpu.memory_space<vmem>>, vector<16xf32>,
        %add3A_319 = arith.constant 0 : i32
        %add3A_320 = arith.addi %multiple_of3A_312, %add3A_319 : i32
        %scatter3A_321 = tpu.memref_slice %arg9[%add3A_320] : memref<25600xf32, #tpu.memory_space<vmem>> -> memref<3008xf32, #tpu.memory_space<vmem>>
        tpu.vector_store_idx %scatter3A_321[%add3A_315], %get3A_318 : memref<3008xf32, #tpu.memory_space<vmem>>[vector<16xi32>], vector<16xf32>,
        %get3A_322 = arith.index_cast %scan3A_307 : i32 to index
        %get3A_323 = arith.constant 16 : index
        %get3A_324 = tpu.vector_load %arg7[%get3A_322, %get3A_323] {strides = array<i32>} : memref<100x128xf32, #tpu.memory_space<vmem>>, vector<16xf32>,
        %add3A_325 = arith.constant 3200 : i32
        %add3A_326 = arith.addi %multiple_of3A_312, %add3A_325 : i32
        %scatter3A_327 = tpu.memref_slice %arg9[%add3A_326] : memref<25600xf32, #tpu.memory_space<vmem>> -> memref<3008xf32, #tpu.memory_space<vmem>>
        tpu.vector_store_idx %scatter3A_327[%add3A_315], %get3A_324 : memref<3008xf32, #tpu.memory_space<vmem>>[vector<16xi32>], vector<16xf32>,
        %get3A_328 = arith.index_cast %scan3A_307 : i32 to index
        %get3A_329 = arith.constant 32 : index
        %get3A_330 = tpu.vector_load %arg7[%get3A_328, %get3A_329] {strides = array<i32>} : memref<100x128xf32, #tpu.memory_space<vmem>>, vector<16xf32>,
        %add3A_331 = arith.constant 6400 : i32
        %add3A_332 = arith.addi %multiple_of3A_312, %add3A_331 : i32
        %scatter3A_333 = tpu.memref_slice %arg9[%add3A_332] : memref<25600xf32, #tpu.memory_space<vmem>> -> memref<3008xf32, #tpu.memory_space<vmem>>
        tpu.vector_store_idx %scatter3A_333[%add3A_315], %get3A_330 : memref<3008xf32, #tpu.memory_space<vmem>>[vector<16xi32>], vector<16xf32>,
        %get3A_334 = arith.index_cast %scan3A_307 : i32 to index
        %get3A_335 = arith.constant 48 : index
        %get3A_336 = tpu.vector_load %arg7[%get3A_334, %get3A_335] {strides = array<i32>} : memref<100x128xf32, #tpu.memory_space<vmem>>, vector<16xf32>,
        %add3A_337 = arith.constant 9600 : i32
        %add3A_338 = arith.addi %multiple_of3A_312, %add3A_337 : i32
        %scatter3A_339 = tpu.memref_slice %arg9[%add3A_338] : memref<25600xf32, #tpu.memory_space<vmem>> -> memref<3008xf32, #tpu.memory_space<vmem>>
        tpu.vector_store_idx %scatter3A_339[%add3A_315], %get3A_336 : memref<3008xf32, #tpu.memory_space<vmem>>[vector<16xi32>], vector<16xf32>,
        %get3A_340 = arith.index_cast %scan3A_307 : i32 to index
        %get3A_341 = arith.constant 64 : index
        %get3A_342 = tpu.vector_load %arg7[%get3A_340, %get3A_341] {strides = array<i32>} : memref<100x128xf32, #tpu.memory_space<vmem>>, vector<16xf32>,
        %add3A_343 = arith.constant 12800 : i32
        %add3A_344 = arith.addi %multiple_of3A_312, %add3A_343 : i32
        %scatter3A_345 = tpu.memref_slice %arg9[%add3A_344] : memref<25600xf32, #tpu.memory_space<vmem>> -> memref<3008xf32, #tpu.memory_space<vmem>>
        tpu.vector_store_idx %scatter3A_345[%add3A_315], %get3A_342 : memref<3008xf32, #tpu.memory_space<vmem>>[vector<16xi32>], vector<16xf32>,
        %get3A_346 = arith.index_cast %scan3A_307 : i32 to index
        %get3A_347 = arith.constant 80 : index
        %get3A_348 = tpu.vector_load %arg7[%get3A_346, %get3A_347] {strides = array<i32>} : memref<100x128xf32, #tpu.memory_space<vmem>>, vector<16xf32>,
        %add3A_349 = arith.constant 16000 : i32
        %add3A_350 = arith.addi %multiple_of3A_312, %add3A_349 : i32
        %scatter3A_351 = tpu.memref_slice %arg9[%add3A_350] : memref<25600xf32, #tpu.memory_space<vmem>> -> memref<3008xf32, #tpu.memory_space<vmem>>
        tpu.vector_store_idx %scatter3A_351[%add3A_315], %get3A_348 : memref<3008xf32, #tpu.memory_space<vmem>>[vector<16xi32>], vector<16xf32>,
        %get3A_352 = arith.index_cast %scan3A_307 : i32 to index
        %get3A_353 = arith.constant 96 : index
        %get3A_354 = tpu.vector_load %arg7[%get3A_352, %get3A_353] {strides = array<i32>} : memref<100x128xf32, #tpu.memory_space<vmem>>, vector<16xf32>,
        %add3A_355 = arith.constant 19200 : i32
        %add3A_356 = arith.addi %multiple_of3A_312, %add3A_355 : i32
        %scatter3A_357 = tpu.memref_slice %arg9[%add3A_356] : memref<25600xf32, #tpu.memory_space<vmem>> -> memref<3008xf32, #tpu.memory_space<vmem>>
        tpu.vector_store_idx %scatter3A_357[%add3A_315], %get3A_354 : memref<3008xf32, #tpu.memory_space<vmem>>[vector<16xi32>], vector<16xf32>,
        %get3A_358 = arith.index_cast %scan3A_307 : i32 to index
        %get3A_359 = arith.constant 112 : index
        %get3A_360 = tpu.vector_load %arg7[%get3A_358, %get3A_359] {strides = array<i32>} : memref<100x128xf32, #tpu.memory_space<vmem>>, vector<16xf32>,
        %add3A_361 = arith.constant 22400 : i32
        %add3A_362 = arith.addi %multiple_of3A_312, %add3A_361 : i32
        %scatter3A_363 = tpu.memref_slice %arg9[%add3A_362] : memref<25600xf32, #tpu.memory_space<vmem>> -> memref<3008xf32, #tpu.memory_space<vmem>>
        tpu.vector_store_idx %scatter3A_363[%add3A_315], %get3A_360 : memref<3008xf32, #tpu.memory_space<vmem>>[vector<16xi32>], vector<16xf32>,
        %scan3A_364 = arith.constant 4 : i32
        %scan3A_365 = arith.addi %scan3A_138, %scan3A_364 : i32
        %add3A_366 = arith.constant 100 : i32
        %add3A_367 = arith.addi %add3A_366, %scan3A_365 : i32
        %and3A_368 = arith.constant -8 : i32
        %and3A_369 = arith.andi %add3A_367, %and3A_368 : i32
        %multiple_of3A_370 = tpu.assume_multiple %and3A_369, 8 : i32
        %sub3A_371 = arith.subi %add3A_367, %multiple_of3A_370 : i32
        %add3A_372 = vector.broadcast %sub3A_371 : i32 to vector<16xi32>
        %add3A_373 = arith.addi %mul3A_5, %add3A_372 : vector<16xi32>
        %get3A_374 = arith.index_cast %scan3A_365 : i32 to index
        %get3A_375 = arith.constant 0 : index
        %get3A_376 = tpu.vector_load %arg7[%get3A_374, %get3A_375] {strides = array<i32>} : memref<100x128xf32, #tpu.memory_space<vmem>>, vector<16xf32>,
        %add3A_377 = arith.constant 0 : i32
        %add3A_378 = arith.addi %multiple_of3A_370, %add3A_377 : i32
        %scatter3A_379 = tpu.memref_slice %arg9[%add3A_378] : memref<25600xf32, #tpu.memory_space<vmem>> -> memref<3008xf32, #tpu.memory_space<vmem>>
        tpu.vector_store_idx %scatter3A_379[%add3A_373], %get3A_376 : memref<3008xf32, #tpu.memory_space<vmem>>[vector<16xi32>], vector<16xf32>,
        %get3A_380 = arith.index_cast %scan3A_365 : i32 to index
        %get3A_381 = arith.constant 16 : index
        %get3A_382 = tpu.vector_load %arg7[%get3A_380, %get3A_381] {strides = array<i32>} : memref<100x128xf32, #tpu.memory_space<vmem>>, vector<16xf32>,
        %add3A_383 = arith.constant 3200 : i32
        %add3A_384 = arith.addi %multiple_of3A_370, %add3A_383 : i32
        %scatter3A_385 = tpu.memref_slice %arg9[%add3A_384] : memref<25600xf32, #tpu.memory_space<vmem>> -> memref<3008xf32, #tpu.memory_space<vmem>>
        tpu.vector_store_idx %scatter3A_385[%add3A_373], %get3A_382 : memref<3008xf32, #tpu.memory_space<vmem>>[vector<16xi32>], vector<16xf32>,
        %get3A_386 = arith.index_cast %scan3A_365 : i32 to index
        %get3A_387 = arith.constant 32 : index
        %get3A_388 = tpu.vector_load %arg7[%get3A_386, %get3A_387] {strides = array<i32>} : memref<100x128xf32, #tpu.memory_space<vmem>>, vector<16xf32>,
        %add3A_389 = arith.constant 6400 : i32
        %add3A_390 = arith.addi %multiple_of3A_370, %add3A_389 : i32
        %scatter3A_391 = tpu.memref_slice %arg9[%add3A_390] : memref<25600xf32, #tpu.memory_space<vmem>> -> memref<3008xf32, #tpu.memory_space<vmem>>
        tpu.vector_store_idx %scatter3A_391[%add3A_373], %get3A_388 : memref<3008xf32, #tpu.memory_space<vmem>>[vector<16xi32>], vector<16xf32>,
        %get3A_392 = arith.index_cast %scan3A_365 : i32 to index
        %get3A_393 = arith.constant 48 : index
        %get3A_394 = tpu.vector_load %arg7[%get3A_392, %get3A_393] {strides = array<i32>} : memref<100x128xf32, #tpu.memory_space<vmem>>, vector<16xf32>,
        %add3A_395 = arith.constant 9600 : i32
        %add3A_396 = arith.addi %multiple_of3A_370, %add3A_395 : i32
        %scatter3A_397 = tpu.memref_slice %arg9[%add3A_396] : memref<25600xf32, #tpu.memory_space<vmem>> -> memref<3008xf32, #tpu.memory_space<vmem>>
        tpu.vector_store_idx %scatter3A_397[%add3A_373], %get3A_394 : memref<3008xf32, #tpu.memory_space<vmem>>[vector<16xi32>], vector<16xf32>,
        %get3A_398 = arith.index_cast %scan3A_365 : i32 to index
        %get3A_399 = arith.constant 64 : index
        %get3A_400 = tpu.vector_load %arg7[%get3A_398, %get3A_399] {strides = array<i32>} : memref<100x128xf32, #tpu.memory_space<vmem>>, vector<16xf32>,
        %add3A_401 = arith.constant 12800 : i32
        %add3A_402 = arith.addi %multiple_of3A_370, %add3A_401 : i32
        %scatter3A_403 = tpu.memref_slice %arg9[%add3A_402] : memref<25600xf32, #tpu.memory_space<vmem>> -> memref<3008xf32, #tpu.memory_space<vmem>>
        tpu.vector_store_idx %scatter3A_403[%add3A_373], %get3A_400 : memref<3008xf32, #tpu.memory_space<vmem>>[vector<16xi32>], vector<16xf32>,
        %get3A_404 = arith.index_cast %scan3A_365 : i32 to index
        %get3A_405 = arith.constant 80 : index
        %get3A_406 = tpu.vector_load %arg7[%get3A_404, %get3A_405] {strides = array<i32>} : memref<100x128xf32, #tpu.memory_space<vmem>>, vector<16xf32>,
        %add3A_407 = arith.constant 16000 : i32
        %add3A_408 = arith.addi %multiple_of3A_370, %add3A_407 : i32
        %scatter3A_409 = tpu.memref_slice %arg9[%add3A_408] : memref<25600xf32, #tpu.memory_space<vmem>> -> memref<3008xf32, #tpu.memory_space<vmem>>
        tpu.vector_store_idx %scatter3A_409[%add3A_373], %get3A_406 : memref<3008xf32, #tpu.memory_space<vmem>>[vector<16xi32>], vector<16xf32>,
        %get3A_410 = arith.index_cast %scan3A_365 : i32 to index
        %get3A_411 = arith.constant 96 : index
        %get3A_412 = tpu.vector_load %arg7[%get3A_410, %get3A_411] {strides = array<i32>} : memref<100x128xf32, #tpu.memory_space<vmem>>, vector<16xf32>,
        %add3A_413 = arith.constant 19200 : i32
        %add3A_414 = arith.addi %multiple_of3A_370, %add3A_413 : i32
        %scatter3A_415 = tpu.memref_slice %arg9[%add3A_414] : memref<25600xf32, #tpu.memory_space<vmem>> -> memref<3008xf32, #tpu.memory_space<vmem>>
        tpu.vector_store_idx %scatter3A_415[%add3A_373], %get3A_412 : memref<3008xf32, #tpu.memory_space<vmem>>[vector<16xi32>], vector<16xf32>,
        %get3A_416 = arith.index_cast %scan3A_365 : i32 to index
        %get3A_417 = arith.constant 112 : index
        %get3A_418 = tpu.vector_load %arg7[%get3A_416, %get3A_417] {strides = array<i32>} : memref<100x128xf32, #tpu.memory_space<vmem>>, vector<16xf32>,
        %add3A_419 = arith.constant 22400 : i32
        %add3A_420 = arith.addi %multiple_of3A_370, %add3A_419 : i32
        %scatter3A_421 = tpu.memref_slice %arg9[%add3A_420] : memref<25600xf32, #tpu.memory_space<vmem>> -> memref<3008xf32, #tpu.memory_space<vmem>>
        tpu.vector_store_idx %scatter3A_421[%add3A_373], %get3A_418 : memref<3008xf32, #tpu.memory_space<vmem>>[vector<16xi32>], vector<16xf32>,
      }
      %scan3A_130 = arith.constant 100 : i32
      %add3A_131 = arith.addi %mul3A_2, %add3A_37 : i32
      %dma_start3A_132 = arith.constant 0 : i32
      %dma_start3A_133 = tpu.memref_slice %arg4[%add3A_131, %dma_start3A_132] : memref<4096x25600xf32, #tpu.memory_space<hbm>> -> memref<1x25600xf32, #tpu.memory_space<hbm>>
      %dma_start3A_134 = tpu.memref_squeeze %dma_start3A_133 : memref<1x25600xf32, #tpu.memory_space<hbm>> -> memref<25600xf32, #tpu.memory_space<hbm>>
      %dma_start3A_135 = arith.constant 0 : i32
      %dma_start3A_136 = tpu.memref_slice %arg4[%add3A_131, %dma_start3A_135] : memref<4096x25600xf32, #tpu.memory_space<hbm>> -> memref<1x25600xf32, #tpu.memory_space<hbm>>
      %dma_start3A_137 = tpu.memref_squeeze %dma_start3A_136 : memref<1x25600xf32, #tpu.memory_space<hbm>> -> memref<25600xf32, #tpu.memory_space<hbm>>
      tpu.enqueue_dma source(%arg9 : memref<25600xf32, #tpu.memory_space<vmem>>) target(%dma_start3A_137 : memref<25600xf32, #tpu.memory_space<hbm>>) target_semaphore(%arg13 : memref<!tpu.dma_semaphore, #tpu.memory_space<semaphore_mem>>)
    }
    %scan3A_17 = arith.constant 64 : i32
    %add3A_18 = arith.constant 126 : i32
    %add3A_19 = arith.addi %mul3A_2, %add3A_18 : i32
    %dma_wait3A = arith.constant 0 : i32
    %dma_wait3A_20 = tpu.memref_slice %arg4[%add3A_19, %dma_wait3A] : memref<4096x25600xf32, #tpu.memory_space<hbm>> -> memref<1x25600xf32, #tpu.memory_space<hbm>>
    %dma_wait3A_21 = tpu.memref_squeeze %dma_wait3A_20 : memref<1x25600xf32, #tpu.memory_space<hbm>> -> memref<25600xf32, #tpu.memory_space<hbm>>
    %dma_wait3A_22 = arith.constant 0 : i32
    %dma_wait3A_23 = tpu.memref_slice %arg4[%add3A_19, %dma_wait3A_22] : memref<4096x25600xf32, #tpu.memory_space<hbm>> -> memref<1x25600xf32, #tpu.memory_space<hbm>>
    %dma_wait3A_24 = tpu.memref_squeeze %dma_wait3A_23 : memref<1x25600xf32, #tpu.memory_space<hbm>> -> memref<25600xf32, #tpu.memory_space<hbm>>
    tpu.wait_dma2 semaphore(%arg12 : memref<!tpu.dma_semaphore, #tpu.memory_space<semaphore_mem>>) src(%arg8 : memref<25600xf32, #tpu.memory_space<vmem>>) dst(%dma_wait3A_24 : memref<25600xf32, #tpu.memory_space<hbm>>)
    %add3A_25 = arith.constant 127 : i32
    %add3A_26 = arith.addi %mul3A_2, %add3A_25 : i32
    %dma_wait3A_27 = arith.constant 0 : i32
    %dma_wait3A_28 = tpu.memref_slice %arg4[%add3A_26, %dma_wait3A_27] : memref<4096x25600xf32, #tpu.memory_space<hbm>> -> memref<1x25600xf32, #tpu.memory_space<hbm>>
    %dma_wait3A_29 = tpu.memref_squeeze %dma_wait3A_28 : memref<1x25600xf32, #tpu.memory_space<hbm>> -> memref<25600xf32, #tpu.memory_space<hbm>>
    %dma_wait3A_30 = arith.constant 0 : i32
    %dma_wait3A_31 = tpu.memref_slice %arg4[%add3A_26, %dma_wait3A_30] : memref<4096x25600xf32, #tpu.memory_space<hbm>> -> memref<1x25600xf32, #tpu.memory_space<hbm>>
    %dma_wait3A_32 = tpu.memref_squeeze %dma_wait3A_31 : memref<1x25600xf32, #tpu.memory_space<hbm>> -> memref<25600xf32, #tpu.memory_space<hbm>>
    tpu.wait_dma2 semaphore(%arg13 : memref<!tpu.dma_semaphore, #tpu.memory_space<semaphore_mem>>) src(%arg9 : memref<25600xf32, #tpu.memory_space<vmem>>) dst(%dma_wait3A_32 : memref<25600xf32, #tpu.memory_space<hbm>>)
    return
  }
}

</mosaic_0001>

<sc_bundles>
// kernel: kernel.3.cloned.1.call-start
scs
__scs_entry_jumppad:
0x0: {  	(pc) =	sbr.rel $0x88, $3  }
0x1: {  	(tag) =	ssettag $0x0;
	lr =	simm.s32 $0x1  }
0x2: {  	[smem:$0x3F9F] =	sst lr;
	_ =	strace $0xD0000000  }
0x3: {  	_ = 	snop  }
0x4: {  	_ = 	snop  }
0x5: {  	_ = 	snop  }
0x6: {  	_ = 	snop  }
0x7: {  	_ = 	snop  }
__scs_overlays_trampoline_lowered:
0x8: {  	[smem:$0x3FAE] =	sst s0  }
0x9: {  	[smem:$0x3FAF] =	sst s1  }
0xa: {  	[smem:$0x3FB0] =	sst s2  }
0xb: {  	[smem:$0x3FB1] =	sst s3  }
0xc: {  	[smem:$0x3FB2] =	sst s4  }
0xd: {  	[smem:$0x3FB3] =	sst s5  }
0xe: {  	[smem:$0x3FB4] =	sst s6  }
0xf: {  	[smem:$0x3FB5] =	sst s7  }
0x10: {  	[smem:$0x3FB6] =	sst s8  }
0x11: {  	[smem:$0x3FB7] =	sst s9;
	s0 =	simm.s32 @!p0 $0x0  }
0x12: {  	s1 =	sld [smem:$0x3F9D];
	s0 =	simm.s32 @p0 $0x1  }
0x13: {  	[smem:$0x3FB8] =	sst s0;
	s0 =	simm.s32 @!p1 $0x0  }
0x14: {  	s2 =	sld [smem:$0x3F9C];
	s0 =	simm.s32 @p1 $0x1  }
0x15: {  	[smem:$0x3FB9] =	sst s0;
	s0 =	simm.s32 @!p2 $0x0  }
0x16: {  	s3 =	sld [smem:$0x3FDB];
	s0 =	simm.s32 @p2 $0x1  }
0x17: {  	s4 =	simm.s32 $0x1BF5;
	[smem:$0x3FBB] =	sst s0  }
0x18: {  	s0 =	sld [smem:$0x3F9E];
	_ =	swait.ge [sflag:s4], $0x0  }
0x19: {  	s7 =	sld [smem:$0x3F9F]  }
0x1a: {  	s8 =	sadd.s32 $0xFFFFE003, lr  }
0x1b: {  	s9 =	sadd.s32 $0xFFFFFEF7, lr;
	s5 =	simm.s32 $0xFFFFFFFF;
	p2 =	slt.u32 s8, $0xFFFFF086  }
0x1c: {  	p1 =	slt.u32 s9, $0xF7A;
	s5 =	simm.s32 @!p2 $0x0  }
0x1d: {  	s5 =	simm.s32 @p1 $0x1;
	p0 =	seq.s32 s7, s2  }
0x1e: {  	s7 =	smul.u32 @!p0 $0xF7A, s2;
	p2 =	seq.s32 @!p0 s5, $0x0  }
0x1f: {  	s9 =	smul.u32 $0xF7A, s1;
	s8 =	simm.s32 @!p0 $0x1BF5;
	p2 =	por !p2, p0  }
0x20: {  	[sflag:s8] =	ssyncset.s32 @!p0 $0xFFFFF086;
	s6 =	sadd.s32 @!p0 s3, s7;
	s7 =	simm.s32 @!p0 $0x108  }
0x21: {  	s3 =	sadd.s32 s3, s9;
	s6 =	sadd.s32 @!p0 $0x88, s6;
	s7 =	simm.s32 @p2 $0x1082  }
0x22: {  	[simem:s7], [sflag:s8] =	dma.local @!p0 [hbm:s6], $0xF7A  }
0x23: {  	s9 =	sor.u32 $0xD0000000, s2;
	s6 =	simm.s32 $0x108;
	_ =	swait.ge @!p0 [sflag:s8], $0x0  }
0x24: {  	s3 =	sadd.s32 $0x88, s3;
	s6 =	simm.s32 @!p1 $0x1082;
	[sflag:s4] =	ssyncset.s32 $0xFFFFF086  }
0x25: {  	[simem:s6], [sflag:s4] =	dma.local [hbm:s3], $0xF7A  }
0x26: {  	[smem:$0x3F9F] =	sst s1;
	(tag) =	ssettag s2;
	_ =	strace s9  }
0x27: {  	s1 =	sld [smem:$0x3FAF]  }
0x28: {  	s2 =	sld [smem:$0x3FB0]  }
0x29: {  	s4 =	sld [smem:$0x3FB2]  }
0x2a: {  	p0 =	seq.s32 s5, $0x0;
	s5 =	sld [smem:$0x3FB3]  }
0x2b: {  	s6 =	sld [smem:$0x3FB4]  }
0x2c: {  	s7 =	sld [smem:$0x3FB5]  }
0x2d: {  	s3 =	simm.s32 $0x108;
	s8 =	sld [smem:$0x3FB6]  }
0x2e: {  	s3 =	simm.s32 @!p0 $0x1082;
	s9 =	sld [smem:$0x3FB7]  }
0x2f: {  	lr =	sadd.s32 s0, s3;
	s0 =	sld [smem:$0x3FAE]  }
0x30: {  	s3 =	sld [smem:$0x3FB1]  }
0x31: {  	[smem:$0x3FBA] =	sst s10  }
0x32: {  	s10 =	sld [smem:$0x3FB8];
	_ =	sdelay $0x3  }
0x33: {  	p0 =	seq.s32 s10, $0x1;
	s10 =	sld [smem:$0x3FBA];
	_ =	sdelay $0x3  }
0x34: {  	[smem:$0x3FBA] =	sst s10  }
0x35: {  	s10 =	sld [smem:$0x3FB9];
	_ =	sdelay $0x3  }
0x36: {  	p1 =	seq.s32 s10, $0x1;
	s10 =	sld [smem:$0x3FBA];
	_ =	sdelay $0x3  }
0x37: {  	[smem:$0x3FBA] =	sst s10  }
0x38: {  	s10 =	sld [smem:$0x3FBB]  }
0x39: {  	_ = 	snop;
	(pc) =	sbr.ind lr, $3  }
0x3a: {  	_ = 	snop  }
0x3b: {  	_ = 	snop  }
0x3c: {  	p2 =	seq.s32 s10, $0x1;
	s10 =	sld [smem:$0x3FBA]  }
0x3d: {  	_ =	shalt  }
0x3e: {  	_ =	shalt  }
0x3f: {  	_ =	shalt  }
0x40: {  	_ =	shalt  }
0x41: {  	_ =	shalt  }
0x42: {  	_ =	shalt  }
0x43: {  	_ =	shalt  }
0x44: {  	_ =	shalt  }
0x45: {  	_ =	shalt  }
0x46: {  	_ =	shalt  }
0x47: {  	_ =	shalt  }
0x48: {  	_ =	shalt  }
0x49: {  	_ =	shalt  }
0x4a: {  	_ =	shalt  }
0x4b: {  	_ =	shalt  }
0x4c: {  	_ =	shalt  }
0x4d: {  	_ =	shalt  }
0x4e: {  	_ =	shalt  }
0x4f: {  	_ =	shalt  }
0x50: {  	_ =	shalt  }
0x51: {  	_ =	shalt  }
0x52: {  	_ =	shalt  }
0x53: {  	_ =	shalt  }
0x54: {  	_ =	shalt  }
0x55: {  	_ =	shalt  }
0x56: {  	_ =	shalt  }
0x57: {  	_ =	shalt  }
0x58: {  	_ =	shalt  }
0x59: {  	_ =	shalt  }
0x5a: {  	_ =	shalt  }
0x5b: {  	_ =	shalt  }
0x5c: {  	_ =	shalt  }
0x5d: {  	_ =	shalt  }
0x5e: {  	_ =	shalt  }
0x5f: {  	_ =	shalt  }
0x60: {  	_ =	shalt  }
0x61: {  	_ =	shalt  }
0x62: {  	_ =	shalt  }
0x63: {  	_ =	shalt  }
0x64: {  	_ =	shalt  }
0x65: {  	_ =	shalt  }
0x66: {  	_ =	shalt  }
0x67: {  	_ =	shalt  }
0x68: {  	_ =	shalt  }
0x69: {  	_ =	shalt  }
0x6a: {  	_ =	shalt  }
0x6b: {  	_ =	shalt  }
0x6c: {  	_ =	shalt  }
0x6d: {  	_ =	shalt  }
0x6e: {  	_ =	shalt  }
0x6f: {  	_ =	shalt  }
0x70: {  	_ =	shalt  }
0x71: {  	_ =	shalt  }
0x72: {  	_ =	shalt  }
0x73: {  	_ =	shalt  }
0x74: {  	_ =	shalt  }
0x75: {  	_ =	shalt  }
0x76: {  	_ =	shalt  }
0x77: {  	_ =	shalt  }
0x78: {  	_ =	shalt  }
0x79: {  	_ =	shalt  }
0x7a: {  	_ =	shalt  }
0x7b: {  	_ =	shalt  }
0x7c: {  	_ =	shalt  }
0x7d: {  	_ =	shalt  }
0x7e: {  	_ =	shalt  }
0x7f: {  	_ =	shalt  }
0x80: {  	_ =	shalt  }
0x81: {  	_ =	shalt  }
0x82: {  	_ =	shalt  }
0x83: {  	_ =	shalt  }
0x84: {  	_ =	shalt  }
0x85: {  	_ =	shalt  }
0x86: {  	_ =	shalt  }
0x87: {  	_ =	shalt  }
.Lfunc_end0:
.L_simem_size_0:
called_computation.1_lowered:
.L_overlay_start_0:
0x88: {  	s2 =	sld [smem:$0x3FD9]  }
0x89: {  	s3 =	sld [smem:$0x3FFE];
	_ =	sdelay $0x1  }
0x8a: {  	s1 =	srdreg.scid  }
0x8b: {  	s0 =	sand.u32 $0x1, s1  }
0x8c: {  	s17 =	sshll.u32 s0, $0xA;
	s2 =	sadd.s32 s3, s2  }
0x8d: {  	s2 =	sadd.s32 s2, s17  }
0x8e: {  	[smem:$0x3FC6] =	sst s2  }
0x8f: {  	_ = 	snop  }
0x90: {  	s2 =	sld [smem:$0x3FC8]  }
0x91: {  	s18 =	sld [smem:$0x3FD0];
	(tm) =	ssettm $0x1  }
0x92: {  	s4 =	sld [smem:$0x3FFB];
	_ =	sdelay $0x3  }
0x93: {  	_ =	strace s4  }
0x94: {  	s4 =	sld [smem:$0x3FFC];
	_ =	sdelay $0x3  }
0x95: {  	_ =	strace s4  }
0x96: {  	s4 =	sld [smem:$0x3FFD];
	_ =	sdelay $0x3  }
0x97: {  	_ =	strace s4  }
0x98: {  	_ =	strace $0x8FFFFFFF  }
0x99: {  	s19 =	sld [smem:$0x3FDB];
	_ =	sdelay $0x1  }
0x9a: {  	s5 =	simm.s32 $_scs_section_size  }
0x9b: {  	s6 =	simm.s32 $_size__tile_overlayer_lowered;
	s7 =	simm.s32 $_tile_overlayer_lowered  }
0x9c: {  	s22 =	simm.s32 $0x1BFF;
	s21 =	sshll.u32 s7, $0x1;
	s4 =	sadd.s32 s5, s19  }
0x9d: {  	s8 =	simm.s32 $0x0;
	s20 =	sshll.u32 s6, $0x1;
	s6 =	sadd.s32 s21, s4  }
0x9e: {  	[timem:s8], [sflag:s22] =	dma.local [hbm:s6], s20  }
0x9f: {  	_ =	swait.ge [sflag:s22], s20  }
0xa0: {  	s5 =	ssub.s32 $0x0, s20;
	[sflag:s22] =	ssyncset.done $0x0  }
0xa1: {  	[sflag:s22] =	ssyncadd.s32 s5;
	_ =	sdelay $0x1  }
0xa2: {  	s23 =	simm.s32 $0x1B8B  }
0xa3: {  	_ =	swait.ge [sflag:s23], $0x1  }
0xa4: {  	[sflag:s23] =	ssyncset.done $0x0  }
0xa5: {  	s25 =	simm.s32 $0x1B8E;
	s24 =	sld [smem:$0x3FFE];
	[sflag:s23] =	ssyncadd.s32 $0xFFFFFFFF  }
0xa6: {  	s26 =	simm.s32 $execute0_lowered;
	[smem:$0x3FD2] =	sst s25  }
0xa7: {  	s6 =	sshll.u32 s26, $0x1;
	_ =	strace $0x80000046;
	[dreg:$0x1] =	wrdreg $0xFFFFFFFF  }
0xa8: {  	s28 =	simm.s32 $_size_execute0_lowered;
	s4 =	sadd.s32 s4, s6;
	[dreg:$0x0] =	wrdreg $0x0  }
0xa9: {  	s6 =	sshll.u32 s28, $0x1;
	[dreg:$0x2] =	wrdreg s4  }
0xaa: {  	[dreg:$0x3] =	wrdreg s6  }
0xab: {  	[dreg:$0x4] =	wrdreg $0xC0  }
0xac: {  	_ =	task [dreg:s8], $0x5FFFF  }
0xad: {  	[dreg:$0x1] =	wrdreg $0xFFFFFFFF  }
0xae: {  	[dreg:$0x0] =	wrdreg $0x60  }
0xaf: {  	[dreg:$0x2] =	wrdreg s24  }
0xb0: {  	[dreg:$0x3] =	wrdreg s2  }
0xb1: {  	[dreg:$0x4] =	wrdreg s18  }
0xb2: {  	[dreg:$0x5] =	wrdreg $0x9  }
0xb3: {  	_ =	task.clear_ibuf [dreg:s8], $0x6FFFF;
	_ =	strace $0x90000046  }
0xb4: {  	s29 =	simm.s32 $0x9;
	_ =	strace $0x80000048  }
0xb5: {  	_ =	swait.ge [sflag:s29], $0x1  }
0xb6: {  	[sflag:s29] =	ssyncadd.s32 $0xFFFFFFFF  }
0xb7: {  	_ =	strace $0x90000048  }
0xb8: {  	_ =	sfence  }
0xb9: {  	s30 =	sld [smem:$0x0];
	_ =	sdelay $0x2  }
0xba: {  	s31 =	sshll.u32 s1, $0xD;
	s1 =	sshrl.u32 s1, $0x2  }
0xbb: {  	s3 =	sand.u32 $0x4000, s31;
	s1 =	sadd.s32 s1, s30  }
0xbc: {  	s0 =	sor.u32 s3, s0;
	s1 =	sshll.u32 s1, $0x11  }
0xbd: {  	s0 =	sor.u32 s1, s0  }
0xbe: {  	s0 =	sadd.s32 $0x8F2B, s0  }
0xbf: {  	[sflag:s0] =	ssyncadd.remote.s32 $0x1  }
0xc0: {  	_ =	sfence.sel $0xFFFF  }
0xc1: {  	[dreg:$0x0] =	wrdreg $0xFFFFFFFF;
	(pc) =	sbr.abs _section_cstart, $3  }
0xc2: {  	[dreg:$0x1] =	wrdreg $0xFFFFFFFF  }
0xc3: {  	_ =	task.clear_ibuf [dreg:s8], $0x2FFFF;
	_ =	strace $0x9FFFFFFF  }
0xc4: {  	(tm) =	ssettm $0x7FFFFFFF  }
0xc5: {  	_ =	shalt  }
tec
execute0_lowered:
.L_overlay_start_1:
0x0: {  	(tag) =	ssettag $0x1  }
0x1: {  	s6 =	rddreg [dreg:$0x0]  }
0x2: {  	s2 =	rddreg [dreg:$0x1];
	s0 =	srdreg.scid  }
0x3: {  	s3 =	rddreg [dreg:$0x2];
	s1 =	stileid.u32;
	s4 =	simm.s32 $0x0  }
0x4: {  	s10 =	simm.s32 $0x8000;
	s11 =	simm.s32 $0x1;
	s12 =	simm.s32 $0xB400  }
0x5: {  	s13 =	simm.s32 $0x2;
	s14 =	simm.s32 $0x80;
	s15 =	simm.s32 $0x400  }
0x6: {  	s16 =	simm.s32 $0xE800;
	s17 =	simm.s32 $0x14C00;
	s18 =	simm.s32 $0x3  }
0x7: {  	s19 =	simm.s32 $0x4;
	s20 =	simm.s32 $0x0;
	s7 =	sand.u32 $0x1, s0  }
0x8: {  	s0 =	rddreg [dreg:$0x3];
	s5 =	sshll.u32 s1, $0x8;
	s8 =	sshll.u32 s7, $0x7  }
0x9: {  	[smem:$0x7FF] =	sst s4;
	s7 =	ssub.s32 $0x2, s7;
	s5 =	sor.u32 s8, s5  }
0xa: {  	_ =	strace $0x80000047;
	s9 =	sshrl.u32 s7, $0x1;
	s8 =	sshll.u32 s5, $0x5  }
0xb: {  	v0 =	vlaneseq.u32;
	s7 =	ssub.s32 s7, s9;
	s9 =	simm.s32 $0x64;
	s6 =	sadd.s32 s8, s6  }
0xc: {  	v0 =	vmul.u32 $0xC8, v0;
	s7 =	smax.u32 s7, $0x1;
	s8 =	simm.s32 $0x5;
	s6 =	sadd.s32 $0x800, s6  }
.LBB2_1:
0xd: {  	[tilespmem:s4], [sflag:$0x5] =	stream.linear.gather [hbm4b:s6+s4], $0x8000, $0x38;
	[tilespmem:$0x1B000] =	vst v63  }
0xe: {  	_ =	swait.ge [sflag:s8], $0x8000  }
0xf: {  	[sflag:s8] =	ssyncset.done $0x0  }
0x10: {  	s21 =	simm.s32 $0x0;
	[sflag:s8] =	ssyncadd.s32 $0xFFFF8000  }
0x11: {  	[tilespmem:s10], [sflag:$0x1] =	stream.indirect.gather [hbm4b:s2+s9], $0x80, s4, s9, $0xb8;
	[tilespmem:$0x1B000] =	vst v63  }
.LBB2_2:
0x12: {  	_ =	swait.ge [sflag:s11], $0x3200;
	s22 =	sshll.u32 s21, $0x9  }
0x13: {  	[sflag:s11] =	ssyncset.done $0x0;
	s23 =	sand.u32 $0x3FFFFE00, s22  }
0x14: {  	p0 =	seq.s32 s21, $0x0;
	[sflag:s11] =	ssyncadd.s32 $0xFFFFCE00;
	s22 =	sor.u32 $0x80, s23  }
0x15: {  	[tilespmem:s12], [sflag:$0x2] =	stream.indirect.gather [hbm4b:s2+s9], $0x80, s22, s9, $0xb8;
	[tilespmem:$0x1B000] =	vst v63  }
0x16: {  	s22 =	simm.s32 @!p0 $0x3  }
0x17: {  	_ =	swait.ge @!p0 [sflag:s22], $0x6400  }
0x18: {  	s25 =	simm.s32 $0x0;
	[sflag:s22] =	ssyncset.done @!p0 $0x0  }
0x19: {  	s26 =	simm.s32 $0x8140;
	s28 =	sand.u32 $0x7, s25;
	[sflag:s22] =	ssyncadd.s32 @!p0 $0xFFFF9C00  }
0x1a: {  	v1 =	vor.u32 s28, v0;
	v2 =	vld [tilespmem:s26+$0xFFFFFEC0];
	_ =	sdelay $0x2  }
0x1b: {  	s22 =	sand.u32 $0x78, s25  }
0x1c: {  	s24 =	sor.u32 $0xE800, s22  }
0x1d: {  	[tilespmem:v1+s24+$0x0] =	vst.idx.msk $0xffff, v2  }
0x1e: {  	v2 =	vld [tilespmem:s26+$0xFFFFFED0];
	_ =	sdelay $0x3  }
0x1f: {  	s30 =	sor.u32 $0xF480, s22  }
0x20: {  	[tilespmem:v1+s30+$0x0] =	vst.idx.msk $0xffff, v2  }
0x21: {  	v2 =	vld [tilespmem:s26+$0xFFFFFEE0];
	_ =	sdelay $0x3  }
0x22: {  	s31 =	sor.u32 $0x10100, s22  }
0x23: {  	[tilespmem:v1+s31+$0x0] =	vst.idx.msk $0xffff, v2  }
0x24: {  	v2 =	vld [tilespmem:s26+$0xFFFFFEF0];
	_ =	sdelay $0x3  }
0x25: {  	s28 =	sor.u32 $0x10D80, s22  }
0x26: {  	[tilespmem:v1+s28+$0x0] =	vst.idx.msk $0xffff, v2  }
0x27: {  	v2 =	vld [tilespmem:s26+$0xFFFFFF00];
	_ =	sdelay $0x3  }
0x28: {  	s30 =	sor.u32 $0x11A00, s22  }
0x29: {  	[tilespmem:v1+s30+$0x0] =	vst.idx.msk $0xffff, v2  }
0x2a: {  	v2 =	vld [tilespmem:s26+$0xFFFFFF10];
	_ =	sdelay $0x3  }
0x2b: {  	s31 =	sor.u32 $0x12680, s22  }
0x2c: {  	[tilespmem:v1+s31+$0x0] =	vst.idx.msk $0xffff, v2  }
0x2d: {  	v2 =	vld [tilespmem:s26+$0xFFFFFF20];
	_ =	sdelay $0x3  }
0x2e: {  	s28 =	sor.u32 $0x13300, s22  }
0x2f: {  	[tilespmem:v1+s28+$0x0] =	vst.idx.msk $0xffff, v2  }
0x30: {  	v2 =	vld [tilespmem:s26+$0xFFFFFF30];
	_ =	sdelay $0x3  }
0x31: {  	s22 =	sor.u32 $0x13F80, s22;
	s30 =	simm.s32 $0x1  }
0x32: {  	s31 =	sand.u32 $0x7, s30;
	[tilespmem:v1+s22+$0x0] =	vst.idx.msk $0xffff, v2  }
0x33: {  	v1 =	vor.u32 s31, v0;
	v2 =	vld [tilespmem:s26+$0xFFFFFF40];
	_ =	sdelay $0x2  }
0x34: {  	s22 =	sand.u32 $0xF8, s30  }
0x35: {  	s24 =	sor.u32 $0xE800, s22  }
0x36: {  	[tilespmem:v1+s24+$0x0] =	vst.idx.msk $0xffff, v2  }
0x37: {  	v2 =	vld [tilespmem:s26+$0xFFFFFF50];
	_ =	sdelay $0x4  }
0x38: {  	[tilespmem:v1+s22+$0xF480] =	vst.idx.msk $0xffff, v2  }
0x39: {  	v2 =	vld [tilespmem:s26+$0xFFFFFF60];
	_ =	sdelay $0x3  }
0x3a: {  	s28 =	sor.u32 $0x10100, s22  }
0x3b: {  	[tilespmem:v1+s28+$0x0] =	vst.idx.msk $0xffff, v2  }
0x3c: {  	v2 =	vld [tilespmem:s26+$0xFFFFFF70];
	_ =	sdelay $0x4  }
0x3d: {  	[tilespmem:v1+s22+$0x10D80] =	vst.idx.msk $0xffff, v2  }
0x3e: {  	v2 =	vld [tilespmem:s26+$0xFFFFFF80];
	_ =	sdelay $0x3  }
0x3f: {  	s30 =	sor.u32 $0x11A00, s22  }
0x40: {  	[tilespmem:v1+s30+$0x0] =	vst.idx.msk $0xffff, v2  }
0x41: {  	v2 =	vld [tilespmem:s26+$0xFFFFFF90];
	_ =	sdelay $0x4  }
0x42: {  	[tilespmem:v1+s22+$0x12680] =	vst.idx.msk $0xffff, v2  }
0x43: {  	v2 =	vld [tilespmem:s26+$0xFFFFFFA0];
	_ =	sdelay $0x3  }
0x44: {  	s31 =	sor.u32 $0x13300, s22  }
0x45: {  	[tilespmem:v1+s31+$0x0] =	vst.idx.msk $0xffff, v2  }
0x46: {  	v2 =	vld [tilespmem:s26+$0xFFFFFFB0];
	_ =	sdelay $0x3  }
0x47: {  	s28 =	simm.s32 $0x2  }
0x48: {  	s30 =	sand.u32 $0x7, s28;
	[tilespmem:v1+s22+$0x13F80] =	vst.idx.msk $0xffff, v2  }
0x49: {  	v1 =	vor.u32 s30, v0;
	v2 =	vld [tilespmem:s26+$0xFFFFFFC0];
	_ =	sdelay $0x2  }
0x4a: {  	s22 =	sand.u32 $0xF8, s28  }
0x4b: {  	s24 =	sor.u32 $0xE800, s22  }
0x4c: {  	[tilespmem:v1+s24+$0x0] =	vst.idx.msk $0xffff, v2  }
0x4d: {  	v2 =	vld [tilespmem:s26+$0xFFFFFFD0];
	_ =	sdelay $0x4  }
0x4e: {  	[tilespmem:v1+s22+$0xF480] =	vst.idx.msk $0xffff, v2  }
0x4f: {  	v2 =	vld [tilespmem:s26+$0xFFFFFFE0];
	_ =	sdelay $0x3  }
0x50: {  	s31 =	sor.u32 $0x10100, s22  }
0x51: {  	[tilespmem:v1+s31+$0x0] =	vst.idx.msk $0xffff, v2  }
0x52: {  	v2 =	vld [tilespmem:s26+$0xFFFFFFF0];
	_ =	sdelay $0x4  }
0x53: {  	[tilespmem:v1+s22+$0x10D80] =	vst.idx.msk $0xffff, v2  }
0x54: {  	v2 =	vld [tilespmem:s26+$0x0];
	_ =	sdelay $0x3  }
0x55: {  	s28 =	sor.u32 $0x11A00, s22  }
0x56: {  	[tilespmem:v1+s28+$0x0] =	vst.idx.msk $0xffff, v2  }
0x57: {  	v2 =	vld [tilespmem:s26+$0x10];
	_ =	sdelay $0x4  }
0x58: {  	[tilespmem:v1+s22+$0x12680] =	vst.idx.msk $0xffff, v2  }
0x59: {  	v2 =	vld [tilespmem:s26+$0x20];
	_ =	sdelay $0x3  }
0x5a: {  	s30 =	sor.u32 $0x13300, s22  }
0x5b: {  	[tilespmem:v1+s30+$0x0] =	vst.idx.msk $0xffff, v2  }
0x5c: {  	v2 =	vld [tilespmem:s26+$0x30];
	_ =	sdelay $0x3  }
0x5d: {  	s31 =	simm.s32 $0x3  }
0x5e: {  	s28 =	sand.u32 $0x7, s31;
	[tilespmem:v1+s22+$0x13F80] =	vst.idx.msk $0xffff, v2  }
0x5f: {  	v1 =	vor.u32 s28, v0;
	v2 =	vld [tilespmem:s26+$0x40];
	_ =	sdelay $0x2  }
0x60: {  	s22 =	sand.u32 $0xF8, s31  }
0x61: {  	s24 =	sor.u32 $0xE800, s22  }
0x62: {  	[tilespmem:v1+s24+$0x0] =	vst.idx.msk $0xffff, v2  }
0x63: {  	v2 =	vld [tilespmem:s26+$0x50];
	_ =	sdelay $0x4  }
0x64: {  	[tilespmem:v1+s22+$0xF480] =	vst.idx.msk $0xffff, v2  }
0x65: {  	v2 =	vld [tilespmem:s26+$0x60];
	_ =	sdelay $0x3  }
0x66: {  	s30 =	sor.u32 $0x10100, s22  }
0x67: {  	[tilespmem:v1+s30+$0x0] =	vst.idx.msk $0xffff, v2  }
0x68: {  	v2 =	vld [tilespmem:s26+$0x70];
	_ =	sdelay $0x4  }
0x69: {  	[tilespmem:v1+s22+$0x10D80] =	vst.idx.msk $0xffff, v2  }
0x6a: {  	v2 =	vld [tilespmem:s26+$0x80];
	_ =	sdelay $0x3  }
0x6b: {  	s31 =	sor.u32 $0x11A00, s22  }
0x6c: {  	[tilespmem:v1+s31+$0x0] =	vst.idx.msk $0xffff, v2  }
0x6d: {  	v2 =	vld [tilespmem:s26+$0x90];
	_ =	sdelay $0x4  }
0x6e: {  	[tilespmem:v1+s22+$0x12680] =	vst.idx.msk $0xffff, v2  }
0x6f: {  	v2 =	vld [tilespmem:s26+$0xA0];
	_ =	sdelay $0x3  }
0x70: {  	s28 =	sor.u32 $0x13300, s22  }
0x71: {  	[tilespmem:v1+s28+$0x0] =	vst.idx.msk $0xffff, v2  }
0x72: {  	v2 =	vld [tilespmem:s26+$0xB0];
	_ =	sdelay $0x3  }
0x73: {  	s30 =	simm.s32 $0x4  }
0x74: {  	s31 =	sand.u32 $0x7, s30;
	[tilespmem:v1+s22+$0x13F80] =	vst.idx.msk $0xffff, v2  }
0x75: {  	v1 =	vor.u32 s31, v0;
	v2 =	vld [tilespmem:s26+$0xC0];
	_ =	sdelay $0x2  }
0x76: {  	s29 =	sand.u32 $0xF8, s30  }
0x77: {  	s24 =	sor.u32 $0xE800, s29  }
0x78: {  	[tilespmem:v1+s24+$0x0] =	vst.idx.msk $0xffff, v2  }
0x79: {  	v2 =	vld [tilespmem:s26+$0xD0];
	_ =	sdelay $0x4  }
0x7a: {  	[tilespmem:v1+s29+$0xF480] =	vst.idx.msk $0xffff, v2  }
0x7b: {  	v2 =	vld [tilespmem:s26+$0xE0];
	_ =	sdelay $0x3  }
0x7c: {  	s28 =	sor.u32 $0x10100, s29  }
0x7d: {  	[tilespmem:v1+s28+$0x0] =	vst.idx.msk $0xffff, v2  }
0x7e: {  	v2 =	vld [tilespmem:s26+$0xF0];
	_ =	sdelay $0x4  }
0x7f: {  	[tilespmem:v1+s29+$0x10D80] =	vst.idx.msk $0xffff, v2  }
0x80: {  	v2 =	vld [tilespmem:s26+$0x100];
	_ =	sdelay $0x3  }
0x81: {  	s30 =	sor.u32 $0x11A00, s29  }
0x82: {  	[tilespmem:v1+s30+$0x0] =	vst.idx.msk $0xffff, v2  }
0x83: {  	v2 =	vld [tilespmem:s26+$0x110];
	_ =	sdelay $0x4  }
0x84: {  	[tilespmem:v1+s29+$0x12680] =	vst.idx.msk $0xffff, v2  }
0x85: {  	v2 =	vld [tilespmem:s26+$0x120];
	_ =	sdelay $0x3  }
0x86: {  	s31 =	sor.u32 $0x13300, s29  }
0x87: {  	[tilespmem:v1+s31+$0x0] =	vst.idx.msk $0xffff, v2  }
0x88: {  	s22 =	sshllo.u32 s21, $0x1;
	s24 =	sshll.u32 s21, $0x1;
	v2 =	vld [tilespmem:s26+$0x130]  }
.LBB2_3:
0x89: {  	_ =	sdelay $0x2  }
0x8a: {  	s28 =	smov.u32 s25;
	s25 =	sadd.s32 $0x5, s25  }
0x8b: {  	s26 =	sadd.s32 $0x280, s26;
	s30 =	sand.u32 $0x7, s25;
	p1 =	slt.u32 s25, $0x5F;
	[tilespmem:v1+s29+$0x13F80] =	vst.idx.msk $0xffff, v2  }
0x8c: {  	v1 =	vor.u32 s30, v0;
	v2 =	vld [tilespmem:s26+$0xFFFFFEC0];
	_ =	sdelay $0x2  }
0x8d: {  	s29 =	sand.u32 $0x78, s25  }
0x8e: {  	s30 =	sor.u32 $0xE800, s29  }
0x8f: {  	[tilespmem:v1+s30+$0x0] =	vst.idx.msk $0xffff, v2  }
0x90: {  	v2 =	vld [tilespmem:s26+$0xFFFFFED0];
	_ =	sdelay $0x3  }
0x91: {  	s30 =	sor.u32 $0xF480, s29  }
0x92: {  	[tilespmem:v1+s30+$0x0] =	vst.idx.msk $0xffff, v2  }
0x93: {  	v2 =	vld [tilespmem:s26+$0xFFFFFEE0];
	_ =	sdelay $0x3  }
0x94: {  	s30 =	sor.u32 $0x10100, s29  }
0x95: {  	[tilespmem:v1+s30+$0x0] =	vst.idx.msk $0xffff, v2  }
0x96: {  	v2 =	vld [tilespmem:s26+$0xFFFFFEF0];
	_ =	sdelay $0x3  }
0x97: {  	s30 =	sor.u32 $0x10D80, s29  }
0x98: {  	[tilespmem:v1+s30+$0x0] =	vst.idx.msk $0xffff, v2  }
0x99: {  	v2 =	vld [tilespmem:s26+$0xFFFFFF00];
	_ =	sdelay $0x3  }
0x9a: {  	s30 =	sor.u32 $0x11A00, s29  }
0x9b: {  	[tilespmem:v1+s30+$0x0] =	vst.idx.msk $0xffff, v2  }
0x9c: {  	v2 =	vld [tilespmem:s26+$0xFFFFFF10];
	_ =	sdelay $0x3  }
0x9d: {  	s30 =	sor.u32 $0x12680, s29  }
0x9e: {  	[tilespmem:v1+s30+$0x0] =	vst.idx.msk $0xffff, v2  }
0x9f: {  	v2 =	vld [tilespmem:s26+$0xFFFFFF20];
	_ =	sdelay $0x3  }
0xa0: {  	s30 =	sor.u32 $0x13300, s29  }
0xa1: {  	[tilespmem:v1+s30+$0x0] =	vst.idx.msk $0xffff, v2  }
0xa2: {  	v2 =	vld [tilespmem:s26+$0xFFFFFF30];
	_ =	sdelay $0x3  }
0xa3: {  	s29 =	sor.u32 $0x13F80, s29;
	s30 =	sadd.s32 $0x6, s28  }
0xa4: {  	[tilespmem:v1+s29+$0x0] =	vst.idx.msk $0xffff, v2;
	s29 =	sand.u32 $0x7, s30  }
0xa5: {  	v1 =	vor.u32 s29, v0;
	v2 =	vld [tilespmem:s26+$0xFFFFFF40];
	_ =	sdelay $0x2  }
0xa6: {  	s29 =	sand.u32 $0xF8, s30  }
0xa7: {  	s30 =	sor.u32 $0xE800, s29  }
0xa8: {  	[tilespmem:v1+s30+$0x0] =	vst.idx.msk $0xffff, v2  }
0xa9: {  	v2 =	vld [tilespmem:s26+$0xFFFFFF50];
	_ =	sdelay $0x4  }
0xaa: {  	[tilespmem:v1+s29+$0xF480] =	vst.idx.msk $0xffff, v2  }
0xab: {  	v2 =	vld [tilespmem:s26+$0xFFFFFF60];
	_ =	sdelay $0x3  }
0xac: {  	s30 =	sor.u32 $0x10100, s29  }
0xad: {  	[tilespmem:v1+s30+$0x0] =	vst.idx.msk $0xffff, v2  }
0xae: {  	v2 =	vld [tilespmem:s26+$0xFFFFFF70];
	_ =	sdelay $0x4  }
0xaf: {  	[tilespmem:v1+s29+$0x10D80] =	vst.idx.msk $0xffff, v2  }
0xb0: {  	v2 =	vld [tilespmem:s26+$0xFFFFFF80];
	_ =	sdelay $0x3  }
0xb1: {  	s30 =	sor.u32 $0x11A00, s29  }
0xb2: {  	[tilespmem:v1+s30+$0x0] =	vst.idx.msk $0xffff, v2  }
0xb3: {  	v2 =	vld [tilespmem:s26+$0xFFFFFF90];
	_ =	sdelay $0x4  }
0xb4: {  	[tilespmem:v1+s29+$0x12680] =	vst.idx.msk $0xffff, v2  }
0xb5: {  	v2 =	vld [tilespmem:s26+$0xFFFFFFA0];
	_ =	sdelay $0x3  }
0xb6: {  	s30 =	sor.u32 $0x13300, s29  }
0xb7: {  	[tilespmem:v1+s30+$0x0] =	vst.idx.msk $0xffff, v2  }
0xb8: {  	v2 =	vld [tilespmem:s26+$0xFFFFFFB0];
	_ =	sdelay $0x3  }
0xb9: {  	s30 =	sadd.s32 $0x7, s28  }
0xba: {  	[tilespmem:v1+s29+$0x13F80] =	vst.idx.msk $0xffff, v2;
	s29 =	sand.u32 $0x7, s30  }
0xbb: {  	v1 =	vor.u32 s29, v0;
	v2 =	vld [tilespmem:s26+$0xFFFFFFC0];
	_ =	sdelay $0x2  }
0xbc: {  	s29 =	sand.u32 $0xF8, s30  }
0xbd: {  	s30 =	sor.u32 $0xE800, s29  }
0xbe: {  	[tilespmem:v1+s30+$0x0] =	vst.idx.msk $0xffff, v2  }
0xbf: {  	v2 =	vld [tilespmem:s26+$0xFFFFFFD0];
	_ =	sdelay $0x4  }
0xc0: {  	[tilespmem:v1+s29+$0xF480] =	vst.idx.msk $0xffff, v2  }
0xc1: {  	v2 =	vld [tilespmem:s26+$0xFFFFFFE0];
	_ =	sdelay $0x3  }
0xc2: {  	s30 =	sor.u32 $0x10100, s29  }
0xc3: {  	[tilespmem:v1+s30+$0x0] =	vst.idx.msk $0xffff, v2  }
0xc4: {  	v2 =	vld [tilespmem:s26+$0xFFFFFFF0];
	_ =	sdelay $0x4  }
0xc5: {  	[tilespmem:v1+s29+$0x10D80] =	vst.idx.msk $0xffff, v2  }
0xc6: {  	v2 =	vld [tilespmem:s26+$0x0];
	_ =	sdelay $0x3  }
0xc7: {  	s30 =	sor.u32 $0x11A00, s29  }
0xc8: {  	[tilespmem:v1+s30+$0x0] =	vst.idx.msk $0xffff, v2  }
0xc9: {  	v2 =	vld [tilespmem:s26+$0x10];
	_ =	sdelay $0x4  }
0xca: {  	[tilespmem:v1+s29+$0x12680] =	vst.idx.msk $0xffff, v2  }
0xcb: {  	v2 =	vld [tilespmem:s26+$0x20];
	_ =	sdelay $0x3  }
0xcc: {  	s30 =	sor.u32 $0x13300, s29  }
0xcd: {  	[tilespmem:v1+s30+$0x0] =	vst.idx.msk $0xffff, v2  }
0xce: {  	v2 =	vld [tilespmem:s26+$0x30];
	_ =	sdelay $0x3  }
0xcf: {  	s30 =	sadd.s32 $0x8, s28  }
0xd0: {  	[tilespmem:v1+s29+$0x13F80] =	vst.idx.msk $0xffff, v2;
	s29 =	sand.u32 $0x7, s30  }
0xd1: {  	v1 =	vor.u32 s29, v0;
	v2 =	vld [tilespmem:s26+$0x40];
	_ =	sdelay $0x2  }
0xd2: {  	s29 =	sand.u32 $0xF8, s30  }
0xd3: {  	s30 =	sor.u32 $0xE800, s29  }
0xd4: {  	[tilespmem:v1+s30+$0x0] =	vst.idx.msk $0xffff, v2  }
0xd5: {  	v2 =	vld [tilespmem:s26+$0x50];
	_ =	sdelay $0x4  }
0xd6: {  	[tilespmem:v1+s29+$0xF480] =	vst.idx.msk $0xffff, v2  }
0xd7: {  	v2 =	vld [tilespmem:s26+$0x60];
	_ =	sdelay $0x3  }
0xd8: {  	s30 =	sor.u32 $0x10100, s29  }
0xd9: {  	[tilespmem:v1+s30+$0x0] =	vst.idx.msk $0xffff, v2  }
0xda: {  	v2 =	vld [tilespmem:s26+$0x70];
	_ =	sdelay $0x4  }
0xdb: {  	[tilespmem:v1+s29+$0x10D80] =	vst.idx.msk $0xffff, v2  }
0xdc: {  	v2 =	vld [tilespmem:s26+$0x80];
	_ =	sdelay $0x3  }
0xdd: {  	s30 =	sor.u32 $0x11A00, s29  }
0xde: {  	[tilespmem:v1+s30+$0x0] =	vst.idx.msk $0xffff, v2  }
0xdf: {  	v2 =	vld [tilespmem:s26+$0x90];
	_ =	sdelay $0x4  }
0xe0: {  	[tilespmem:v1+s29+$0x12680] =	vst.idx.msk $0xffff, v2  }
0xe1: {  	v2 =	vld [tilespmem:s26+$0xA0];
	_ =	sdelay $0x3  }
0xe2: {  	s30 =	sor.u32 $0x13300, s29  }
0xe3: {  	[tilespmem:v1+s30+$0x0] =	vst.idx.msk $0xffff, v2  }
0xe4: {  	v2 =	vld [tilespmem:s26+$0xB0];
	_ =	sdelay $0x3  }
0xe5: {  	s28 =	sadd.s32 $0x9, s28  }
0xe6: {  	[tilespmem:v1+s29+$0x13F80] =	vst.idx.msk $0xffff, v2;
	s29 =	sand.u32 $0x7, s28  }
0xe7: {  	v1 =	vor.u32 s29, v0;
	v2 =	vld [tilespmem:s26+$0xC0];
	_ =	sdelay $0x2  }
0xe8: {  	s29 =	sand.u32 $0xF8, s28  }
0xe9: {  	s28 =	sor.u32 $0xE800, s29  }
0xea: {  	[tilespmem:v1+s28+$0x0] =	vst.idx.msk $0xffff, v2  }
0xeb: {  	v2 =	vld [tilespmem:s26+$0xD0];
	_ =	sdelay $0x4  }
0xec: {  	[tilespmem:v1+s29+$0xF480] =	vst.idx.msk $0xffff, v2  }
0xed: {  	v2 =	vld [tilespmem:s26+$0xE0];
	_ =	sdelay $0x3  }
0xee: {  	s28 =	sor.u32 $0x10100, s29  }
0xef: {  	[tilespmem:v1+s28+$0x0] =	vst.idx.msk $0xffff, v2  }
0xf0: {  	v2 =	vld [tilespmem:s26+$0xF0];
	_ =	sdelay $0x4  }
0xf1: {  	[tilespmem:v1+s29+$0x10D80] =	vst.idx.msk $0xffff, v2  }
0xf2: {  	v2 =	vld [tilespmem:s26+$0x100];
	_ =	sdelay $0x3  }
0xf3: {  	s28 =	sor.u32 $0x11A00, s29  }
0xf4: {  	[tilespmem:v1+s28+$0x0] =	vst.idx.msk $0xffff, v2  }
0xf5: {  	v2 =	vld [tilespmem:s26+$0x110];
	_ =	sdelay $0x4  }
0xf6: {  	[tilespmem:v1+s29+$0x12680] =	vst.idx.msk $0xffff, v2  }
0xf7: {  	v2 =	vld [tilespmem:s26+$0x120];
	_ =	sdelay $0x1  }
.Ltmp0:
0xf8: {  	(pc) =	sbr.rel @p1 .LBB2_3-.Ltmp0, $4  }
0xf9: {  	_ = 	snop  }
0xfa: {  	s28 =	sor.u32 $0x13300, s29  }
0xfb: {  	[tilespmem:v1+s28+$0x0] =	vst.idx.msk $0xffff, v2  }
0xfc: {  	v2 =	vld [tilespmem:s26+$0x130]  }
0xfd: {  	_ =	sdelay $0x3  }
0xfe: {  	[tilespmem:v1+s29+$0x13F80] =	vst.idx.msk $0xffff, v2  }
0xff: {  	s25 =	sshll.u32 s22, $0x8;
	_ =	swait.ge [sflag:s13], $0x3200  }
0x100: {  	s28 =	simm.s32 $0x64;
	s26 =	simm.s32 $0xB540;
	[sflag:s13] =	ssyncset.done $0x0  }
0x101: {  	s25 =	sand.u32 $0x3FFFFF00, s25;
	s29 =	sand.u32 $0x7, s28;
	[sflag:s13] =	ssyncadd.s32 $0xFFFFCE00  }
0x102: {  	[tilespmem:s10], [sflag:$0x1] =	stream.indirect.gather [hbm4b:s2+s9], $0x80, s25, s9, $0xb8;
	[tilespmem:$0x1B000] =	vst v63  }
0x103: {  	v1 =	vor.u32 s29, v0;
	v2 =	vld [tilespmem:s26+$0xFFFFFEC0];
	_ =	sdelay $0x2  }
0x104: {  	s28 =	sand.u32 $0xF8, s28  }
0x105: {  	s29 =	sor.u32 $0xE800, s28  }
0x106: {  	[tilespmem:v1+s29+$0x0] =	vst.idx.msk $0xffff, v2  }
0x107: {  	v2 =	vld [tilespmem:s26+$0xFFFFFED0];
	_ =	sdelay $0x4  }
0x108: {  	[tilespmem:v1+s28+$0xF480] =	vst.idx.msk $0xffff, v2  }
0x109: {  	v2 =	vld [tilespmem:s26+$0xFFFFFEE0];
	_ =	sdelay $0x3  }
0x10a: {  	s29 =	sor.u32 $0x10100, s28  }
0x10b: {  	[tilespmem:v1+s29+$0x0] =	vst.idx.msk $0xffff, v2  }
0x10c: {  	v2 =	vld [tilespmem:s26+$0xFFFFFEF0];
	_ =	sdelay $0x4  }
0x10d: {  	[tilespmem:v1+s28+$0x10D80] =	vst.idx.msk $0xffff, v2  }
0x10e: {  	v2 =	vld [tilespmem:s26+$0xFFFFFF00];
	_ =	sdelay $0x3  }
0x10f: {  	s29 =	sor.u32 $0x11A00, s28  }
0x110: {  	[tilespmem:v1+s29+$0x0] =	vst.idx.msk $0xffff, v2  }
0x111: {  	v2 =	vld [tilespmem:s26+$0xFFFFFF10];
	_ =	sdelay $0x4  }
0x112: {  	[tilespmem:v1+s28+$0x12680] =	vst.idx.msk $0xffff, v2  }
0x113: {  	v2 =	vld [tilespmem:s26+$0xFFFFFF20];
	_ =	sdelay $0x3  }
0x114: {  	s29 =	sor.u32 $0x13300, s28  }
0x115: {  	[tilespmem:v1+s29+$0x0] =	vst.idx.msk $0xffff, v2  }
0x116: {  	v2 =	vld [tilespmem:s26+$0xFFFFFF30];
	_ =	sdelay $0x3  }
0x117: {  	s29 =	simm.s32 $0x65  }
0x118: {  	[tilespmem:v1+s28+$0x13F80] =	vst.idx.msk $0xffff, v2;
	s28 =	sand.u32 $0x7, s29  }
0x119: {  	v1 =	vor.u32 s28, v0;
	v2 =	vld [tilespmem:s26+$0xFFFFFF40];
	_ =	sdelay $0x2  }
0x11a: {  	s28 =	sand.u32 $0xF8, s29  }
0x11b: {  	s29 =	sor.u32 $0xE800, s28  }
0x11c: {  	[tilespmem:v1+s29+$0x0] =	vst.idx.msk $0xffff, v2  }
0x11d: {  	v2 =	vld [tilespmem:s26+$0xFFFFFF50];
	_ =	sdelay $0x4  }
0x11e: {  	[tilespmem:v1+s28+$0xF480] =	vst.idx.msk $0xffff, v2  }
0x11f: {  	v2 =	vld [tilespmem:s26+$0xFFFFFF60];
	_ =	sdelay $0x3  }
0x120: {  	s29 =	sor.u32 $0x10100, s28  }
0x121: {  	[tilespmem:v1+s29+$0x0] =	vst.idx.msk $0xffff, v2  }
0x122: {  	v2 =	vld [tilespmem:s26+$0xFFFFFF70];
	_ =	sdelay $0x4  }
0x123: {  	[tilespmem:v1+s28+$0x10D80] =	vst.idx.msk $0xffff, v2  }
0x124: {  	v2 =	vld [tilespmem:s26+$0xFFFFFF80];
	_ =	sdelay $0x3  }
0x125: {  	s29 =	sor.u32 $0x11A00, s28  }
0x126: {  	[tilespmem:v1+s29+$0x0] =	vst.idx.msk $0xffff, v2  }
0x127: {  	v2 =	vld [tilespmem:s26+$0xFFFFFF90];
	_ =	sdelay $0x4  }
0x128: {  	[tilespmem:v1+s28+$0x12680] =	vst.idx.msk $0xffff, v2  }
0x129: {  	v2 =	vld [tilespmem:s26+$0xFFFFFFA0];
	_ =	sdelay $0x3  }
0x12a: {  	s29 =	sor.u32 $0x13300, s28  }
0x12b: {  	[tilespmem:v1+s29+$0x0] =	vst.idx.msk $0xffff, v2  }
0x12c: {  	v2 =	vld [tilespmem:s26+$0xFFFFFFB0];
	_ =	sdelay $0x3  }
0x12d: {  	s29 =	simm.s32 $0x66  }
0x12e: {  	[tilespmem:v1+s28+$0x13F80] =	vst.idx.msk $0xffff, v2;
	s28 =	sand.u32 $0x7, s29  }
0x12f: {  	v1 =	vor.u32 s28, v0;
	v2 =	vld [tilespmem:s26+$0xFFFFFFC0];
	_ =	sdelay $0x2  }
0x130: {  	s28 =	sand.u32 $0xF8, s29  }
0x131: {  	s29 =	sor.u32 $0xE800, s28  }
0x132: {  	[tilespmem:v1+s29+$0x0] =	vst.idx.msk $0xffff, v2  }
0x133: {  	v2 =	vld [tilespmem:s26+$0xFFFFFFD0];
	_ =	sdelay $0x4  }
0x134: {  	[tilespmem:v1+s28+$0xF480] =	vst.idx.msk $0xffff, v2  }
0x135: {  	v2 =	vld [tilespmem:s26+$0xFFFFFFE0];
	_ =	sdelay $0x3  }
0x136: {  	s29 =	sor.u32 $0x10100, s28  }
0x137: {  	[tilespmem:v1+s29+$0x0] =	vst.idx.msk $0xffff, v2  }
0x138: {  	v2 =	vld [tilespmem:s26+$0xFFFFFFF0];
	_ =	sdelay $0x4  }
0x139: {  	[tilespmem:v1+s28+$0x10D80] =	vst.idx.msk $0xffff, v2  }
0x13a: {  	v2 =	vld [tilespmem:s26+$0x0];
	_ =	sdelay $0x3  }
0x13b: {  	s29 =	sor.u32 $0x11A00, s28  }
0x13c: {  	[tilespmem:v1+s29+$0x0] =	vst.idx.msk $0xffff, v2  }
0x13d: {  	v2 =	vld [tilespmem:s26+$0x10];
	_ =	sdelay $0x4  }
0x13e: {  	[tilespmem:v1+s28+$0x12680] =	vst.idx.msk $0xffff, v2  }
0x13f: {  	v2 =	vld [tilespmem:s26+$0x20];
	_ =	sdelay $0x3  }
0x140: {  	s29 =	sor.u32 $0x13300, s28  }
0x141: {  	[tilespmem:v1+s29+$0x0] =	vst.idx.msk $0xffff, v2  }
0x142: {  	v2 =	vld [tilespmem:s26+$0x30];
	_ =	sdelay $0x3  }
0x143: {  	s29 =	simm.s32 $0x67  }
0x144: {  	[tilespmem:v1+s28+$0x13F80] =	vst.idx.msk $0xffff, v2;
	s28 =	sand.u32 $0x7, s29  }
0x145: {  	v1 =	vor.u32 s28, v0;
	v2 =	vld [tilespmem:s26+$0x40];
	_ =	sdelay $0x2  }
0x146: {  	s29 =	sand.u32 $0xF8, s29  }
0x147: {  	s28 =	sor.u32 $0xE800, s29  }
0x148: {  	[tilespmem:v1+s28+$0x0] =	vst.idx.msk $0xffff, v2  }
0x149: {  	v2 =	vld [tilespmem:s26+$0x50];
	_ =	sdelay $0x4  }
0x14a: {  	[tilespmem:v1+s29+$0xF480] =	vst.idx.msk $0xffff, v2  }
0x14b: {  	v2 =	vld [tilespmem:s26+$0x60];
	_ =	sdelay $0x3  }
0x14c: {  	s28 =	sor.u32 $0x10100, s29  }
0x14d: {  	[tilespmem:v1+s28+$0x0] =	vst.idx.msk $0xffff, v2  }
0x14e: {  	v2 =	vld [tilespmem:s26+$0x70];
	_ =	sdelay $0x4  }
0x14f: {  	[tilespmem:v1+s29+$0x10D80] =	vst.idx.msk $0xffff, v2  }
0x150: {  	v2 =	vld [tilespmem:s26+$0x80];
	_ =	sdelay $0x3  }
0x151: {  	s28 =	sor.u32 $0x11A00, s29  }
0x152: {  	[tilespmem:v1+s28+$0x0] =	vst.idx.msk $0xffff, v2  }
0x153: {  	v2 =	vld [tilespmem:s26+$0x90];
	_ =	sdelay $0x4  }
0x154: {  	[tilespmem:v1+s29+$0x12680] =	vst.idx.msk $0xffff, v2  }
0x155: {  	v2 =	vld [tilespmem:s26+$0xA0];
	_ =	sdelay $0x3  }
0x156: {  	s28 =	sor.u32 $0x13300, s29  }
0x157: {  	[tilespmem:v1+s28+$0x0] =	vst.idx.msk $0xffff, v2  }
0x158: {  	v2 =	vld [tilespmem:s26+$0xB0];
	_ =	sdelay $0x3  }
0x159: {  	s28 =	simm.s32 $0x0  }
0x15a: {  	[tilespmem:v1+s29+$0x13F80] =	vst.idx.msk $0xffff, v2;
	s29 =	sand.u32 $0x7, s28  }
0x15b: {  	v1 =	vor.u32 s29, v0;
	v2 =	vld [tilespmem:s26+$0xC0];
	_ =	sdelay $0x3  }
0x15c: {  	s29 =	sand.u32 $0x78, s28  }
0x15d: {  	[tilespmem:v1+s29+$0xE868] =	vst.idx.msk $0xffff, v2  }
0x15e: {  	v2 =	vld [tilespmem:s26+$0xD0];
	_ =	sdelay $0x4  }
0x15f: {  	[tilespmem:v1+s29+$0xF4E8] =	vst.idx.msk $0xffff, v2  }
0x160: {  	v2 =	vld [tilespmem:s26+$0xE0];
	_ =	sdelay $0x4  }
0x161: {  	[tilespmem:v1+s29+$0x10168] =	vst.idx.msk $0xffff, v2  }
0x162: {  	v2 =	vld [tilespmem:s26+$0xF0];
	_ =	sdelay $0x4  }
0x163: {  	[tilespmem:v1+s29+$0x10DE8] =	vst.idx.msk $0xffff, v2  }
0x164: {  	v2 =	vld [tilespmem:s26+$0x100];
	_ =	sdelay $0x4  }
0x165: {  	[tilespmem:v1+s29+$0x11A68] =	vst.idx.msk $0xffff, v2  }
0x166: {  	v2 =	vld [tilespmem:s26+$0x110];
	_ =	sdelay $0x4  }
0x167: {  	[tilespmem:v1+s29+$0x126E8] =	vst.idx.msk $0xffff, v2  }
0x168: {  	v2 =	vld [tilespmem:s26+$0x120];
	_ =	sdelay $0x4  }
0x169: {  	[tilespmem:v1+s29+$0x13368] =	vst.idx.msk $0xffff, v2  }
0x16a: {  	v2 =	vld [tilespmem:s26+$0x130]  }
.LBB2_5:
0x16b: {  	_ =	sdelay $0x2  }
0x16c: {  	s30 =	sadd.s32 $0x69, s28  }
0x16d: {  	s26 =	sadd.s32 $0x280, s26;
	s31 =	sand.u32 $0x7, s30;
	[tilespmem:v1+s29+$0x13FE8] =	vst.idx.msk $0xffff, v2  }
0x16e: {  	v1 =	vor.u32 s31, v0;
	v2 =	vld [tilespmem:s26+$0xFFFFFEC0];
	_ =	sdelay $0x2  }
0x16f: {  	s29 =	sand.u32 $0xF8, s30  }
0x170: {  	s30 =	sor.u32 $0xE800, s29  }
0x171: {  	[tilespmem:v1+s30+$0x0] =	vst.idx.msk $0xffff, v2  }
0x172: {  	v2 =	vld [tilespmem:s26+$0xFFFFFED0];
	_ =	sdelay $0x4  }
0x173: {  	[tilespmem:v1+s29+$0xF480] =	vst.idx.msk $0xffff, v2  }
0x174: {  	v2 =	vld [tilespmem:s26+$0xFFFFFEE0];
	_ =	sdelay $0x3  }
0x175: {  	s30 =	sor.u32 $0x10100, s29  }
0x176: {  	[tilespmem:v1+s30+$0x0] =	vst.idx.msk $0xffff, v2  }
0x177: {  	v2 =	vld [tilespmem:s26+$0xFFFFFEF0];
	_ =	sdelay $0x4  }
0x178: {  	[tilespmem:v1+s29+$0x10D80] =	vst.idx.msk $0xffff, v2  }
0x179: {  	v2 =	vld [tilespmem:s26+$0xFFFFFF00];
	_ =	sdelay $0x3  }
0x17a: {  	s30 =	sor.u32 $0x11A00, s29  }
0x17b: {  	[tilespmem:v1+s30+$0x0] =	vst.idx.msk $0xffff, v2  }
0x17c: {  	v2 =	vld [tilespmem:s26+$0xFFFFFF10];
	_ =	sdelay $0x4  }
0x17d: {  	[tilespmem:v1+s29+$0x12680] =	vst.idx.msk $0xffff, v2  }
0x17e: {  	v2 =	vld [tilespmem:s26+$0xFFFFFF20];
	_ =	sdelay $0x3  }
0x17f: {  	s30 =	sor.u32 $0x13300, s29  }
0x180: {  	[tilespmem:v1+s30+$0x0] =	vst.idx.msk $0xffff, v2  }
0x181: {  	v2 =	vld [tilespmem:s26+$0xFFFFFF30];
	_ =	sdelay $0x3  }
0x182: {  	s30 =	sadd.s32 $0x6A, s28  }
0x183: {  	[tilespmem:v1+s29+$0x13F80] =	vst.idx.msk $0xffff, v2;
	s29 =	sand.u32 $0x7, s30  }
0x184: {  	v1 =	vor.u32 s29, v0;
	v2 =	vld [tilespmem:s26+$0xFFFFFF40];
	_ =	sdelay $0x2  }
0x185: {  	s29 =	sand.u32 $0xF8, s30  }
0x186: {  	s30 =	sor.u32 $0xE800, s29  }
0x187: {  	[tilespmem:v1+s30+$0x0] =	vst.idx.msk $0xffff, v2  }
0x188: {  	v2 =	vld [tilespmem:s26+$0xFFFFFF50];
	_ =	sdelay $0x4  }
0x189: {  	[tilespmem:v1+s29+$0xF480] =	vst.idx.msk $0xffff, v2  }
0x18a: {  	v2 =	vld [tilespmem:s26+$0xFFFFFF60];
	_ =	sdelay $0x3  }
0x18b: {  	s30 =	sor.u32 $0x10100, s29  }
0x18c: {  	[tilespmem:v1+s30+$0x0] =	vst.idx.msk $0xffff, v2  }
0x18d: {  	v2 =	vld [tilespmem:s26+$0xFFFFFF70];
	_ =	sdelay $0x4  }
0x18e: {  	[tilespmem:v1+s29+$0x10D80] =	vst.idx.msk $0xffff, v2  }
0x18f: {  	v2 =	vld [tilespmem:s26+$0xFFFFFF80];
	_ =	sdelay $0x3  }
0x190: {  	s30 =	sor.u32 $0x11A00, s29  }
0x191: {  	[tilespmem:v1+s30+$0x0] =	vst.idx.msk $0xffff, v2  }
0x192: {  	v2 =	vld [tilespmem:s26+$0xFFFFFF90];
	_ =	sdelay $0x4  }
0x193: {  	[tilespmem:v1+s29+$0x12680] =	vst.idx.msk $0xffff, v2  }
0x194: {  	v2 =	vld [tilespmem:s26+$0xFFFFFFA0];
	_ =	sdelay $0x3  }
0x195: {  	s30 =	sor.u32 $0x13300, s29  }
0x196: {  	[tilespmem:v1+s30+$0x0] =	vst.idx.msk $0xffff, v2  }
0x197: {  	v2 =	vld [tilespmem:s26+$0xFFFFFFB0];
	_ =	sdelay $0x3  }
0x198: {  	s30 =	sadd.s32 $0x6B, s28  }
0x199: {  	[tilespmem:v1+s29+$0x13F80] =	vst.idx.msk $0xffff, v2;
	s29 =	sand.u32 $0x7, s30  }
0x19a: {  	v1 =	vor.u32 s29, v0;
	v2 =	vld [tilespmem:s26+$0xFFFFFFC0];
	_ =	sdelay $0x2  }
0x19b: {  	s29 =	sand.u32 $0xF8, s30  }
0x19c: {  	s30 =	sor.u32 $0xE800, s29  }
0x19d: {  	[tilespmem:v1+s30+$0x0] =	vst.idx.msk $0xffff, v2  }
0x19e: {  	v2 =	vld [tilespmem:s26+$0xFFFFFFD0];
	_ =	sdelay $0x4  }
0x19f: {  	[tilespmem:v1+s29+$0xF480] =	vst.idx.msk $0xffff, v2  }
0x1a0: {  	v2 =	vld [tilespmem:s26+$0xFFFFFFE0];
	_ =	sdelay $0x3  }
0x1a1: {  	s30 =	sor.u32 $0x10100, s29  }
0x1a2: {  	[tilespmem:v1+s30+$0x0] =	vst.idx.msk $0xffff, v2  }
0x1a3: {  	v2 =	vld [tilespmem:s26+$0xFFFFFFF0];
	_ =	sdelay $0x4  }
0x1a4: {  	[tilespmem:v1+s29+$0x10D80] =	vst.idx.msk $0xffff, v2  }
0x1a5: {  	v2 =	vld [tilespmem:s26+$0x0];
	_ =	sdelay $0x3  }
0x1a6: {  	s30 =	sor.u32 $0x11A00, s29  }
0x1a7: {  	[tilespmem:v1+s30+$0x0] =	vst.idx.msk $0xffff, v2  }
0x1a8: {  	v2 =	vld [tilespmem:s26+$0x10];
	_ =	sdelay $0x4  }
0x1a9: {  	[tilespmem:v1+s29+$0x12680] =	vst.idx.msk $0xffff, v2  }
0x1aa: {  	v2 =	vld [tilespmem:s26+$0x20];
	_ =	sdelay $0x3  }
0x1ab: {  	s30 =	sor.u32 $0x13300, s29  }
0x1ac: {  	[tilespmem:v1+s30+$0x0] =	vst.idx.msk $0xffff, v2  }
0x1ad: {  	v2 =	vld [tilespmem:s26+$0x30];
	_ =	sdelay $0x3  }
0x1ae: {  	s30 =	sadd.s32 $0x6C, s28  }
0x1af: {  	[tilespmem:v1+s29+$0x13F80] =	vst.idx.msk $0xffff, v2;
	s29 =	sand.u32 $0x7, s30  }
0x1b0: {  	v1 =	vor.u32 s29, v0;
	v2 =	vld [tilespmem:s26+$0x40];
	_ =	sdelay $0x2  }
0x1b1: {  	s29 =	sand.u32 $0xF8, s30  }
0x1b2: {  	s30 =	sor.u32 $0xE800, s29  }
0x1b3: {  	[tilespmem:v1+s30+$0x0] =	vst.idx.msk $0xffff, v2  }
0x1b4: {  	v2 =	vld [tilespmem:s26+$0x50];
	_ =	sdelay $0x4  }
0x1b5: {  	[tilespmem:v1+s29+$0xF480] =	vst.idx.msk $0xffff, v2  }
0x1b6: {  	v2 =	vld [tilespmem:s26+$0x60];
	_ =	sdelay $0x3  }
0x1b7: {  	s30 =	sor.u32 $0x10100, s29  }
0x1b8: {  	[tilespmem:v1+s30+$0x0] =	vst.idx.msk $0xffff, v2  }
0x1b9: {  	v2 =	vld [tilespmem:s26+$0x70];
	_ =	sdelay $0x4  }
0x1ba: {  	[tilespmem:v1+s29+$0x10D80] =	vst.idx.msk $0xffff, v2  }
0x1bb: {  	v2 =	vld [tilespmem:s26+$0x80];
	_ =	sdelay $0x3  }
0x1bc: {  	s30 =	sor.u32 $0x11A00, s29  }
0x1bd: {  	[tilespmem:v1+s30+$0x0] =	vst.idx.msk $0xffff, v2  }
0x1be: {  	v2 =	vld [tilespmem:s26+$0x90];
	_ =	sdelay $0x4  }
0x1bf: {  	[tilespmem:v1+s29+$0x12680] =	vst.idx.msk $0xffff, v2  }
0x1c0: {  	v2 =	vld [tilespmem:s26+$0xA0];
	_ =	sdelay $0x3  }
0x1c1: {  	s30 =	sor.u32 $0x13300, s29  }
0x1c2: {  	[tilespmem:v1+s30+$0x0] =	vst.idx.msk $0xffff, v2  }
0x1c3: {  	v2 =	vld [tilespmem:s26+$0xB0];
	_ =	sdelay $0x3  }
0x1c4: {  	s28 =	sadd.s32 $0x5, s28  }
0x1c5: {  	p1 =	slt.u32 s28, $0x5F;
	[tilespmem:v1+s29+$0x13F80] =	vst.idx.msk $0xffff, v2;
	s29 =	sand.u32 $0x7, s28  }
0x1c6: {  	v1 =	vor.u32 s29, v0;
	v2 =	vld [tilespmem:s26+$0xC0];
	_ =	sdelay $0x3  }
0x1c7: {  	s29 =	sand.u32 $0x78, s28  }
0x1c8: {  	[tilespmem:v1+s29+$0xE868] =	vst.idx.msk $0xffff, v2  }
0x1c9: {  	v2 =	vld [tilespmem:s26+$0xD0];
	_ =	sdelay $0x4  }
0x1ca: {  	[tilespmem:v1+s29+$0xF4E8] =	vst.idx.msk $0xffff, v2  }
0x1cb: {  	v2 =	vld [tilespmem:s26+$0xE0];
	_ =	sdelay $0x4  }
0x1cc: {  	[tilespmem:v1+s29+$0x10168] =	vst.idx.msk $0xffff, v2  }
0x1cd: {  	v2 =	vld [tilespmem:s26+$0xF0];
	_ =	sdelay $0x4  }
0x1ce: {  	[tilespmem:v1+s29+$0x10DE8] =	vst.idx.msk $0xffff, v2  }
0x1cf: {  	v2 =	vld [tilespmem:s26+$0x100];
	_ =	sdelay $0x4  }
0x1d0: {  	[tilespmem:v1+s29+$0x11A68] =	vst.idx.msk $0xffff, v2  }
0x1d1: {  	v2 =	vld [tilespmem:s26+$0x110];
	_ =	sdelay $0x4  }
0x1d2: {  	[tilespmem:v1+s29+$0x126E8] =	vst.idx.msk $0xffff, v2  }
0x1d3: {  	v2 =	vld [tilespmem:s26+$0x120];
	_ =	sdelay $0x1  }
.Ltmp1:
0x1d4: {  	(pc) =	sbr.rel @p1 .LBB2_5-.Ltmp1, $3  }
0x1d5: {  	_ =	sdelay $0x1  }
0x1d6: {  	[tilespmem:v1+s29+$0x13368] =	vst.idx.msk $0xffff, v2  }
0x1d7: {  	v2 =	vld [tilespmem:s26+$0x130]  }
0x1d8: {  	s24 =	sor.u32 s5, s24  }
0x1d9: {  	s24 =	sshrl.u32 s24, $0x3  }
0x1da: {  	s26 =	sshll.u32 s21, $0x8;
	s24 =	smul.u32 $0x32000, s24  }
0x1db: {  	s26 =	sand.u32 $0x300, s26  }
0x1dc: {  	s26 =	sor.u32 s26, s24  }
0x1dd: {  	s26 =	sshrl.u32 s26, $0x3  }
0x1de: {  	[tilespmem:v1+s29+$0x13FE8] =	vst.idx.msk $0xffff, v2;
	s26 =	sadd.s32 s3, s26  }
0x1df: {  	[hbm4b:s26+s14] =	stream.strided.scatter [tilespmem:s16], [sflag:$0x3], $0x6400, s15, s14, $0x38;
	[tilespmem:$0x1B000] =	vst v63  }
0x1e0: {  	_ =	swait.ge [sflag:s11], $0x3200  }
0x1e1: {  	[sflag:s11] =	ssyncset.done $0x0  }
0x1e2: {  	s25 =	sadd.s32 $0x80, s25;
	s26 =	simm.s32 @!p0 $0x4;
	[sflag:s11] =	ssyncadd.s32 $0xFFFFCE00  }
0x1e3: {  	[tilespmem:s12], [sflag:$0x2] =	stream.indirect.gather [hbm4b:s2+s9], $0x80, s25, s9, $0xb8;
	[tilespmem:$0x1B000] =	vst v63  }
0x1e4: {  	_ =	swait.ge @!p0 [sflag:s26], $0x6400  }
0x1e5: {  	s25 =	simm.s32 $0x0;
	[sflag:s26] =	ssyncset.done @!p0 $0x0  }
0x1e6: {  	s28 =	sand.u32 $0x7, s25;
	[sflag:s26] =	ssyncadd.s32 @!p0 $0xFFFF9C00;
	s26 =	simm.s32 $0x8140  }
0x1e7: {  	v1 =	vor.u32 s28, v0;
	v2 =	vld [tilespmem:s26+$0xFFFFFEC0];
	_ =	sdelay $0x2  }
0x1e8: {  	s30 =	sand.u32 $0x78, s25  }
0x1e9: {  	s29 =	sor.u32 $0x14C00, s30  }
0x1ea: {  	[tilespmem:v1+s29+$0x0] =	vst.idx.msk $0xffff, v2  }
0x1eb: {  	v2 =	vld [tilespmem:s26+$0xFFFFFED0];
	_ =	sdelay $0x3  }
0x1ec: {  	s29 =	sor.u32 $0x15880, s30  }
0x1ed: {  	[tilespmem:v1+s29+$0x0] =	vst.idx.msk $0xffff, v2  }
0x1ee: {  	v2 =	vld [tilespmem:s26+$0xFFFFFEE0];
	_ =	sdelay $0x3  }
0x1ef: {  	s29 =	sor.u32 $0x16500, s30  }
0x1f0: {  	[tilespmem:v1+s29+$0x0] =	vst.idx.msk $0xffff, v2  }
0x1f1: {  	v2 =	vld [tilespmem:s26+$0xFFFFFEF0];
	_ =	sdelay $0x3  }
0x1f2: {  	s29 =	sor.u32 $0x17180, s30  }
0x1f3: {  	[tilespmem:v1+s29+$0x0] =	vst.idx.msk $0xffff, v2  }
0x1f4: {  	v2 =	vld [tilespmem:s26+$0xFFFFFF00];
	_ =	sdelay $0x3  }
0x1f5: {  	s29 =	sor.u32 $0x17E00, s30  }
0x1f6: {  	[tilespmem:v1+s29+$0x0] =	vst.idx.msk $0xffff, v2  }
0x1f7: {  	v2 =	vld [tilespmem:s26+$0xFFFFFF10];
	_ =	sdelay $0x3  }
0x1f8: {  	s29 =	sor.u32 $0x18A80, s30  }
0x1f9: {  	[tilespmem:v1+s29+$0x0] =	vst.idx.msk $0xffff, v2  }
0x1fa: {  	v2 =	vld [tilespmem:s26+$0xFFFFFF20];
	_ =	sdelay $0x3  }
0x1fb: {  	s29 =	sor.u32 $0x19700, s30  }
0x1fc: {  	[tilespmem:v1+s29+$0x0] =	vst.idx.msk $0xffff, v2  }
0x1fd: {  	v2 =	vld [tilespmem:s26+$0xFFFFFF30];
	_ =	sdelay $0x3  }
0x1fe: {  	s28 =	sor.u32 $0x1A380, s30;
	s29 =	simm.s32 $0x1  }
0x1ff: {  	s31 =	sand.u32 $0x7, s29;
	[tilespmem:v1+s28+$0x0] =	vst.idx.msk $0xffff, v2  }
0x200: {  	v1 =	vor.u32 s31, v0;
	v2 =	vld [tilespmem:s26+$0xFFFFFF40];
	_ =	sdelay $0x2  }
0x201: {  	s30 =	sand.u32 $0xF8, s29  }
0x202: {  	s29 =	sor.u32 $0x14C00, s30  }
0x203: {  	[tilespmem:v1+s29+$0x0] =	vst.idx.msk $0xffff, v2  }
0x204: {  	v2 =	vld [tilespmem:s26+$0xFFFFFF50];
	_ =	sdelay $0x4  }
0x205: {  	[tilespmem:v1+s30+$0x15880] =	vst.idx.msk $0xffff, v2  }
0x206: {  	v2 =	vld [tilespmem:s26+$0xFFFFFF60];
	_ =	sdelay $0x3  }
0x207: {  	s29 =	sor.u32 $0x16500, s30  }
0x208: {  	[tilespmem:v1+s29+$0x0] =	vst.idx.msk $0xffff, v2  }
0x209: {  	v2 =	vld [tilespmem:s26+$0xFFFFFF70];
	_ =	sdelay $0x4  }
0x20a: {  	[tilespmem:v1+s30+$0x17180] =	vst.idx.msk $0xffff, v2  }
0x20b: {  	v2 =	vld [tilespmem:s26+$0xFFFFFF80];
	_ =	sdelay $0x3  }
0x20c: {  	s29 =	sor.u32 $0x17E00, s30  }
0x20d: {  	[tilespmem:v1+s29+$0x0] =	vst.idx.msk $0xffff, v2  }
0x20e: {  	v2 =	vld [tilespmem:s26+$0xFFFFFF90];
	_ =	sdelay $0x4  }
0x20f: {  	[tilespmem:v1+s30+$0x18A80] =	vst.idx.msk $0xffff, v2  }
0x210: {  	v2 =	vld [tilespmem:s26+$0xFFFFFFA0];
	_ =	sdelay $0x3  }
0x211: {  	s29 =	sor.u32 $0x19700, s30  }
0x212: {  	[tilespmem:v1+s29+$0x0] =	vst.idx.msk $0xffff, v2  }
0x213: {  	v2 =	vld [tilespmem:s26+$0xFFFFFFB0];
	_ =	sdelay $0x3  }
0x214: {  	s29 =	simm.s32 $0x2  }
0x215: {  	s31 =	sand.u32 $0x7, s29;
	[tilespmem:v1+s30+$0x1A380] =	vst.idx.msk $0xffff, v2  }
0x216: {  	v1 =	vor.u32 s31, v0;
	v2 =	vld [tilespmem:s26+$0xFFFFFFC0];
	_ =	sdelay $0x2  }
0x217: {  	s30 =	sand.u32 $0xF8, s29  }
0x218: {  	s29 =	sor.u32 $0x14C00, s30  }
0x219: {  	[tilespmem:v1+s29+$0x0] =	vst.idx.msk $0xffff, v2  }
0x21a: {  	v2 =	vld [tilespmem:s26+$0xFFFFFFD0];
	_ =	sdelay $0x4  }
0x21b: {  	[tilespmem:v1+s30+$0x15880] =	vst.idx.msk $0xffff, v2  }
0x21c: {  	v2 =	vld [tilespmem:s26+$0xFFFFFFE0];
	_ =	sdelay $0x3  }
0x21d: {  	s29 =	sor.u32 $0x16500, s30  }
0x21e: {  	[tilespmem:v1+s29+$0x0] =	vst.idx.msk $0xffff, v2  }
0x21f: {  	v2 =	vld [tilespmem:s26+$0xFFFFFFF0];
	_ =	sdelay $0x4  }
0x220: {  	[tilespmem:v1+s30+$0x17180] =	vst.idx.msk $0xffff, v2  }
0x221: {  	v2 =	vld [tilespmem:s26+$0x0];
	_ =	sdelay $0x3  }
0x222: {  	s29 =	sor.u32 $0x17E00, s30  }
0x223: {  	[tilespmem:v1+s29+$0x0] =	vst.idx.msk $0xffff, v2  }
0x224: {  	v2 =	vld [tilespmem:s26+$0x10];
	_ =	sdelay $0x4  }
0x225: {  	[tilespmem:v1+s30+$0x18A80] =	vst.idx.msk $0xffff, v2  }
0x226: {  	v2 =	vld [tilespmem:s26+$0x20];
	_ =	sdelay $0x3  }
0x227: {  	s29 =	sor.u32 $0x19700, s30  }
0x228: {  	[tilespmem:v1+s29+$0x0] =	vst.idx.msk $0xffff, v2  }
0x229: {  	v2 =	vld [tilespmem:s26+$0x30];
	_ =	sdelay $0x3  }
0x22a: {  	s29 =	simm.s32 $0x3  }
0x22b: {  	s31 =	sand.u32 $0x7, s29;
	[tilespmem:v1+s30+$0x1A380] =	vst.idx.msk $0xffff, v2  }
0x22c: {  	v1 =	vor.u32 s31, v0;
	v2 =	vld [tilespmem:s26+$0x40];
	_ =	sdelay $0x2  }
0x22d: {  	s30 =	sand.u32 $0xF8, s29  }
0x22e: {  	s29 =	sor.u32 $0x14C00, s30  }
0x22f: {  	[tilespmem:v1+s29+$0x0] =	vst.idx.msk $0xffff, v2  }
0x230: {  	v2 =	vld [tilespmem:s26+$0x50];
	_ =	sdelay $0x4  }
0x231: {  	[tilespmem:v1+s30+$0x15880] =	vst.idx.msk $0xffff, v2  }
0x232: {  	v2 =	vld [tilespmem:s26+$0x60];
	_ =	sdelay $0x3  }
0x233: {  	s29 =	sor.u32 $0x16500, s30  }
0x234: {  	[tilespmem:v1+s29+$0x0] =	vst.idx.msk $0xffff, v2  }
0x235: {  	v2 =	vld [tilespmem:s26+$0x70];
	_ =	sdelay $0x4  }
0x236: {  	[tilespmem:v1+s30+$0x17180] =	vst.idx.msk $0xffff, v2  }
0x237: {  	v2 =	vld [tilespmem:s26+$0x80];
	_ =	sdelay $0x3  }
0x238: {  	s29 =	sor.u32 $0x17E00, s30  }
0x239: {  	[tilespmem:v1+s29+$0x0] =	vst.idx.msk $0xffff, v2  }
0x23a: {  	v2 =	vld [tilespmem:s26+$0x90];
	_ =	sdelay $0x4  }
0x23b: {  	[tilespmem:v1+s30+$0x18A80] =	vst.idx.msk $0xffff, v2  }
0x23c: {  	v2 =	vld [tilespmem:s26+$0xA0];
	_ =	sdelay $0x3  }
0x23d: {  	s29 =	sor.u32 $0x19700, s30  }
0x23e: {  	[tilespmem:v1+s29+$0x0] =	vst.idx.msk $0xffff, v2  }
0x23f: {  	v2 =	vld [tilespmem:s26+$0xB0];
	_ =	sdelay $0x3  }
0x240: {  	s29 =	simm.s32 $0x4  }
0x241: {  	s31 =	sand.u32 $0x7, s29;
	[tilespmem:v1+s30+$0x1A380] =	vst.idx.msk $0xffff, v2  }
0x242: {  	v1 =	vor.u32 s31, v0;
	v2 =	vld [tilespmem:s26+$0xC0];
	_ =	sdelay $0x2  }
0x243: {  	s29 =	sand.u32 $0xF8, s29  }
0x244: {  	s30 =	sor.u32 $0x14C00, s29  }
0x245: {  	[tilespmem:v1+s30+$0x0] =	vst.idx.msk $0xffff, v2  }
0x246: {  	v2 =	vld [tilespmem:s26+$0xD0];
	_ =	sdelay $0x4  }
0x247: {  	[tilespmem:v1+s29+$0x15880] =	vst.idx.msk $0xffff, v2  }
0x248: {  	v2 =	vld [tilespmem:s26+$0xE0];
	_ =	sdelay $0x3  }
0x249: {  	s31 =	sor.u32 $0x16500, s29  }
0x24a: {  	[tilespmem:v1+s31+$0x0] =	vst.idx.msk $0xffff, v2  }
0x24b: {  	v2 =	vld [tilespmem:s26+$0xF0];
	_ =	sdelay $0x4  }
0x24c: {  	[tilespmem:v1+s29+$0x17180] =	vst.idx.msk $0xffff, v2  }
0x24d: {  	v2 =	vld [tilespmem:s26+$0x100];
	_ =	sdelay $0x3  }
0x24e: {  	s30 =	sor.u32 $0x17E00, s29  }
0x24f: {  	[tilespmem:v1+s30+$0x0] =	vst.idx.msk $0xffff, v2  }
0x250: {  	v2 =	vld [tilespmem:s26+$0x110];
	_ =	sdelay $0x4  }
0x251: {  	[tilespmem:v1+s29+$0x18A80] =	vst.idx.msk $0xffff, v2  }
0x252: {  	v2 =	vld [tilespmem:s26+$0x120];
	_ =	sdelay $0x3  }
0x253: {  	s31 =	sor.u32 $0x19700, s29  }
0x254: {  	[tilespmem:v1+s31+$0x0] =	vst.idx.msk $0xffff, v2  }
0x255: {  	v2 =	vld [tilespmem:s26+$0x130]  }
.LBB2_7:
0x256: {  	_ =	sdelay $0x2  }
0x257: {  	s28 =	smov.u32 s25;
	s25 =	sadd.s32 $0x5, s25  }
0x258: {  	s26 =	sadd.s32 $0x280, s26;
	s30 =	sand.u32 $0x7, s25;
	p0 =	slt.u32 s25, $0x5F;
	[tilespmem:v1+s29+$0x1A380] =	vst.idx.msk $0xffff, v2  }
0x259: {  	v1 =	vor.u32 s30, v0;
	v2 =	vld [tilespmem:s26+$0xFFFFFEC0];
	_ =	sdelay $0x2  }
0x25a: {  	s29 =	sand.u32 $0x78, s25  }
0x25b: {  	s30 =	sor.u32 $0x14C00, s29  }
0x25c: {  	[tilespmem:v1+s30+$0x0] =	vst.idx.msk $0xffff, v2  }
0x25d: {  	v2 =	vld [tilespmem:s26+$0xFFFFFED0];
	_ =	sdelay $0x3  }
0x25e: {  	s30 =	sor.u32 $0x15880, s29  }
0x25f: {  	[tilespmem:v1+s30+$0x0] =	vst.idx.msk $0xffff, v2  }
0x260: {  	v2 =	vld [tilespmem:s26+$0xFFFFFEE0];
	_ =	sdelay $0x3  }
0x261: {  	s30 =	sor.u32 $0x16500, s29  }
0x262: {  	[tilespmem:v1+s30+$0x0] =	vst.idx.msk $0xffff, v2  }
0x263: {  	v2 =	vld [tilespmem:s26+$0xFFFFFEF0];
	_ =	sdelay $0x3  }
0x264: {  	s30 =	sor.u32 $0x17180, s29  }
0x265: {  	[tilespmem:v1+s30+$0x0] =	vst.idx.msk $0xffff, v2  }
0x266: {  	v2 =	vld [tilespmem:s26+$0xFFFFFF00];
	_ =	sdelay $0x3  }
0x267: {  	s30 =	sor.u32 $0x17E00, s29  }
0x268: {  	[tilespmem:v1+s30+$0x0] =	vst.idx.msk $0xffff, v2  }
0x269: {  	v2 =	vld [tilespmem:s26+$0xFFFFFF10];
	_ =	sdelay $0x3  }
0x26a: {  	s30 =	sor.u32 $0x18A80, s29  }
0x26b: {  	[tilespmem:v1+s30+$0x0] =	vst.idx.msk $0xffff, v2  }
0x26c: {  	v2 =	vld [tilespmem:s26+$0xFFFFFF20];
	_ =	sdelay $0x3  }
0x26d: {  	s30 =	sor.u32 $0x19700, s29  }
0x26e: {  	[tilespmem:v1+s30+$0x0] =	vst.idx.msk $0xffff, v2  }
0x26f: {  	v2 =	vld [tilespmem:s26+$0xFFFFFF30];
	_ =	sdelay $0x3  }
0x270: {  	s29 =	sor.u32 $0x1A380, s29;
	s30 =	sadd.s32 $0x6, s28  }
0x271: {  	[tilespmem:v1+s29+$0x0] =	vst.idx.msk $0xffff, v2;
	s29 =	sand.u32 $0x7, s30  }
0x272: {  	v1 =	vor.u32 s29, v0;
	v2 =	vld [tilespmem:s26+$0xFFFFFF40];
	_ =	sdelay $0x2  }
0x273: {  	s29 =	sand.u32 $0xF8, s30  }
0x274: {  	s30 =	sor.u32 $0x14C00, s29  }
0x275: {  	[tilespmem:v1+s30+$0x0] =	vst.idx.msk $0xffff, v2  }
0x276: {  	v2 =	vld [tilespmem:s26+$0xFFFFFF50];
	_ =	sdelay $0x4  }
0x277: {  	[tilespmem:v1+s29+$0x15880] =	vst.idx.msk $0xffff, v2  }
0x278: {  	v2 =	vld [tilespmem:s26+$0xFFFFFF60];
	_ =	sdelay $0x3  }
0x279: {  	s30 =	sor.u32 $0x16500, s29  }
0x27a: {  	[tilespmem:v1+s30+$0x0] =	vst.idx.msk $0xffff, v2  }
0x27b: {  	v2 =	vld [tilespmem:s26+$0xFFFFFF70];
	_ =	sdelay $0x4  }
0x27c: {  	[tilespmem:v1+s29+$0x17180] =	vst.idx.msk $0xffff, v2  }
0x27d: {  	v2 =	vld [tilespmem:s26+$0xFFFFFF80];
	_ =	sdelay $0x3  }
0x27e: {  	s30 =	sor.u32 $0x17E00, s29  }
0x27f: {  	[tilespmem:v1+s30+$0x0] =	vst.idx.msk $0xffff, v2  }
0x280: {  	v2 =	vld [tilespmem:s26+$0xFFFFFF90];
	_ =	sdelay $0x4  }
0x281: {  	[tilespmem:v1+s29+$0x18A80] =	vst.idx.msk $0xffff, v2  }
0x282: {  	v2 =	vld [tilespmem:s26+$0xFFFFFFA0];
	_ =	sdelay $0x3  }
0x283: {  	s30 =	sor.u32 $0x19700, s29  }
0x284: {  	[tilespmem:v1+s30+$0x0] =	vst.idx.msk $0xffff, v2  }
0x285: {  	v2 =	vld [tilespmem:s26+$0xFFFFFFB0];
	_ =	sdelay $0x3  }
0x286: {  	s30 =	sadd.s32 $0x7, s28  }
0x287: {  	[tilespmem:v1+s29+$0x1A380] =	vst.idx.msk $0xffff, v2;
	s29 =	sand.u32 $0x7, s30  }
0x288: {  	v1 =	vor.u32 s29, v0;
	v2 =	vld [tilespmem:s26+$0xFFFFFFC0];
	_ =	sdelay $0x2  }
0x289: {  	s29 =	sand.u32 $0xF8, s30  }
0x28a: {  	s30 =	sor.u32 $0x14C00, s29  }
0x28b: {  	[tilespmem:v1+s30+$0x0] =	vst.idx.msk $0xffff, v2  }
0x28c: {  	v2 =	vld [tilespmem:s26+$0xFFFFFFD0];
	_ =	sdelay $0x4  }
0x28d: {  	[tilespmem:v1+s29+$0x15880] =	vst.idx.msk $0xffff, v2  }
0x28e: {  	v2 =	vld [tilespmem:s26+$0xFFFFFFE0];
	_ =	sdelay $0x3  }
0x28f: {  	s30 =	sor.u32 $0x16500, s29  }
0x290: {  	[tilespmem:v1+s30+$0x0] =	vst.idx.msk $0xffff, v2  }
0x291: {  	v2 =	vld [tilespmem:s26+$0xFFFFFFF0];
	_ =	sdelay $0x4  }
0x292: {  	[tilespmem:v1+s29+$0x17180] =	vst.idx.msk $0xffff, v2  }
0x293: {  	v2 =	vld [tilespmem:s26+$0x0];
	_ =	sdelay $0x3  }
0x294: {  	s30 =	sor.u32 $0x17E00, s29  }
0x295: {  	[tilespmem:v1+s30+$0x0] =	vst.idx.msk $0xffff, v2  }
0x296: {  	v2 =	vld [tilespmem:s26+$0x10];
	_ =	sdelay $0x4  }
0x297: {  	[tilespmem:v1+s29+$0x18A80] =	vst.idx.msk $0xffff, v2  }
0x298: {  	v2 =	vld [tilespmem:s26+$0x20];
	_ =	sdelay $0x3  }
0x299: {  	s30 =	sor.u32 $0x19700, s29  }
0x29a: {  	[tilespmem:v1+s30+$0x0] =	vst.idx.msk $0xffff, v2  }
0x29b: {  	v2 =	vld [tilespmem:s26+$0x30];
	_ =	sdelay $0x3  }
0x29c: {  	s30 =	sadd.s32 $0x8, s28  }
0x29d: {  	[tilespmem:v1+s29+$0x1A380] =	vst.idx.msk $0xffff, v2;
	s29 =	sand.u32 $0x7, s30  }
0x29e: {  	v1 =	vor.u32 s29, v0;
	v2 =	vld [tilespmem:s26+$0x40];
	_ =	sdelay $0x2  }
0x29f: {  	s29 =	sand.u32 $0xF8, s30  }
0x2a0: {  	s30 =	sor.u32 $0x14C00, s29  }
0x2a1: {  	[tilespmem:v1+s30+$0x0] =	vst.idx.msk $0xffff, v2  }
0x2a2: {  	v2 =	vld [tilespmem:s26+$0x50];
	_ =	sdelay $0x4  }
0x2a3: {  	[tilespmem:v1+s29+$0x15880] =	vst.idx.msk $0xffff, v2  }
0x2a4: {  	v2 =	vld [tilespmem:s26+$0x60];
	_ =	sdelay $0x3  }
0x2a5: {  	s30 =	sor.u32 $0x16500, s29  }
0x2a6: {  	[tilespmem:v1+s30+$0x0] =	vst.idx.msk $0xffff, v2  }
0x2a7: {  	v2 =	vld [tilespmem:s26+$0x70];
	_ =	sdelay $0x4  }
0x2a8: {  	[tilespmem:v1+s29+$0x17180] =	vst.idx.msk $0xffff, v2  }
0x2a9: {  	v2 =	vld [tilespmem:s26+$0x80];
	_ =	sdelay $0x3  }
0x2aa: {  	s30 =	sor.u32 $0x17E00, s29  }
0x2ab: {  	[tilespmem:v1+s30+$0x0] =	vst.idx.msk $0xffff, v2  }
0x2ac: {  	v2 =	vld [tilespmem:s26+$0x90];
	_ =	sdelay $0x4  }
0x2ad: {  	[tilespmem:v1+s29+$0x18A80] =	vst.idx.msk $0xffff, v2  }
0x2ae: {  	v2 =	vld [tilespmem:s26+$0xA0];
	_ =	sdelay $0x3  }
0x2af: {  	s30 =	sor.u32 $0x19700, s29  }
0x2b0: {  	[tilespmem:v1+s30+$0x0] =	vst.idx.msk $0xffff, v2  }
0x2b1: {  	v2 =	vld [tilespmem:s26+$0xB0];
	_ =	sdelay $0x3  }
0x2b2: {  	s28 =	sadd.s32 $0x9, s28  }
0x2b3: {  	[tilespmem:v1+s29+$0x1A380] =	vst.idx.msk $0xffff, v2;
	s29 =	sand.u32 $0x7, s28  }
0x2b4: {  	v1 =	vor.u32 s29, v0;
	v2 =	vld [tilespmem:s26+$0xC0];
	_ =	sdelay $0x2  }
0x2b5: {  	s29 =	sand.u32 $0xF8, s28  }
0x2b6: {  	s28 =	sor.u32 $0x14C00, s29  }
0x2b7: {  	[tilespmem:v1+s28+$0x0] =	vst.idx.msk $0xffff, v2  }
0x2b8: {  	v2 =	vld [tilespmem:s26+$0xD0];
	_ =	sdelay $0x4  }
0x2b9: {  	[tilespmem:v1+s29+$0x15880] =	vst.idx.msk $0xffff, v2  }
0x2ba: {  	v2 =	vld [tilespmem:s26+$0xE0];
	_ =	sdelay $0x3  }
0x2bb: {  	s28 =	sor.u32 $0x16500, s29  }
0x2bc: {  	[tilespmem:v1+s28+$0x0] =	vst.idx.msk $0xffff, v2  }
0x2bd: {  	v2 =	vld [tilespmem:s26+$0xF0];
	_ =	sdelay $0x4  }
0x2be: {  	[tilespmem:v1+s29+$0x17180] =	vst.idx.msk $0xffff, v2  }
0x2bf: {  	v2 =	vld [tilespmem:s26+$0x100];
	_ =	sdelay $0x3  }
0x2c0: {  	s28 =	sor.u32 $0x17E00, s29  }
0x2c1: {  	[tilespmem:v1+s28+$0x0] =	vst.idx.msk $0xffff, v2  }
0x2c2: {  	v2 =	vld [tilespmem:s26+$0x110];
	_ =	sdelay $0x4  }
0x2c3: {  	[tilespmem:v1+s29+$0x18A80] =	vst.idx.msk $0xffff, v2  }
0x2c4: {  	v2 =	vld [tilespmem:s26+$0x120];
	_ =	sdelay $0x1  }
.Ltmp2:
0x2c5: {  	(pc) =	sbr.rel @p0 .LBB2_7-.Ltmp2, $4  }
0x2c6: {  	_ = 	snop  }
0x2c7: {  	s28 =	sor.u32 $0x19700, s29  }
0x2c8: {  	[tilespmem:v1+s28+$0x0] =	vst.idx.msk $0xffff, v2  }
0x2c9: {  	v2 =	vld [tilespmem:s26+$0x130]  }
0x2ca: {  	_ =	sdelay $0x3  }
0x2cb: {  	[tilespmem:v1+s29+$0x1A380] =	vst.idx.msk $0xffff, v2  }
0x2cc: {  	p0 =	seq.s32 s21, $0x3F;
	_ =	swait.ge [sflag:s13], $0x3200  }
0x2cd: {  	s23 =	sadd.s32 @!p0 $0x200, s23;
	s25 =	simm.s32 @!p0 $0x64;
	[sflag:s13] =	ssyncset.done $0x0  }
0x2ce: {  	s26 =	simm.s32 @!p0 $0x8000;
	s29 =	simm.s32 $0x64;
	[sflag:s13] =	ssyncadd.s32 $0xFFFFCE00  }
0x2cf: {  	[tilespmem:s26], [sflag:$0x1] =	stream.indirect.gather @!p0 [hbm4b:s2+s25], $0x80, s23, s25, $0xb8;
	[tilespmem:$0x1B000] =	vst v63  }
0x2d0: {  	s30 =	sand.u32 $0x7, s29;
	s23 =	simm.s32 $0xB540  }
0x2d1: {  	v1 =	vor.u32 s30, v0;
	v2 =	vld [tilespmem:s23+$0xFFFFFEC0];
	_ =	sdelay $0x2  }
0x2d2: {  	s25 =	sand.u32 $0xF8, s29  }
0x2d3: {  	s31 =	sor.u32 $0x14C00, s25  }
0x2d4: {  	[tilespmem:v1+s31+$0x0] =	vst.idx.msk $0xffff, v2  }
0x2d5: {  	v2 =	vld [tilespmem:s23+$0xFFFFFED0];
	_ =	sdelay $0x4  }
0x2d6: {  	[tilespmem:v1+s25+$0x15880] =	vst.idx.msk $0xffff, v2  }
0x2d7: {  	v2 =	vld [tilespmem:s23+$0xFFFFFEE0];
	_ =	sdelay $0x3  }
0x2d8: {  	s28 =	sor.u32 $0x16500, s25  }
0x2d9: {  	[tilespmem:v1+s28+$0x0] =	vst.idx.msk $0xffff, v2  }
0x2da: {  	v2 =	vld [tilespmem:s23+$0xFFFFFEF0];
	_ =	sdelay $0x4  }
0x2db: {  	[tilespmem:v1+s25+$0x17180] =	vst.idx.msk $0xffff, v2  }
0x2dc: {  	v2 =	vld [tilespmem:s23+$0xFFFFFF00];
	_ =	sdelay $0x3  }
0x2dd: {  	s29 =	sor.u32 $0x17E00, s25  }
0x2de: {  	[tilespmem:v1+s29+$0x0] =	vst.idx.msk $0xffff, v2  }
0x2df: {  	v2 =	vld [tilespmem:s23+$0xFFFFFF10];
	_ =	sdelay $0x4  }
0x2e0: {  	[tilespmem:v1+s25+$0x18A80] =	vst.idx.msk $0xffff, v2  }
0x2e1: {  	v2 =	vld [tilespmem:s23+$0xFFFFFF20];
	_ =	sdelay $0x3  }
0x2e2: {  	s30 =	sor.u32 $0x19700, s25  }
0x2e3: {  	[tilespmem:v1+s30+$0x0] =	vst.idx.msk $0xffff, v2  }
0x2e4: {  	v2 =	vld [tilespmem:s23+$0xFFFFFF30];
	_ =	sdelay $0x3  }
0x2e5: {  	s31 =	simm.s32 $0x65  }
0x2e6: {  	s28 =	sand.u32 $0x7, s31;
	[tilespmem:v1+s25+$0x1A380] =	vst.idx.msk $0xffff, v2  }
0x2e7: {  	v1 =	vor.u32 s28, v0;
	v2 =	vld [tilespmem:s23+$0xFFFFFF40];
	_ =	sdelay $0x2  }
0x2e8: {  	s25 =	sand.u32 $0xF8, s31  }
0x2e9: {  	s26 =	sor.u32 $0x14C00, s25  }
0x2ea: {  	[tilespmem:v1+s26+$0x0] =	vst.idx.msk $0xffff, v2  }
0x2eb: {  	v2 =	vld [tilespmem:s23+$0xFFFFFF50];
	_ =	sdelay $0x4  }
0x2ec: {  	[tilespmem:v1+s25+$0x15880] =	vst.idx.msk $0xffff, v2  }
0x2ed: {  	v2 =	vld [tilespmem:s23+$0xFFFFFF60];
	_ =	sdelay $0x3  }
0x2ee: {  	s29 =	sor.u32 $0x16500, s25  }
0x2ef: {  	[tilespmem:v1+s29+$0x0] =	vst.idx.msk $0xffff, v2  }
0x2f0: {  	v2 =	vld [tilespmem:s23+$0xFFFFFF70];
	_ =	sdelay $0x4  }
0x2f1: {  	[tilespmem:v1+s25+$0x17180] =	vst.idx.msk $0xffff, v2  }
0x2f2: {  	v2 =	vld [tilespmem:s23+$0xFFFFFF80];
	_ =	sdelay $0x3  }
0x2f3: {  	s30 =	sor.u32 $0x17E00, s25  }
0x2f4: {  	[tilespmem:v1+s30+$0x0] =	vst.idx.msk $0xffff, v2  }
0x2f5: {  	v2 =	vld [tilespmem:s23+$0xFFFFFF90];
	_ =	sdelay $0x4  }
0x2f6: {  	[tilespmem:v1+s25+$0x18A80] =	vst.idx.msk $0xffff, v2  }
0x2f7: {  	v2 =	vld [tilespmem:s23+$0xFFFFFFA0];
	_ =	sdelay $0x3  }
0x2f8: {  	s31 =	sor.u32 $0x19700, s25  }
0x2f9: {  	[tilespmem:v1+s31+$0x0] =	vst.idx.msk $0xffff, v2  }
0x2fa: {  	v2 =	vld [tilespmem:s23+$0xFFFFFFB0];
	_ =	sdelay $0x3  }
0x2fb: {  	s28 =	simm.s32 $0x66  }
0x2fc: {  	s29 =	sand.u32 $0x7, s28;
	[tilespmem:v1+s25+$0x1A380] =	vst.idx.msk $0xffff, v2  }
0x2fd: {  	v1 =	vor.u32 s29, v0;
	v2 =	vld [tilespmem:s23+$0xFFFFFFC0];
	_ =	sdelay $0x2  }
0x2fe: {  	s25 =	sand.u32 $0xF8, s28  }
0x2ff: {  	s26 =	sor.u32 $0x14C00, s25  }
0x300: {  	[tilespmem:v1+s26+$0x0] =	vst.idx.msk $0xffff, v2  }
0x301: {  	v2 =	vld [tilespmem:s23+$0xFFFFFFD0];
	_ =	sdelay $0x4  }
0x302: {  	[tilespmem:v1+s25+$0x15880] =	vst.idx.msk $0xffff, v2  }
0x303: {  	v2 =	vld [tilespmem:s23+$0xFFFFFFE0];
	_ =	sdelay $0x3  }
0x304: {  	s30 =	sor.u32 $0x16500, s25  }
0x305: {  	[tilespmem:v1+s30+$0x0] =	vst.idx.msk $0xffff, v2  }
0x306: {  	v2 =	vld [tilespmem:s23+$0xFFFFFFF0];
	_ =	sdelay $0x4  }
0x307: {  	[tilespmem:v1+s25+$0x17180] =	vst.idx.msk $0xffff, v2  }
0x308: {  	v2 =	vld [tilespmem:s23+$0x0];
	_ =	sdelay $0x3  }
0x309: {  	s31 =	sor.u32 $0x17E00, s25  }
0x30a: {  	[tilespmem:v1+s31+$0x0] =	vst.idx.msk $0xffff, v2  }
0x30b: {  	v2 =	vld [tilespmem:s23+$0x10];
	_ =	sdelay $0x4  }
0x30c: {  	[tilespmem:v1+s25+$0x18A80] =	vst.idx.msk $0xffff, v2  }
0x30d: {  	v2 =	vld [tilespmem:s23+$0x20];
	_ =	sdelay $0x3  }
0x30e: {  	s28 =	sor.u32 $0x19700, s25  }
0x30f: {  	[tilespmem:v1+s28+$0x0] =	vst.idx.msk $0xffff, v2  }
0x310: {  	v2 =	vld [tilespmem:s23+$0x30];
	_ =	sdelay $0x3  }
0x311: {  	s29 =	simm.s32 $0x67  }
0x312: {  	s30 =	sand.u32 $0x7, s29;
	[tilespmem:v1+s25+$0x1A380] =	vst.idx.msk $0xffff, v2  }
0x313: {  	v1 =	vor.u32 s30, v0;
	v2 =	vld [tilespmem:s23+$0x40];
	_ =	sdelay $0x2  }
0x314: {  	s26 =	sand.u32 $0xF8, s29  }
0x315: {  	s31 =	sor.u32 $0x14C00, s26  }
0x316: {  	[tilespmem:v1+s31+$0x0] =	vst.idx.msk $0xffff, v2  }
0x317: {  	v2 =	vld [tilespmem:s23+$0x50];
	_ =	sdelay $0x4  }
0x318: {  	[tilespmem:v1+s26+$0x15880] =	vst.idx.msk $0xffff, v2  }
0x319: {  	v2 =	vld [tilespmem:s23+$0x60];
	_ =	sdelay $0x3  }
0x31a: {  	s28 =	sor.u32 $0x16500, s26  }
0x31b: {  	[tilespmem:v1+s28+$0x0] =	vst.idx.msk $0xffff, v2  }
0x31c: {  	v2 =	vld [tilespmem:s23+$0x70];
	_ =	sdelay $0x4  }
0x31d: {  	[tilespmem:v1+s26+$0x17180] =	vst.idx.msk $0xffff, v2  }
0x31e: {  	v2 =	vld [tilespmem:s23+$0x80];
	_ =	sdelay $0x3  }
0x31f: {  	s29 =	sor.u32 $0x17E00, s26  }
0x320: {  	[tilespmem:v1+s29+$0x0] =	vst.idx.msk $0xffff, v2  }
0x321: {  	v2 =	vld [tilespmem:s23+$0x90];
	_ =	sdelay $0x4  }
0x322: {  	[tilespmem:v1+s26+$0x18A80] =	vst.idx.msk $0xffff, v2  }
0x323: {  	v2 =	vld [tilespmem:s23+$0xA0];
	_ =	sdelay $0x3  }
0x324: {  	s30 =	sor.u32 $0x19700, s26  }
0x325: {  	[tilespmem:v1+s30+$0x0] =	vst.idx.msk $0xffff, v2  }
0x326: {  	v2 =	vld [tilespmem:s23+$0xB0];
	_ =	sdelay $0x3  }
0x327: {  	s25 =	simm.s32 $0x0  }
0x328: {  	s31 =	sand.u32 $0x7, s25;
	[tilespmem:v1+s26+$0x1A380] =	vst.idx.msk $0xffff, v2  }
0x329: {  	v1 =	vor.u32 s31, v0;
	v2 =	vld [tilespmem:s23+$0xC0];
	_ =	sdelay $0x3  }
0x32a: {  	s26 =	sand.u32 $0x78, s25  }
0x32b: {  	[tilespmem:v1+s26+$0x14C68] =	vst.idx.msk $0xffff, v2  }
0x32c: {  	v2 =	vld [tilespmem:s23+$0xD0];
	_ =	sdelay $0x4  }
0x32d: {  	[tilespmem:v1+s26+$0x158E8] =	vst.idx.msk $0xffff, v2  }
0x32e: {  	v2 =	vld [tilespmem:s23+$0xE0];
	_ =	sdelay $0x4  }
0x32f: {  	[tilespmem:v1+s26+$0x16568] =	vst.idx.msk $0xffff, v2  }
0x330: {  	v2 =	vld [tilespmem:s23+$0xF0];
	_ =	sdelay $0x4  }
0x331: {  	[tilespmem:v1+s26+$0x171E8] =	vst.idx.msk $0xffff, v2  }
0x332: {  	v2 =	vld [tilespmem:s23+$0x100];
	_ =	sdelay $0x4  }
0x333: {  	[tilespmem:v1+s26+$0x17E68] =	vst.idx.msk $0xffff, v2  }
0x334: {  	v2 =	vld [tilespmem:s23+$0x110];
	_ =	sdelay $0x4  }
0x335: {  	[tilespmem:v1+s26+$0x18AE8] =	vst.idx.msk $0xffff, v2  }
0x336: {  	v2 =	vld [tilespmem:s23+$0x120];
	_ =	sdelay $0x4  }
0x337: {  	[tilespmem:v1+s26+$0x19768] =	vst.idx.msk $0xffff, v2  }
0x338: {  	v2 =	vld [tilespmem:s23+$0x130]  }
.LBB2_9:
0x339: {  	_ =	sdelay $0x2  }
0x33a: {  	s28 =	sadd.s32 $0x69, s25  }
0x33b: {  	s23 =	sadd.s32 $0x280, s23;
	s29 =	sand.u32 $0x7, s28;
	[tilespmem:v1+s26+$0x1A3E8] =	vst.idx.msk $0xffff, v2  }
0x33c: {  	v1 =	vor.u32 s29, v0;
	v2 =	vld [tilespmem:s23+$0xFFFFFEC0];
	_ =	sdelay $0x2  }
0x33d: {  	s26 =	sand.u32 $0xF8, s28  }
0x33e: {  	s28 =	sor.u32 $0x14C00, s26  }
0x33f: {  	[tilespmem:v1+s28+$0x0] =	vst.idx.msk $0xffff, v2  }
0x340: {  	v2 =	vld [tilespmem:s23+$0xFFFFFED0];
	_ =	sdelay $0x4  }
0x341: {  	[tilespmem:v1+s26+$0x15880] =	vst.idx.msk $0xffff, v2  }
0x342: {  	v2 =	vld [tilespmem:s23+$0xFFFFFEE0];
	_ =	sdelay $0x3  }
0x343: {  	s28 =	sor.u32 $0x16500, s26  }
0x344: {  	[tilespmem:v1+s28+$0x0] =	vst.idx.msk $0xffff, v2  }
0x345: {  	v2 =	vld [tilespmem:s23+$0xFFFFFEF0];
	_ =	sdelay $0x4  }
0x346: {  	[tilespmem:v1+s26+$0x17180] =	vst.idx.msk $0xffff, v2  }
0x347: {  	v2 =	vld [tilespmem:s23+$0xFFFFFF00];
	_ =	sdelay $0x3  }
0x348: {  	s28 =	sor.u32 $0x17E00, s26  }
0x349: {  	[tilespmem:v1+s28+$0x0] =	vst.idx.msk $0xffff, v2  }
0x34a: {  	v2 =	vld [tilespmem:s23+$0xFFFFFF10];
	_ =	sdelay $0x4  }
0x34b: {  	[tilespmem:v1+s26+$0x18A80] =	vst.idx.msk $0xffff, v2  }
0x34c: {  	v2 =	vld [tilespmem:s23+$0xFFFFFF20];
	_ =	sdelay $0x3  }
0x34d: {  	s28 =	sor.u32 $0x19700, s26  }
0x34e: {  	[tilespmem:v1+s28+$0x0] =	vst.idx.msk $0xffff, v2  }
0x34f: {  	v2 =	vld [tilespmem:s23+$0xFFFFFF30];
	_ =	sdelay $0x3  }
0x350: {  	s28 =	sadd.s32 $0x6A, s25  }
0x351: {  	[tilespmem:v1+s26+$0x1A380] =	vst.idx.msk $0xffff, v2;
	s26 =	sand.u32 $0x7, s28  }
0x352: {  	v1 =	vor.u32 s26, v0;
	v2 =	vld [tilespmem:s23+$0xFFFFFF40];
	_ =	sdelay $0x2  }
0x353: {  	s26 =	sand.u32 $0xF8, s28  }
0x354: {  	s28 =	sor.u32 $0x14C00, s26  }
0x355: {  	[tilespmem:v1+s28+$0x0] =	vst.idx.msk $0xffff, v2  }
0x356: {  	v2 =	vld [tilespmem:s23+$0xFFFFFF50];
	_ =	sdelay $0x4  }
0x357: {  	[tilespmem:v1+s26+$0x15880] =	vst.idx.msk $0xffff, v2  }
0x358: {  	v2 =	vld [tilespmem:s23+$0xFFFFFF60];
	_ =	sdelay $0x3  }
0x359: {  	s28 =	sor.u32 $0x16500, s26  }
0x35a: {  	[tilespmem:v1+s28+$0x0] =	vst.idx.msk $0xffff, v2  }
0x35b: {  	v2 =	vld [tilespmem:s23+$0xFFFFFF70];
	_ =	sdelay $0x4  }
0x35c: {  	[tilespmem:v1+s26+$0x17180] =	vst.idx.msk $0xffff, v2  }
0x35d: {  	v2 =	vld [tilespmem:s23+$0xFFFFFF80];
	_ =	sdelay $0x3  }
0x35e: {  	s28 =	sor.u32 $0x17E00, s26  }
0x35f: {  	[tilespmem:v1+s28+$0x0] =	vst.idx.msk $0xffff, v2  }
0x360: {  	v2 =	vld [tilespmem:s23+$0xFFFFFF90];
	_ =	sdelay $0x4  }
0x361: {  	[tilespmem:v1+s26+$0x18A80] =	vst.idx.msk $0xffff, v2  }
0x362: {  	v2 =	vld [tilespmem:s23+$0xFFFFFFA0];
	_ =	sdelay $0x3  }
0x363: {  	s28 =	sor.u32 $0x19700, s26  }
0x364: {  	[tilespmem:v1+s28+$0x0] =	vst.idx.msk $0xffff, v2  }
0x365: {  	v2 =	vld [tilespmem:s23+$0xFFFFFFB0];
	_ =	sdelay $0x3  }
0x366: {  	s28 =	sadd.s32 $0x6B, s25  }
0x367: {  	[tilespmem:v1+s26+$0x1A380] =	vst.idx.msk $0xffff, v2;
	s26 =	sand.u32 $0x7, s28  }
0x368: {  	v1 =	vor.u32 s26, v0;
	v2 =	vld [tilespmem:s23+$0xFFFFFFC0];
	_ =	sdelay $0x2  }
0x369: {  	s26 =	sand.u32 $0xF8, s28  }
0x36a: {  	s28 =	sor.u32 $0x14C00, s26  }
0x36b: {  	[tilespmem:v1+s28+$0x0] =	vst.idx.msk $0xffff, v2  }
0x36c: {  	v2 =	vld [tilespmem:s23+$0xFFFFFFD0];
	_ =	sdelay $0x4  }
0x36d: {  	[tilespmem:v1+s26+$0x15880] =	vst.idx.msk $0xffff, v2  }
0x36e: {  	v2 =	vld [tilespmem:s23+$0xFFFFFFE0];
	_ =	sdelay $0x3  }
0x36f: {  	s28 =	sor.u32 $0x16500, s26  }
0x370: {  	[tilespmem:v1+s28+$0x0] =	vst.idx.msk $0xffff, v2  }
0x371: {  	v2 =	vld [tilespmem:s23+$0xFFFFFFF0];
	_ =	sdelay $0x4  }
0x372: {  	[tilespmem:v1+s26+$0x17180] =	vst.idx.msk $0xffff, v2  }
0x373: {  	v2 =	vld [tilespmem:s23+$0x0];
	_ =	sdelay $0x3  }
0x374: {  	s28 =	sor.u32 $0x17E00, s26  }
0x375: {  	[tilespmem:v1+s28+$0x0] =	vst.idx.msk $0xffff, v2  }
0x376: {  	v2 =	vld [tilespmem:s23+$0x10];
	_ =	sdelay $0x4  }
0x377: {  	[tilespmem:v1+s26+$0x18A80] =	vst.idx.msk $0xffff, v2  }
0x378: {  	v2 =	vld [tilespmem:s23+$0x20];
	_ =	sdelay $0x3  }
0x379: {  	s28 =	sor.u32 $0x19700, s26  }
0x37a: {  	[tilespmem:v1+s28+$0x0] =	vst.idx.msk $0xffff, v2  }
0x37b: {  	v2 =	vld [tilespmem:s23+$0x30];
	_ =	sdelay $0x3  }
0x37c: {  	s28 =	sadd.s32 $0x6C, s25  }
0x37d: {  	[tilespmem:v1+s26+$0x1A380] =	vst.idx.msk $0xffff, v2;
	s26 =	sand.u32 $0x7, s28  }
0x37e: {  	v1 =	vor.u32 s26, v0;
	v2 =	vld [tilespmem:s23+$0x40];
	_ =	sdelay $0x2  }
0x37f: {  	s26 =	sand.u32 $0xF8, s28  }
0x380: {  	s28 =	sor.u32 $0x14C00, s26  }
0x381: {  	[tilespmem:v1+s28+$0x0] =	vst.idx.msk $0xffff, v2  }
0x382: {  	v2 =	vld [tilespmem:s23+$0x50];
	_ =	sdelay $0x4  }
0x383: {  	[tilespmem:v1+s26+$0x15880] =	vst.idx.msk $0xffff, v2  }
0x384: {  	v2 =	vld [tilespmem:s23+$0x60];
	_ =	sdelay $0x3  }
0x385: {  	s28 =	sor.u32 $0x16500, s26  }
0x386: {  	[tilespmem:v1+s28+$0x0] =	vst.idx.msk $0xffff, v2  }
0x387: {  	v2 =	vld [tilespmem:s23+$0x70];
	_ =	sdelay $0x4  }
0x388: {  	[tilespmem:v1+s26+$0x17180] =	vst.idx.msk $0xffff, v2  }
0x389: {  	v2 =	vld [tilespmem:s23+$0x80];
	_ =	sdelay $0x3  }
0x38a: {  	s28 =	sor.u32 $0x17E00, s26  }
0x38b: {  	[tilespmem:v1+s28+$0x0] =	vst.idx.msk $0xffff, v2  }
0x38c: {  	v2 =	vld [tilespmem:s23+$0x90];
	_ =	sdelay $0x4  }
0x38d: {  	[tilespmem:v1+s26+$0x18A80] =	vst.idx.msk $0xffff, v2  }
0x38e: {  	v2 =	vld [tilespmem:s23+$0xA0];
	_ =	sdelay $0x3  }
0x38f: {  	s28 =	sor.u32 $0x19700, s26  }
0x390: {  	[tilespmem:v1+s28+$0x0] =	vst.idx.msk $0xffff, v2  }
0x391: {  	v2 =	vld [tilespmem:s23+$0xB0];
	_ =	sdelay $0x3  }
0x392: {  	s25 =	sadd.s32 $0x5, s25  }
0x393: {  	p0 =	slt.u32 s25, $0x5F;
	[tilespmem:v1+s26+$0x1A380] =	vst.idx.msk $0xffff, v2;
	s26 =	sand.u32 $0x7, s25  }
0x394: {  	v1 =	vor.u32 s26, v0;
	v2 =	vld [tilespmem:s23+$0xC0];
	_ =	sdelay $0x3  }
0x395: {  	s26 =	sand.u32 $0x78, s25  }
0x396: {  	[tilespmem:v1+s26+$0x14C68] =	vst.idx.msk $0xffff, v2  }
0x397: {  	v2 =	vld [tilespmem:s23+$0xD0];
	_ =	sdelay $0x4  }
0x398: {  	[tilespmem:v1+s26+$0x158E8] =	vst.idx.msk $0xffff, v2  }
0x399: {  	v2 =	vld [tilespmem:s23+$0xE0];
	_ =	sdelay $0x4  }
0x39a: {  	[tilespmem:v1+s26+$0x16568] =	vst.idx.msk $0xffff, v2  }
0x39b: {  	v2 =	vld [tilespmem:s23+$0xF0];
	_ =	sdelay $0x4  }
0x39c: {  	[tilespmem:v1+s26+$0x171E8] =	vst.idx.msk $0xffff, v2  }
0x39d: {  	v2 =	vld [tilespmem:s23+$0x100];
	_ =	sdelay $0x4  }
0x39e: {  	[tilespmem:v1+s26+$0x17E68] =	vst.idx.msk $0xffff, v2  }
0x39f: {  	v2 =	vld [tilespmem:s23+$0x110];
	_ =	sdelay $0x4  }
0x3a0: {  	[tilespmem:v1+s26+$0x18AE8] =	vst.idx.msk $0xffff, v2  }
0x3a1: {  	v2 =	vld [tilespmem:s23+$0x120];
	_ =	sdelay $0x1  }
.Ltmp3:
0x3a2: {  	(pc) =	sbr.rel @p0 .LBB2_9-.Ltmp3, $3  }
0x3a3: {  	_ =	sdelay $0x1  }
0x3a4: {  	[tilespmem:v1+s26+$0x19768] =	vst.idx.msk $0xffff, v2  }
0x3a5: {  	v2 =	vld [tilespmem:s23+$0x130]  }
0x3a6: {  	s21 =	sadd.s32 $0x1, s21  }
0x3a7: {  	s22 =	sshll.u32 s22, $0x7;
	p0 =	sne.s32 s21, $0x40  }
.Ltmp4:
0x3a8: {  	s22 =	sand.u32 $0x380, s22;
	(pc) =	sbr.rel @p0 .LBB2_2-.Ltmp4, $4  }
0x3a9: {  	s22 =	sor.u32 s22, s24  }
0x3aa: {  	s22 =	sshrl.u32 s22, $0x3  }
0x3ab: {  	[tilespmem:v1+s26+$0x1A3E8] =	vst.idx.msk $0xffff, v2;
	s22 =	sadd.s32 s3, s22  }
0x3ac: {  	[hbm4b:s22+s14] =	stream.strided.scatter [tilespmem:s17], [sflag:$0x4], $0x6400, s15, s14, $0x38;
	[tilespmem:$0x1B000] =	vst v63  }
0x3ad: {  	s20 =	sadd.s32 $0x1, s20  }
0x3ae: {  	_ =	swait.ge [sflag:s18], $0x6400;
	p0 =	sne.s32 s20, s7  }
.Ltmp5:
0x3af: {  	[sflag:s18] =	ssyncset.done $0x0;
	(pc) =	sbr.rel @p0 .LBB2_1-.Ltmp5, $4  }
0x3b0: {  	[sflag:s18] =	ssyncadd.s32 $0xFFFF9C00  }
0x3b1: {  	_ =	swait.ge [sflag:s19], $0x6400  }
0x3b2: {  	[sflag:s19] =	ssyncset.done $0x0  }
0x3b3: {  	[sflag:s19] =	ssyncadd.s32 $0xFFFF9C00  }
0x3b4: {  	_ =	sfence.sel $0x180000  }
0x3b5: {  	[bflag:$0x0] =	sbarrier.arrive $0xFFFF  }
0x3b6: {  	p0 =	sne.s32 s1, $0x0;
	_ =	strace $0x90000047  }
0x3b7: {  	s0 =	sadd.s32 @!p0 $0x100000, s0;
	[bflag:$0x2] =	sbarrier.arrive $0xFFFF  }
0x3b8: {  	[sflag:s0] =	ssyncadd.tile.s32 @!p0 $0x1;
	_ =	shalt  }
.Lfunc_end2:
_tile_overlayer_lowered:
.L_overlay_start_2:
0x3b9: {  	(tag) =	ssettag $0x2  }
0x3ba: {  	s0 =	rddreg [dreg:$0x0];
	s2 =	stileid.u32  }
0x3bb: {  	s1 =	rddreg [dreg:$0x1];
	p0 =	sne.s32 s2, $0x0  }
0x3bc: {  	s3 =	rddreg [dreg:$0x2];
	[bflag:$0x3] =	sbarrier.arrive $0xFFFF;
	s2 =	simm.s32 @!p0 $0x1C05  }
0x3bd: {  	[timem:s3], [sflag:s2] =	dma.local @!p0 [hbm:s0], s1  }
0x3be: {  	s0 =	simm.s32 @!p0 $0x5  }
0x3bf: {  	_ =	swait.ge @!p0 [sflag:s0], s1  }
0x3c0: {  	s1 =	ssub.s32 @!p0 $0x0, s1;
	[sflag:s0] =	ssyncset.done @!p0 $0x0  }
0x3c1: {  	[sflag:s0] =	ssyncadd.s32 @!p0 s1  }
0x3c2: {  	[bflag:$0x3] =	sbarrier.arrive $0xFFFF  }
0x3c3: {  	_ =	shalt  }

// kernel: sparse-core-data-format-call.cloned.1.call-start
scs
called_computation_lowered:
.L_overlay_start_0:
0x0: {  	s2 =	sld [smem:$0x3FD9]  }
0x1: {  	s3 =	sld [smem:$0x3FFE];
	_ =	sdelay $0x1  }
0x2: {  	s1 =	srdreg.scid  }
0x3: {  	s0 =	sand.u32 $0x1, s1  }
0x4: {  	s18 =	sshll.u32 s0, $0xA;
	s2 =	sadd.s32 s3, s2  }
0x5: {  	s2 =	sadd.s32 s2, s18  }
0x6: {  	[smem:$0x3FC6] =	sst s2  }
0x7: {  	_ = 	snop  }
0x8: {  	s2 =	sld [smem:$0x3FD0];
	(tm) =	ssettm $0x1  }
0x9: {  	s19 =	sld [smem:$0x3FFB];
	_ =	sdelay $0x3  }
0xa: {  	_ =	strace s19  }
0xb: {  	s3 =	sld [smem:$0x3FFC];
	_ =	sdelay $0x3  }
0xc: {  	_ =	strace s3  }
0xd: {  	s3 =	sld [smem:$0x3FFD];
	_ =	sdelay $0x3  }
0xe: {  	_ =	strace s3  }
0xf: {  	_ =	strace $0x8FFFFFFF  }
0x10: {  	s20 =	sld [smem:$0x3FDB];
	_ =	sdelay $0x1  }
0x11: {  	s4 =	simm.s32 $_scs_section_size  }
0x12: {  	s5 =	simm.s32 $_size__tile_overlayer_lowered;
	s6 =	simm.s32 $_tile_overlayer_lowered  }
0x13: {  	s23 =	simm.s32 $0x1BFF;
	s22 =	sshll.u32 s6, $0x1;
	s3 =	sadd.s32 s4, s20  }
0x14: {  	s7 =	simm.s32 $0x0;
	s21 =	sshll.u32 s5, $0x1;
	s5 =	sadd.s32 s22, s3  }
0x15: {  	[timem:s7], [sflag:s23] =	dma.local [hbm:s5], s21  }
0x16: {  	_ =	swait.ge [sflag:s23], s21  }
0x17: {  	s4 =	ssub.s32 $0x0, s21;
	[sflag:s23] =	ssyncset.done $0x0  }
0x18: {  	[sflag:s23] =	ssyncadd.s32 s4;
	_ =	sdelay $0x1  }
0x19: {  	s24 =	simm.s32 $0x1B8B  }
0x1a: {  	_ =	swait.ge [sflag:s24], $0x1  }
0x1b: {  	[sflag:s24] =	ssyncset.done $0x0  }
0x1c: {  	s26 =	simm.s32 $0x1B8E;
	s25 =	sld [smem:$0x3FFE];
	[sflag:s24] =	ssyncadd.s32 $0xFFFFFFFF  }
0x1d: {  	s27 =	simm.s32 $execute0_lowered;
	[smem:$0x3FD2] =	sst s26  }
0x1e: {  	s5 =	sshll.u32 s27, $0x1;
	_ =	strace $0x80000049;
	[dreg:$0x1] =	wrdreg $0xFFFFFFFF  }
0x1f: {  	s28 =	simm.s32 $_size_execute0_lowered;
	s3 =	sadd.s32 s3, s5;
	[dreg:$0x0] =	wrdreg $0x0  }
0x20: {  	s5 =	sshll.u32 s28, $0x1;
	[dreg:$0x2] =	wrdreg s3  }
0x21: {  	[dreg:$0x3] =	wrdreg s5  }
0x22: {  	[dreg:$0x4] =	wrdreg $0xC0  }
0x23: {  	_ =	task [dreg:s7], $0x5FFFF  }
0x24: {  	[dreg:$0x1] =	wrdreg $0xFFFFFFFF  }
0x25: {  	[dreg:$0x0] =	wrdreg $0x60  }
0x26: {  	[dreg:$0x2] =	wrdreg s25  }
0x27: {  	[dreg:$0x3] =	wrdreg s2  }
0x28: {  	[dreg:$0x4] =	wrdreg $0x9  }
0x29: {  	_ =	task.clear_ibuf [dreg:s7], $0x5FFFF;
	_ =	strace $0x90000049  }
0x2a: {  	s29 =	simm.s32 $0x9;
	_ =	strace $0x8000004B  }
0x2b: {  	_ =	swait.ge [sflag:s29], $0x1  }
0x2c: {  	[sflag:s29] =	ssyncadd.s32 $0xFFFFFFFF  }
0x2d: {  	_ =	strace $0x9000004B  }
0x2e: {  	_ =	sfence  }
0x2f: {  	s30 =	sld [smem:$0x0];
	_ =	sdelay $0x2  }
0x30: {  	s31 =	sshll.u32 s1, $0xD;
	s1 =	sshrl.u32 s1, $0x2  }
0x31: {  	s3 =	sand.u32 $0x4000, s31;
	s1 =	sadd.s32 s1, s30  }
0x32: {  	s0 =	sor.u32 s3, s0;
	s1 =	sshll.u32 s1, $0x11  }
0x33: {  	s0 =	sor.u32 s1, s0  }
0x34: {  	s0 =	sadd.s32 $0x8F2B, s0  }
0x35: {  	[sflag:s0] =	ssyncadd.remote.s32 $0x1  }
0x36: {  	_ =	sfence.sel $0xFFFF  }
0x37: {  	[dreg:$0x0] =	wrdreg $0xFFFFFFFF;
	(pc) =	sbr.abs _section_cstart, $3  }
0x38: {  	[dreg:$0x1] =	wrdreg $0xFFFFFFFF  }
0x39: {  	_ =	task.clear_ibuf [dreg:s7], $0x2FFFF;
	_ =	strace $0x9FFFFFFF  }
0x3a: {  	(tm) =	ssettm $0x7FFFFFFF  }
0x3b: {  	_ =	shalt  }
tec
execute0_lowered:
.L_overlay_start_1:
0x0: {  	(tag) =	ssettag $0x1  }
0x1: {  	s0 =	srdreg.scid  }
0x2: {  	s1 =	sshll.u32 s0, $0x4  }
0x3: {  	s7 =	rddreg [dreg:$0x0];
	s0 =	stileid.u32;
	s1 =	sand.u32 $0x10, s1  }
0x4: {  	s3 =	rddreg [dreg:$0x1];
	s8 =	simm.s32 $0x1;
	s6 =	sor.u32 s0, s1  }
0x5: {  	s31 =	simm.s32 $0x2;
	s15 =	simm.s32 $0x0;
	s2 =	sshll.u32 s6, $0x7  }
0x6: {  	s10 =	simm.s32 $0x6400;
	s16 =	simm.s32 $0x0;
	s5 =	ssub.s32 $0x1000, s2  }
0x7: {  	s14 =	simm.s32 $0x0;
	s11 =	simm.s32 $0x0;
	s4 =	sand.u32 $0xF80, s5  }
0x8: {  	s12 =	simm.s32 $0x0;
	s13 =	simm.s32 $0x0;
	p0 =	sne.s32 s4, $0x0  }
.Ltmp0:
0x9: {  	s5 =	sshrl.u32 s5, $0xC;
	s8 =	simm.s32 @!p0 $0x0;
	(pc) =	sbr.rel .LBB1_1-.Ltmp0, $4  }
0xa: {  	s7 =	sadd.s32 $0x800, s7;
	s1 =	rddreg [dreg:$0x2];
	s5 =	sadd.s32 s8, s5  }
0xb: {  	_ =	strace $0x8000004A;
	s4 =	simm.s32 $0x1;
	s5 =	smul.u32 $0xC8, s5  }
0xc: {  	s6 =	sshll.u32 s6, $0xA;
	[sflag:s4] =	ssyncpa.u1 $0x0;
	p0 =	por $0x0, $0x0  }
0xd: {  	[sflag:s31] =	ssyncpa.u1 $0x0;
	s8 =	sand.u32 $0xC00, s6;
	s9 =	sor.u32 $0x1, s5  }
.LBB1_4:
0xe: {  	v5 =	vld [tilespmem:s20+$0xFFFFFFD0];
	[tilespmem:s19+$0x2040 ss:$0x81] =	vst.msk $0xffff, v4;
	s16 =	sshll.u32 s16, $0x7;
	s22 =	sshll.u32 s14, $0x3  }
0xf: {  	v58 =	vld [tilespmem:s20+$0xFFFFFFE0];
	[tilespmem:s19+$0x2850 ss:$0x81] =	vst.msk $0xffff, v3;
	s23 =	sand.u32 $0xFFFFFC00, s16;
	s22 =	sand.u32 $0xFFFFFC00, s22  }
0x10: {  	s21 =	sshra.s32 s21, $0x2;
	v59 =	vld [tilespmem:s20+$0xFFFFFFF0];
	[tilespmem:s19+$0x3060 ss:$0x81] =	vst.msk $0xffff, v2;
	s16 =	sand.u32 $0x380, s16;
	s22 =	sadd.s32 s22, s23  }
0x11: {  	v60 =	vld [tilespmem:s20+$0x0];
	[tilespmem:s19+$0x0 ss:$0x81] =	vst.msk $0xffff, v0;
	s18 =	sadd.s32 s21, s18;
	s16 =	sor.u32 s16, s22  }
0x12: {  	v61 =	vld [tilespmem:s20+$0x10];
	[tilespmem:s18+$0x3870 ss:$0x81] =	vst.msk $0xffff, v1;
	s16 =	sshrl.u32 s16, $0x7  }
0x13: {  	v62 =	vld [tilespmem:s20+$0x20];
	[tilespmem:s18+$0x810 ss:$0x81] =	vst.msk $0xffff, v5;
	s28 =	smulhi.u32 $0x147AE15, s16  }
0x14: {  	v63 =	vld [tilespmem:s20+$0xFFFFFFC0];
	[tilespmem:s18+$0x1020 ss:$0x81] =	vst.msk $0xffff, v58  }
0x15: {  	s29 =	sshrl.u32 s14, $0x3;
	[tilespmem:s18+$0x1830 ss:$0x81] =	vst.msk $0xffff, v59;
	s19 =	smul.u32 $0xC8, s28  }
0x16: {  	s15 =	smul.u32 $0xC80, s15;
	s20 =	sand.u32 $0xF, s29;
	[tilespmem:s18+$0x2040 ss:$0x81] =	vst.msk $0xffff, v60  }
0x17: {  	s31 =	sand.u32 $0x7, s14;
	s30 =	sadd.s32 s3, s20;
	[tilespmem:s18+$0x2850 ss:$0x81] =	vst.msk $0xffff, v61;
	s16 =	ssub.s32 s16, s19  }
0x18: {  	s14 =	sshll.u32 s31, $0x12;
	s15 =	sadd.s32 s15, s30;
	[tilespmem:s18+$0x3060 ss:$0x81] =	vst.msk $0xffff, v62;
	s16 =	sshll.u32 s16, $0x4  }
0x19: {  	s14 =	sor.u32 $0x80, s14;
	[tilespmem:s18+$0x0 ss:$0x81] =	vst.msk $0xffff, v63;
	s15 =	sadd.s32 s16, s15  }
0x1a: {  	[hbm4b:s15+s14] =	stream.strided.scatter [tilespmem:s17], [sflag:$0x2], $0x4000, s10, s14, $0x20;
	[tilespmem:$0x10100] =	vst v63  }
.LBB1_5:
0x1b: {  	s17 =	sadd.s32 $0x1, s11  }
0x1c: {  	s14 =	sadd.s32 $0x80, s12;
	s18 =	smov.u32 s12;
	p2 =	sgt.s32 s17, $0xC7  }
0x1d: {  	s18 =	smov.u32 @p2 s14  }
0x1e: {  	s17 =	simm.s32 @p2 $0x0;
	p2 =	sgt.s32 s18, $0x7F  }
0x1f: {  	s18 =	simm.s32 @p2 $0x0;
	p2 =	sne.s32 s13, s9  }
.Ltmp1:
0x20: {  	p1 =	slt.u32 s13, $0x2;
	(pc) =	sbr.rel @!p2 .LBB1_6-.Ltmp1, $4  }
0x21: {  	s16 =	smov.u32 s11;
	s15 =	simm.s32 @!p1 $0x2  }
0x22: {  	p0 =	por !p0, !p0;
	_ =	swait.ge @!p1 [sflag:s15], $0x4000;
	s14 =	smov.u32 s12  }
0x23: {  	[sflag:s15] =	ssyncset.done @!p1 $0x0;
	s11 =	smov.u32 s17;
	s13 =	sadd.s32 $0x1, s13  }
0x24: {  	[sflag:s15] =	ssyncadd.s32 @!p1 $0xFFFFC000;
	s15 =	smov.u32 s2;
	s12 =	smov.u32 s18  }
.LBB1_1:
0x25: {  	p1 =	sge.u32 s13, s5  }
0x26: {  	s17 =	sshll.u32 @!p1 s11, $0xC  }
0x27: {  	s17 =	sand.u32 @!p1 $0xFFFF8000, s17  }
0x28: {  	s17 =	sor.u32 @!p1 s6, s17  }
0x29: {  	s17 =	sshrl.u32 @!p1 s17, $0xC  }
0x2a: {  	s19 =	sshll.u32 @!p1 s11, $0x7;
	s18 =	smulhi.u32 @!p1 $0x147AE15, s17  }
0x2b: {  	s20 =	smul.u32 @!p1 $0x19000, s12;
	s19 =	sand.u32 @!p1 $0x380, s19  }
0x2c: {  	s19 =	sor.u32 @!p1 s8, s19;
	s18 =	smul.u32 @!p1 $0xC8, s18  }
0x2d: {  	s31 =	sadd.s32 $0xFFFFFFFF, s13;
	s20 =	sadd.s32 @!p1 s7, s20;
	s19 =	sshrl.u32 @!p1 s19, $0x3  }
0x2e: {  	s19 =	sadd.s32 @!p1 s19, s20;
	s17 =	ssub.s32 @!p1 s17, s18;
	s18 =	sxor.u32 @!p1 $0xFFFFFFFF, s13  }
0x2f: {  	s20 =	simm.s32 @!p1 $0xC8000;
	s18 =	sshll.u32 @!p1 s18, $0xE;
	s17 =	sshll.u32 @!p1 s17, $0x9  }
0x30: {  	s18 =	sand.u32 @!p1 $0x4000, s18;
	s17 =	sadd.s32 @!p1 s17, s19;
	s19 =	simm.s32 @!p1 $0x80  }
0x31: {  	[tilespmem:s18], [sflag:$0x1] =	stream.strided.gather @!p1 [hbm4b:s17+s19], $0x4000, s20, s19, $0x38;
	[tilespmem:$0x10100] =	vst v63  }
0x32: {  	p1 =	sge.u32 s31, s5  }
.Ltmp2:
0x33: {  	_ = 	snop;
	(pc) =	sbr.rel @p1 .LBB1_5-.Ltmp2, $1  }
0x34: {  	_ =	sdelay $0x3  }
0x35: {  	s17 =	simm.s32 $0x1  }
0x36: {  	_ =	swait.ge [sflag:s4], $0x4000;
	s17 =	simm.s32 @!p0 $0x0  }
0x37: {  	[sflag:s4] =	ssyncset.done $0x0;
	s18 =	sshll.u32 s17, $0xE  }
0x38: {  	[sflag:s4] =	ssyncadd.s32 $0xFFFFC000;
	s20 =	sor.u32 $0x40, s18  }
0x39: {  	s17 =	smul.u32 $0x10200, s17;
	v0 =	vld [tilespmem:s20+$0x30]  }
0x3a: {  	v1 =	vld [tilespmem:s20+$0xFFFFFFD0]  }
0x3b: {  	s17 =	sshrl.u32 s17, $0x2;
	v5 =	vld [tilespmem:s20+$0xFFFFFFE0]  }
0x3c: {  	v6 =	vld [tilespmem:s20+$0xFFFFFFF0];
	s18 =	sor.u32 $0x8000, s17  }
0x3d: {  	s31 =	sand.u32 $0x1, s13;
	v4 =	vld [tilespmem:s20+$0x0];
	s19 =	sadd.s32 $0x0, s18  }
0x3e: {  	v3 =	vld [tilespmem:s20+$0x10];
	s17 =	smul.u32 $0x10200, s31;
	[tilespmem:s19+$0x3870 ss:$0x81] =	vst.msk $0xffff, v0  }
0x3f: {  	v2 =	vld [tilespmem:s20+$0x20];
	[tilespmem:s19+$0x810 ss:$0x81] =	vst.msk $0xffff, v1  }
0x40: {  	s17 =	sshrl.u32 s17, $0x2;
	v0 =	vld [tilespmem:s20+$0xFFFFFFC0];
	[tilespmem:s19+$0x1020 ss:$0x81] =	vst.msk $0xffff, v5;
	s20 =	sadd.s32 $0x80, s20  }
0x41: {  	s21 =	simm.s32 $0x4;
	s22 =	simm.s32 $0x8;
	s17 =	sor.u32 $0x8000, s17;
	[tilespmem:s19+$0x1830 ss:$0x81] =	vst.msk $0xffff, v6;
	v1 =	vld [tilespmem:s20+$0x30]  }
.LBB1_3:
0x42: {  	p1 =	sne.s32 s22, $0x1FC;
	v5 =	vld [tilespmem:s20+$0xFFFFFFD0];
	[tilespmem:s19+$0x2040 ss:$0x81] =	vst.msk $0xffff, v4  }
0x43: {  	v6 =	vld [tilespmem:s20+$0xFFFFFFE0];
	[tilespmem:s19+$0x2850 ss:$0x81] =	vst.msk $0xffff, v3  }
0x44: {  	s23 =	sshra.s32 s21, $0x2;
	s21 =	smov.u32 s22;
	v7 =	vld [tilespmem:s20+$0xFFFFFFF0];
	[tilespmem:s19+$0x3060 ss:$0x81] =	vst.msk $0xffff, v2  }
.Ltmp3:
0x45: {  	v4 =	vld [tilespmem:s20+$0x0];
	[tilespmem:s19+$0x0 ss:$0x81] =	vst.msk $0xffff, v0;
	s19 =	sadd.s32 s23, s18;
	(pc) =	sbr.rel @p1 .LBB1_3-.Ltmp3, $4  }
0x46: {  	v3 =	vld [tilespmem:s20+$0x10];
	[tilespmem:s19+$0x3870 ss:$0x81] =	vst.msk $0xffff, v1  }
0x47: {  	[tilespmem:s19+$0x810 ss:$0x81] =	vst.msk $0xffff, v5;
	v2 =	vld [tilespmem:s20+$0x20]  }
0x48: {  	v0 =	vld [tilespmem:s20+$0xFFFFFFC0];
	[tilespmem:s19+$0x1020 ss:$0x81] =	vst.msk $0xffff, v6;
	s20 =	sadd.s32 $0x80, s20  }
0x49: {  	s22 =	sadd.s32 $0x4, s22;
	v1 =	vld [tilespmem:s20+$0x30];
	[tilespmem:s19+$0x1830 ss:$0x81] =	vst.msk $0xffff, v7  }
.Ltmp4:
0x4a: {  	_ = 	snop;
	(pc) =	sbr.rel .LBB1_4-.Ltmp4, $1  }
0x4b: {  	_ =	sdelay $0x3  }
.LBB1_6:
0x4c: {  	_ =	sfence.sel $0x180000  }
0x4d: {  	s2 =	simm.s32 $0x1;
	[bflag:$0x0] =	sbarrier.arrive $0xFFFF  }
0x4e: {  	s31 =	simm.s32 $0x2;
	[sflag:s2] =	ssyncpa.u1 $0x1  }
0x4f: {  	[sflag:s31] =	ssyncpa.u1 $0x1  }
0x50: {  	p0 =	sne.s32 s0, $0x0;
	_ =	strace $0x9000004A  }
0x51: {  	s0 =	sadd.s32 @!p0 $0x100000, s1;
	[bflag:$0x2] =	sbarrier.arrive $0xFFFF  }
0x52: {  	[sflag:s0] =	ssyncadd.tile.s32 @!p0 $0x1;
	_ =	shalt  }
.Lfunc_end1:
_tile_overlayer_lowered:
.L_overlay_start_2:
0x53: {  	(tag) =	ssettag $0x2  }
0x54: {  	s0 =	rddreg [dreg:$0x0];
	s2 =	stileid.u32  }
0x55: {  	s1 =	rddreg [dreg:$0x1];
	p0 =	sne.s32 s2, $0x0  }
0x56: {  	s3 =	rddreg [dreg:$0x2];
	[bflag:$0x3] =	sbarrier.arrive $0xFFFF;
	s2 =	simm.s32 @!p0 $0x1C01  }
0x57: {  	[timem:s3], [sflag:s2] =	dma.local @!p0 [hbm:s0], s1  }
0x58: {  	s0 =	simm.s32 @!p0 $0x1  }
0x59: {  	_ =	swait.ge @!p0 [sflag:s0], s1  }
0x5a: {  	s1 =	ssub.s32 @!p0 $0x0, s1;
	[sflag:s0] =	ssyncset.done @!p0 $0x0  }
0x5b: {  	[sflag:s0] =	ssyncadd.s32 @!p0 s1  }
0x5c: {  	[bflag:$0x3] =	sbarrier.arrive $0xFFFF  }
0x5d: {  	_ =	shalt  }

</sc_bundles>
